<compile_context>
chip_gen: v7x
topology: tpu7x:2x2x1
jax: 0.10.2.dev20260603
libtpu: 0.0.44.dev20260713+nightly
codegen_flags: <defaults>
</compile_context>

<pallas_src>
import functools

import jax
import jax.numpy as jnp
from jax import lax
from jax.experimental import pallas as pl
from jax.experimental.pallas import tpu as pltpu
from jax.experimental.pallas import tpu_sc as plsc

N = 10000
E = 320000
D = 128
ED = 16
H1 = 5
H2 = 1
G = 64

NPAD = 10240
NW = 32
EW = E // NW
LANES = 16
HIGHEST = lax.Precision.HIGHEST



def _tc_node_proj(w_ref, b_ref, x_ref, out_ref):
    out = lax.dot_general(w_ref[...], x_ref[...], (((0,), (1,)), ((), ())),
                          preferred_element_type=jnp.float32, precision=HIGHEST)
    out_ref[...] = out + b_ref[...]


def _node_proj(x_pad, Wcat, bcat):
    return pl.pallas_call(
        _tc_node_proj,
        out_shape=jax.ShapeDtypeStruct((24, NPAD), jnp.float32),
    )(Wcat, bcat, x_pad)



BLK_E = 12800


def _tc_edge_proj(w_ref, b_ref, ea_ref, *out_refs):
    out = lax.dot_general(w_ref[...], ea_ref[...], (((0,), (0,)), ((), ())),
                          preferred_element_type=jnp.float32, precision=HIGHEST)
    out = out + b_ref[...]
    i = pl.program_id(0)
    for c, ref in enumerate(out_refs):
        ref[pl.ds(i * BLK_E, BLK_E)] = out[c]


def _edge_proj(Wecat, becat, ea_t):
    grid = (E // BLK_E,)
    return pl.pallas_call(
        _tc_edge_proj,
        grid=grid,
        in_specs=[
            pl.BlockSpec((ED, 6), lambda i: (0, 0)),
            pl.BlockSpec((6, 1), lambda i: (0, 0)),
            pl.BlockSpec((ED, BLK_E), lambda i: (0, i)),
        ],
        out_specs=[pl.BlockSpec((E,), lambda i: (0,))] * 6,
        out_shape=[jax.ShapeDtypeStruct((E,), jnp.float32)] * 6,
    )(Wecat, becat, ea_t)



@functools.lru_cache(maxsize=None)
def _sc_mesh():
    return plsc.VectorSubcoreMesh(core_axis_name="c", subcore_axis_name="s",
                                  num_cores=2, num_subcores=16)


def _sc_edge_pass(nch, ch_rows, e_list, kqv_hbm, ei_hbm, out_hbm,
                  idx_v, ktab0, qtab0, vtab0, e_v0,
                  ktab1, qtab1, vtab1, e_v1, agg,
                  sem_idx, sem_a, sem_b):
    wid = lax.axis_index("s") * 2 + lax.axis_index("c")
    base = wid * EW
    cp_i = pltpu.async_copy(ei_hbm.at[pl.ds(base, EW)], idx_v, sem_idx)
    kr, qr, vr = ch_rows
    sems = (sem_a, sem_b)
    bufs = ((ktab0, qtab0, vtab0, e_v0), (ktab1, qtab1, vtab1, e_v1))

    def start_tables(c, b):
        kt, qt, vt, ev = bufs[b]
        return [
            pltpu.async_copy(kqv_hbm.at[pl.ds((kr + c) * NPAD, NPAD)],
                             kt, sems[b]),
            pltpu.async_copy(kqv_hbm.at[pl.ds((qr + c) * NPAD, NPAD)],
                             qt, sems[b]),
            pltpu.async_copy(kqv_hbm.at[pl.ds((vr + c) * NPAD, NPAD)],
                             vt, sems[b]),
            pltpu.async_copy(e_list[c].at[pl.ds(base, EW)], ev, sems[b]),
        ]

    pending = start_tables(0, 0)
    cp_i.wait()
    zero = jnp.zeros((LANES,), jnp.float32)
    for c in range(nch):
        b = c & 1
        for cp in pending:
            cp.wait()
        if c + 1 < nch:
            pending = start_tables(c + 1, 1 - b)

        def zbody(i, _):
            for u in range(8):
                agg[pl.ds((i * 8 + u) * LANES, LANES)] = zero
            return 0
        lax.fori_loop(0, NPAD // (8 * LANES), zbody, 0)

        kt, qt, vt, evb = bufs[b]

        @plsc.parallel_loop(0, EW // LANES, 1, unroll=10)
        def _(i):
            off = i * LANES
            pk = idx_v[pl.ds(off, LANES)]
            didx = pk & 0xFFFF
            sidx = lax.shift_right_logical(pk, 16)
            kd = plsc.load_gather(kt, [didx])
            qs = plsc.load_gather(qt, [sidx])
            vs = plsc.load_gather(vt, [sidx])
            ev = evb[pl.ds(off, LANES)]
            z = kd + qs + ev
            g = 1.0 / (1.0 + jnp.exp(-z))
            plsc.addupdate_scatter(agg, [didx], g * vs)

        pltpu.sync_copy(agg, out_hbm.at[pl.ds((c * NW + wid) * NPAD, NPAD)])


def _sc_scratch():
    return [
        pltpu.VMEM((EW,), jnp.int32),
        pltpu.VMEM((NPAD,), jnp.float32),
        pltpu.VMEM((NPAD,), jnp.float32),
        pltpu.VMEM((NPAD,), jnp.float32),
        pltpu.VMEM((EW,), jnp.float32),
        pltpu.VMEM((NPAD,), jnp.float32),
        pltpu.VMEM((NPAD,), jnp.float32),
        pltpu.VMEM((NPAD,), jnp.float32),
        pltpu.VMEM((EW,), jnp.float32),
        pltpu.VMEM((NPAD,), jnp.float32),
        pltpu.SemaphoreType.DMA,
        pltpu.SemaphoreType.DMA,
        pltpu.SemaphoreType.DMA,
    ]


@functools.lru_cache(maxsize=None)
def _sc_conv1():
    @functools.partial(
        pl.kernel,
        out_type=jax.ShapeDtypeStruct((H1 * NW * NPAD,), jnp.float32),
        mesh=_sc_mesh(),
        scratch_types=_sc_scratch(),
        compiler_params=pltpu.CompilerParams(needs_layout_passes=False),
    )
    def body(kqv_hbm, e0, e1, e2, e3, e4, ei_hbm, out_hbm, *scratch):
        _sc_edge_pass(H1, (0, 5, 10), (e0, e1, e2, e3, e4), kqv_hbm,
                      ei_hbm, out_hbm, *scratch)
    return body


@functools.lru_cache(maxsize=None)
def _sc_conv2():
    @functools.partial(
        pl.kernel,
        out_type=jax.ShapeDtypeStruct((NW * NPAD,), jnp.float32),
        mesh=_sc_mesh(),
        scratch_types=_sc_scratch(),
        compiler_params=pltpu.CompilerParams(needs_layout_passes=False),
    )
    def body(kqv_hbm, e5, ei_hbm, out_hbm, *scratch):
        _sc_edge_pass(1, (0, 1, 2), (e5,), kqv_hbm, ei_hbm, out_hbm,
                      *scratch)
    return body



def _tc_norm(parts_ref, kqv_ref, batch_ref, gw_ref, gb_ref, gms_ref,
             w2_ref, b2_ref, out_ref):
    rows = parts_ref[...]
    hs = []
    for c in range(H1):
        agg_c = jnp.sum(rows[c * NW:(c + 1) * NW, :], axis=0, keepdims=True)
        hs.append(agg_c + kqv_ref[15 + c:16 + c, :])
    h = jnp.concatenate(hs, axis=0)

    bcol = batch_ref[...]
    seg = lax.broadcasted_iota(jnp.int32, (NPAD, G), 1)
    m = jnp.where(bcol == seg, 1.0, 0.0)
    stack11 = jnp.concatenate([h, h * h, jnp.ones((1, NPAD), jnp.float32)],
                              axis=0)
    s11 = lax.dot_general(stack11, m, (((1,), (0,)), ((), ())),
                          preferred_element_type=jnp.float32, precision=HIGHEST)
    cnt = jnp.maximum(s11[2 * H1:2 * H1 + 1], 1.0)
    mean = s11[0:H1] / cnt
    msq = s11[H1:2 * H1] / cnt
    gms = gms_ref[...]
    var = msq - (2.0 * gms - gms * gms) * mean * mean
    std = jnp.sqrt(var + 1e-5)
    a = gw_ref[...] / std
    bco = gb_ref[...] - gw_ref[...] * gms * mean / std
    ab = jnp.concatenate([a, bco], axis=0)
    ab_x = lax.dot_general(ab, m, (((1,), (1,)), ((), ())),
                           preferred_element_type=jnp.float32, precision=HIGHEST)
    normed = ab_x[0:H1] * h + ab_x[H1:2 * H1]
    h2 = jnp.maximum(normed, 0.0)
    rows4 = lax.dot_general(w2_ref[...], h2, (((0,), (0,)), ((), ())),
                            preferred_element_type=jnp.float32, precision=HIGHEST)
    out_ref[...] = rows4 + b2_ref[...]


def _norm_stage(parts1_2d, kqv_cm, batch2d, gw, gb, gms, W2cat, b2cat):
    return pl.pallas_call(
        _tc_norm,
        out_shape=jax.ShapeDtypeStruct((4, NPAD), jnp.float32),
    )(parts1_2d, kqv_cm, batch2d, gw, gb, gms, W2cat, b2cat)



def _tc_final(parts_ref, kqvs_ref, out_ref):
    s = jnp.sum(parts_ref[...], axis=0, keepdims=True)
    z = s + kqvs_ref[3:4, :]
    out_ref[...] = 1.0 / (1.0 + jnp.exp(-z))


def _final_stage(parts2, kqvs2):
    return pl.pallas_call(
        _tc_final,
        out_shape=jax.ShapeDtypeStruct((1, NPAD), jnp.float32),
    )(parts2, kqvs2)



def kernel(x, edge_index, edge_attr, batch_idx, Wk1, bk1, Wq1, bq1, Wv1, bv1,
           We1, be1, Ws1, b1, gw, gb, gms, Wk2, bk2, Wq2, bq2, Wv2, bv2,
           We2, be2, Ws2, b2):
    x_pad = jnp.pad(x, ((0, NPAD - N), (0, 0)))
    Wcat = jnp.concatenate(
        [Wk1, Wq1, Wv1, Ws1, jnp.zeros((D, 4), jnp.float32)], axis=1)
    bcat = jnp.concatenate(
        [bk1, bq1, bv1, b1, jnp.zeros((4,), jnp.float32)])[:, None]
    kqv_cm = _node_proj(x_pad, Wcat, bcat)

    Wecat = jnp.concatenate([We1, We2], axis=1)
    becat = jnp.concatenate([be1, be2])[:, None]
    e_ch = _edge_proj(Wecat, becat, edge_attr.T)

    kqv_flat = kqv_cm.reshape(-1)
    ei_flat = (edge_index[0] << 16) | edge_index[1]
    parts1 = _sc_conv1()(kqv_flat, e_ch[0], e_ch[1], e_ch[2], e_ch[3],
                         e_ch[4], ei_flat)

    batch2d = jnp.pad(batch_idx, (0, NPAD - N), constant_values=G)[:, None]
    W2cat = jnp.concatenate([Wk2, Wq2, Wv2, Ws2], axis=1)
    b2cat = jnp.concatenate([bk2, bq2, bv2, b2])[:, None]
    kqvs2 = _norm_stage(parts1.reshape(H1 * NW, NPAD), kqv_cm, batch2d,
                        gw[:, None], gb[:, None], gms[:, None], W2cat, b2cat)

    parts2 = _sc_conv2()(kqvs2.reshape(-1), e_ch[5], ei_flat)
    out = _final_stage(parts2.reshape(NW, NPAD), kqvs2)
    return out[0, :N].reshape(N, 1)

# --- scband reference (transcript-rebuilt; emitter-appended) ---
"""Pipeline reference for scband-res-gated-graph-conv-61237643706857 (READ-ONLY COPY).

The authoritative reference and input builder live on the scoring server;
editing this copy changes nothing except your own understanding.
"""

import jax, jax.numpy as jnp
import numpy as np

N = 10000
E = 320000
D = 128
ED = 16
H1 = 5
H2 = 1
G = 64


def _glorot(key, shape):
    fan_in = shape[0]
    return jax.random.normal(key, shape, dtype=jnp.float32) / jnp.sqrt(float(fan_in))


def setup_inputs(seed: int = 0) -> dict:
    key = jax.random.key(seed)
    ks = jax.random.split(key, 32)
    inp = {}
    inp["x"] = jax.random.normal(ks[0], (N, D), dtype=jnp.float32)
    inp["edge_index"] = jax.random.randint(ks[1], (2, E), 0, N, dtype=jnp.int32)
    inp["edge_attr"] = jax.random.normal(ks[2], (E, ED), dtype=jnp.float32)
    inp["batch_idx"] = jnp.sort(jax.random.randint(ks[3], (N,), 0, G, dtype=jnp.int32))
    # conv1 (ResGatedGraphConv in=128 out=5 edge_dim=16)
    inp["Wk1"] = _glorot(ks[4], (D, H1)); inp["bk1"] = jnp.zeros((H1,), jnp.float32)
    inp["Wq1"] = _glorot(ks[5], (D, H1)); inp["bq1"] = jnp.zeros((H1,), jnp.float32)
    inp["Wv1"] = _glorot(ks[6], (D, H1)); inp["bv1"] = jnp.zeros((H1,), jnp.float32)
    inp["We1"] = _glorot(ks[7], (ED, H1)); inp["be1"] = jnp.zeros((H1,), jnp.float32)
    inp["Ws1"] = _glorot(ks[8], (D, H1)); inp["b1"] = jnp.zeros((H1,), jnp.float32)
    # GraphNorm(5)
    inp["gw"] = jnp.ones((H1,), jnp.float32)
    inp["gb"] = jnp.zeros((H1,), jnp.float32)
    inp["gms"] = jnp.ones((H1,), jnp.float32)
    # conv2 (in=5 out=1 edge_dim=16)
    inp["Wk2"] = _glorot(ks[9], (H1, H2)); inp["bk2"] = jnp.zeros((H2,), jnp.float32)
    inp["Wq2"] = _glorot(ks[10], (H1, H2)); inp["bq2"] = jnp.zeros((H2,), jnp.float32)
    inp["Wv2"] = _glorot(ks[11], (H1, H2)); inp["bv2"] = jnp.zeros((H2,), jnp.float32)
    inp["We2"] = _glorot(ks[12], (ED, H2)); inp["be2"] = jnp.zeros((H2,), jnp.float32)
    inp["Ws2"] = _glorot(ks[13], (H1, H2)); inp["b2"] = jnp.zeros((H2,), jnp.float32)
    return inp


def _conv(x, edge_index, edge_attr, Wk, bk, Wq, bq, Wv, bv, We, be, Ws, b):
    src = edge_index[0]
    dst = edge_index[1]
    k = x @ Wk + bk
    q = x @ Wq + bq
    v = x @ Wv + bv
    e = edge_attr @ We + be
    gate = jax.nn.sigmoid(k[dst] + q[src] + e)
    msg = gate * v[src]
    agg = jnp.zeros((x.shape[0], Wk.shape[1]), dtype=x.dtype).at[dst].add(msg)
    return agg + x @ Ws + b


def _graph_norm(x, batch, w, b, ms):
    ones = jnp.ones((x.shape[0],), dtype=x.dtype)
    cnt = jax.ops.segment_sum(ones, batch, num_segments=G)
    cnt = jnp.maximum(cnt, 1.0)[:, None]
    mean = jax.ops.segment_sum(x, batch, num_segments=G) / cnt
    out = x - ms * mean[batch]
    var = jax.ops.segment_sum(out * out, batch, num_segments=G) / cnt
    std = jnp.sqrt(var + 1e-5)[batch]
    return w * out / std + b


def reference(x, edge_index, edge_attr, batch_idx, Wk1, bk1, Wq1, bq1, Wv1, bv1, We1, be1, Ws1, b1, gw, gb, gms, Wk2, bk2, Wq2, bq2, Wv2, bv2, We2, be2, Ws2, b2):
    h = _conv(x, edge_index, edge_attr, Wk1, bk1, Wq1, bq1, Wv1, bv1, We1, be1, Ws1, b1)
    h = _graph_norm(h, batch_idx, gw, gb, gms)
    h = jax.nn.relu(h)
    h = _conv(h, edge_index, edge_attr, Wk2, bk2, Wq2, bq2, Wv2, bv2, We2, be2, Ws2, b2)
    return jax.nn.sigmoid(h)

if __name__ == "__main__":
    import jax
    _d = setup_inputs()
    print(jax.jit(kernel)(*tuple(_d.values())))

</pallas_src>

<mosaic_0001>
#map = affine_map<(d0, d1) -> (0)>
module attributes {stable_mosaic.version = 14 : i64} {
  func.func @body(%arg0: i32, %arg1: i32, %arg2: memref<40960xf32, #tpu.memory_space<hbm>>, %arg3: memref<320000xf32, #tpu.memory_space<hbm>>, %arg4: memref<320000xi32, #tpu.memory_space<hbm>>, %arg5: memref<327680xf32, #tpu.memory_space<hbm>>, %arg6: memref<10000xi32, #tpu.memory_space<vmem>>, %arg7: memref<10240xf32, #tpu.memory_space<vmem>>, %arg8: memref<10240xf32, #tpu.memory_space<vmem>>, %arg9: memref<10240xf32, #tpu.memory_space<vmem>>, %arg10: memref<10000xf32, #tpu.memory_space<vmem>>, %arg11: memref<10240xf32, #tpu.memory_space<vmem>>, %arg12: memref<10240xf32, #tpu.memory_space<vmem>>, %arg13: memref<10240xf32, #tpu.memory_space<vmem>>, %arg14: memref<10000xf32, #tpu.memory_space<vmem>>, %arg15: memref<10240xf32, #tpu.memory_space<vmem>>, %arg16: memref<!tpu.dma_semaphore, #tpu.memory_space<semaphore_mem>>, %arg17: memref<!tpu.dma_semaphore, #tpu.memory_space<semaphore_mem>>, %arg18: memref<!tpu.dma_semaphore, #tpu.memory_space<semaphore_mem>>) attributes {dimension_semantics = [#tpu.dimension_semantics<core_parallel>, #tpu.dimension_semantics<subcore_parallel>], iteration_bounds = array<i64: 2, 16>, scalar_prefetch = 0 : i64, scratch_operands = 13 : i64, tpu.core_type = #tpu.core_type<sc_vector_subcore>, window_params = [{transform_indices = #map}, {transform_indices = #map}, {transform_indices = #map}, {transform_indices = #map}]} {
    %mul3A = arith.constant 2 : i32
    %mul3A_0 = arith.muli %arg1, %mul3A : i32
    %add3A = arith.addi %mul3A_0, %arg0 : i32
    %mul3A_1 = arith.constant 10000 : i32
    %mul3A_2 = arith.muli %add3A, %mul3A_1 : i32
    %dma_start3A = tpu.memref_slice %arg4[%mul3A_2] : memref<320000xi32, #tpu.memory_space<hbm>> -> memref<10000xi32, #tpu.memory_space<hbm>>
    %dma_start3A_3 = tpu.memref_slice %arg4[%mul3A_2] : memref<320000xi32, #tpu.memory_space<hbm>> -> memref<10000xi32, #tpu.memory_space<hbm>>
    tpu.enqueue_dma source(%dma_start3A_3 : memref<10000xi32, #tpu.memory_space<hbm>>) target(%arg6 : memref<10000xi32, #tpu.memory_space<vmem>>) target_semaphore(%arg16 : memref<!tpu.dma_semaphore, #tpu.memory_space<semaphore_mem>>)
    %dma_start3A_4 = arith.constant 0 : i32
    %dma_start3A_5 = tpu.memref_slice %arg2[%dma_start3A_4] : memref<40960xf32, #tpu.memory_space<hbm>> -> memref<10240xf32, #tpu.memory_space<hbm>>
    %dma_start3A_6 = arith.constant 0 : i32
    %dma_start3A_7 = tpu.memref_slice %arg2[%dma_start3A_6] : memref<40960xf32, #tpu.memory_space<hbm>> -> memref<10240xf32, #tpu.memory_space<hbm>>
    tpu.enqueue_dma source(%dma_start3A_7 : memref<10240xf32, #tpu.memory_space<hbm>>) target(%arg7 : memref<10240xf32, #tpu.memory_space<vmem>>) target_semaphore(%arg17 : memref<!tpu.dma_semaphore, #tpu.memory_space<semaphore_mem>>)
    %dma_start3A_8 = arith.constant 10240 : i32
    %dma_start3A_9 = tpu.memref_slice %arg2[%dma_start3A_8] : memref<40960xf32, #tpu.memory_space<hbm>> -> memref<10240xf32, #tpu.memory_space<hbm>>
    %dma_start3A_10 = arith.constant 10240 : i32
    %dma_start3A_11 = tpu.memref_slice %arg2[%dma_start3A_10] : memref<40960xf32, #tpu.memory_space<hbm>> -> memref<10240xf32, #tpu.memory_space<hbm>>
    tpu.enqueue_dma source(%dma_start3A_11 : memref<10240xf32, #tpu.memory_space<hbm>>) target(%arg8 : memref<10240xf32, #tpu.memory_space<vmem>>) target_semaphore(%arg17 : memref<!tpu.dma_semaphore, #tpu.memory_space<semaphore_mem>>)
    %dma_start3A_12 = arith.constant 20480 : i32
    %dma_start3A_13 = tpu.memref_slice %arg2[%dma_start3A_12] : memref<40960xf32, #tpu.memory_space<hbm>> -> memref<10240xf32, #tpu.memory_space<hbm>>
    %dma_start3A_14 = arith.constant 20480 : i32
    %dma_start3A_15 = tpu.memref_slice %arg2[%dma_start3A_14] : memref<40960xf32, #tpu.memory_space<hbm>> -> memref<10240xf32, #tpu.memory_space<hbm>>
    tpu.enqueue_dma source(%dma_start3A_15 : memref<10240xf32, #tpu.memory_space<hbm>>) target(%arg9 : memref<10240xf32, #tpu.memory_space<vmem>>) target_semaphore(%arg17 : memref<!tpu.dma_semaphore, #tpu.memory_space<semaphore_mem>>)
    %dma_start3A_16 = tpu.memref_slice %arg3[%mul3A_2] : memref<320000xf32, #tpu.memory_space<hbm>> -> memref<10000xf32, #tpu.memory_space<hbm>>
    %dma_start3A_17 = tpu.memref_slice %arg3[%mul3A_2] : memref<320000xf32, #tpu.memory_space<hbm>> -> memref<10000xf32, #tpu.memory_space<hbm>>
    tpu.enqueue_dma source(%dma_start3A_17 : memref<10000xf32, #tpu.memory_space<hbm>>) target(%arg10 : memref<10000xf32, #tpu.memory_space<vmem>>) target_semaphore(%arg17 : memref<!tpu.dma_semaphore, #tpu.memory_space<semaphore_mem>>)
    %dma_wait3A = tpu.memref_slice %arg4[%mul3A_2] : memref<320000xi32, #tpu.memory_space<hbm>> -> memref<10000xi32, #tpu.memory_space<hbm>>
    %dma_wait3A_18 = tpu.memref_slice %arg4[%mul3A_2] : memref<320000xi32, #tpu.memory_space<hbm>> -> memref<10000xi32, #tpu.memory_space<hbm>>
    tpu.wait_dma2 semaphore(%arg16 : memref<!tpu.dma_semaphore, #tpu.memory_space<semaphore_mem>>) src(%dma_wait3A_18 : memref<10000xi32, #tpu.memory_space<hbm>>) dst(%arg6 : memref<10000xi32, #tpu.memory_space<vmem>>)
    %broadcast_in_dim3A = arith.constant 0.000000e+00 : f32
    %broadcast_in_dim3A_19 = vector.broadcast %broadcast_in_dim3A : f32 to vector<16xf32>
    %dma_wait3A_20 = arith.constant 0 : i32
    %dma_wait3A_21 = tpu.memref_slice %arg2[%dma_wait3A_20] : memref<40960xf32, #tpu.memory_space<hbm>> -> memref<10240xf32, #tpu.memory_space<hbm>>
    %dma_wait3A_22 = arith.constant 0 : i32
    %dma_wait3A_23 = tpu.memref_slice %arg2[%dma_wait3A_22] : memref<40960xf32, #tpu.memory_space<hbm>> -> memref<10240xf32, #tpu.memory_space<hbm>>
    tpu.wait_dma2 semaphore(%arg17 : memref<!tpu.dma_semaphore, #tpu.memory_space<semaphore_mem>>) src(%dma_wait3A_23 : memref<10240xf32, #tpu.memory_space<hbm>>) dst(%arg7 : memref<10240xf32, #tpu.memory_space<vmem>>)
    %dma_wait3A_24 = arith.constant 10240 : i32
    %dma_wait3A_25 = tpu.memref_slice %arg2[%dma_wait3A_24] : memref<40960xf32, #tpu.memory_space<hbm>> -> memref<10240xf32, #tpu.memory_space<hbm>>
    %dma_wait3A_26 = arith.constant 10240 : i32
    %dma_wait3A_27 = tpu.memref_slice %arg2[%dma_wait3A_26] : memref<40960xf32, #tpu.memory_space<hbm>> -> memref<10240xf32, #tpu.memory_space<hbm>>
    tpu.wait_dma2 semaphore(%arg17 : memref<!tpu.dma_semaphore, #tpu.memory_space<semaphore_mem>>) src(%dma_wait3A_27 : memref<10240xf32, #tpu.memory_space<hbm>>) dst(%arg8 : memref<10240xf32, #tpu.memory_space<vmem>>)
    %dma_wait3A_28 = arith.constant 20480 : i32
    %dma_wait3A_29 = tpu.memref_slice %arg2[%dma_wait3A_28] : memref<40960xf32, #tpu.memory_space<hbm>> -> memref<10240xf32, #tpu.memory_space<hbm>>
    %dma_wait3A_30 = arith.constant 20480 : i32
    %dma_wait3A_31 = tpu.memref_slice %arg2[%dma_wait3A_30] : memref<40960xf32, #tpu.memory_space<hbm>> -> memref<10240xf32, #tpu.memory_space<hbm>>
    tpu.wait_dma2 semaphore(%arg17 : memref<!tpu.dma_semaphore, #tpu.memory_space<semaphore_mem>>) src(%dma_wait3A_31 : memref<10240xf32, #tpu.memory_space<hbm>>) dst(%arg9 : memref<10240xf32, #tpu.memory_space<vmem>>)
    %dma_wait3A_32 = tpu.memref_slice %arg3[%mul3A_2] : memref<320000xf32, #tpu.memory_space<hbm>> -> memref<10000xf32, #tpu.memory_space<hbm>>
    %dma_wait3A_33 = tpu.memref_slice %arg3[%mul3A_2] : memref<320000xf32, #tpu.memory_space<hbm>> -> memref<10000xf32, #tpu.memory_space<hbm>>
    tpu.wait_dma2 semaphore(%arg17 : memref<!tpu.dma_semaphore, #tpu.memory_space<semaphore_mem>>) src(%dma_wait3A_33 : memref<10000xf32, #tpu.memory_space<hbm>>) dst(%arg10 : memref<10000xf32, #tpu.memory_space<vmem>>)
    %scan3A = arith.constant 0 : i32
    %scan3A_34 = arith.constant 0 : i32
    %scan3A_35 = arith.constant 80 : i32
    %scan3A_36 = arith.addi %scan3A_34, %scan3A_35 : i32
    %scan3A_37 = arith.constant 1 : i32
    %scan3A_38 = scf.for %scan3A_46 = %scan3A_34 to %scan3A_36 step %scan3A_37 iter_args(%scan3A_47 = %scan3A) -> (i32)  : i32 {
      %mul3A_48 = arith.constant 8 : i32
      %mul3A_49 = arith.muli %scan3A_46, %mul3A_48 : i32
      %add3A_50 = arith.constant 0 : i32
      %add3A_51 = arith.addi %mul3A_49, %add3A_50 : i32
      %mul3A_52 = arith.constant 16 : i32
      %mul3A_53 = arith.muli %add3A_51, %mul3A_52 : i32
      %swap3A = arith.index_cast %mul3A_53 : i32 to index
      %swap3A_54 = tpu.vector_load %arg15[%swap3A] {strides = array<i32>} : memref<10240xf32, #tpu.memory_space<vmem>>, vector<16xf32>,
      tpu.vector_store %arg15[%swap3A], %broadcast_in_dim3A_19 {strides = array<i32>} : memref<10240xf32, #tpu.memory_space<vmem>>, vector<16xf32>,
      %mul3A_55 = arith.constant 8 : i32
      %mul3A_56 = arith.muli %scan3A_46, %mul3A_55 : i32
      %add3A_57 = arith.constant 1 : i32
      %add3A_58 = arith.addi %mul3A_56, %add3A_57 : i32
      %mul3A_59 = arith.constant 16 : i32
      %mul3A_60 = arith.muli %add3A_58, %mul3A_59 : i32
      %swap3A_61 = arith.index_cast %mul3A_60 : i32 to index
      %swap3A_62 = tpu.vector_load %arg15[%swap3A_61] {strides = array<i32>} : memref<10240xf32, #tpu.memory_space<vmem>>, vector<16xf32>,
      tpu.vector_store %arg15[%swap3A_61], %broadcast_in_dim3A_19 {strides = array<i32>} : memref<10240xf32, #tpu.memory_space<vmem>>, vector<16xf32>,
      %mul3A_63 = arith.constant 8 : i32
      %mul3A_64 = arith.muli %scan3A_46, %mul3A_63 : i32
      %add3A_65 = arith.constant 2 : i32
      %add3A_66 = arith.addi %mul3A_64, %add3A_65 : i32
      %mul3A_67 = arith.constant 16 : i32
      %mul3A_68 = arith.muli %add3A_66, %mul3A_67 : i32
      %swap3A_69 = arith.index_cast %mul3A_68 : i32 to index
      %swap3A_70 = tpu.vector_load %arg15[%swap3A_69] {strides = array<i32>} : memref<10240xf32, #tpu.memory_space<vmem>>, vector<16xf32>,
      tpu.vector_store %arg15[%swap3A_69], %broadcast_in_dim3A_19 {strides = array<i32>} : memref<10240xf32, #tpu.memory_space<vmem>>, vector<16xf32>,
      %mul3A_71 = arith.constant 8 : i32
      %mul3A_72 = arith.muli %scan3A_46, %mul3A_71 : i32
      %add3A_73 = arith.constant 3 : i32
      %add3A_74 = arith.addi %mul3A_72, %add3A_73 : i32
      %mul3A_75 = arith.constant 16 : i32
      %mul3A_76 = arith.muli %add3A_74, %mul3A_75 : i32
      %swap3A_77 = arith.index_cast %mul3A_76 : i32 to index
      %swap3A_78 = tpu.vector_load %arg15[%swap3A_77] {strides = array<i32>} : memref<10240xf32, #tpu.memory_space<vmem>>, vector<16xf32>,
      tpu.vector_store %arg15[%swap3A_77], %broadcast_in_dim3A_19 {strides = array<i32>} : memref<10240xf32, #tpu.memory_space<vmem>>, vector<16xf32>,
      %mul3A_79 = arith.constant 8 : i32
      %mul3A_80 = arith.muli %scan3A_46, %mul3A_79 : i32
      %add3A_81 = arith.constant 4 : i32
      %add3A_82 = arith.addi %mul3A_80, %add3A_81 : i32
      %mul3A_83 = arith.constant 16 : i32
      %mul3A_84 = arith.muli %add3A_82, %mul3A_83 : i32
      %swap3A_85 = arith.index_cast %mul3A_84 : i32 to index
      %swap3A_86 = tpu.vector_load %arg15[%swap3A_85] {strides = array<i32>} : memref<10240xf32, #tpu.memory_space<vmem>>, vector<16xf32>,
      tpu.vector_store %arg15[%swap3A_85], %broadcast_in_dim3A_19 {strides = array<i32>} : memref<10240xf32, #tpu.memory_space<vmem>>, vector<16xf32>,
      %mul3A_87 = arith.constant 8 : i32
      %mul3A_88 = arith.muli %scan3A_46, %mul3A_87 : i32
      %add3A_89 = arith.constant 5 : i32
      %add3A_90 = arith.addi %mul3A_88, %add3A_89 : i32
      %mul3A_91 = arith.constant 16 : i32
      %mul3A_92 = arith.muli %add3A_90, %mul3A_91 : i32
      %swap3A_93 = arith.index_cast %mul3A_92 : i32 to index
      %swap3A_94 = tpu.vector_load %arg15[%swap3A_93] {strides = array<i32>} : memref<10240xf32, #tpu.memory_space<vmem>>, vector<16xf32>,
      tpu.vector_store %arg15[%swap3A_93], %broadcast_in_dim3A_19 {strides = array<i32>} : memref<10240xf32, #tpu.memory_space<vmem>>, vector<16xf32>,
      %mul3A_95 = arith.constant 8 : i32
      %mul3A_96 = arith.muli %scan3A_46, %mul3A_95 : i32
      %add3A_97 = arith.constant 6 : i32
      %add3A_98 = arith.addi %mul3A_96, %add3A_97 : i32
      %mul3A_99 = arith.constant 16 : i32
      %mul3A_100 = arith.muli %add3A_98, %mul3A_99 : i32
      %swap3A_101 = arith.index_cast %mul3A_100 : i32 to index
      %swap3A_102 = tpu.vector_load %arg15[%swap3A_101] {strides = array<i32>} : memref<10240xf32, #tpu.memory_space<vmem>>, vector<16xf32>,
      tpu.vector_store %arg15[%swap3A_101], %broadcast_in_dim3A_19 {strides = array<i32>} : memref<10240xf32, #tpu.memory_space<vmem>>, vector<16xf32>,
      %mul3A_103 = arith.constant 8 : i32
      %mul3A_104 = arith.muli %scan3A_46, %mul3A_103 : i32
      %add3A_105 = arith.constant 7 : i32
      %add3A_106 = arith.addi %mul3A_104, %add3A_105 : i32
      %mul3A_107 = arith.constant 16 : i32
      %mul3A_108 = arith.muli %add3A_106, %mul3A_107 : i32
      %swap3A_109 = arith.index_cast %mul3A_108 : i32 to index
      %swap3A_110 = tpu.vector_load %arg15[%swap3A_109] {strides = array<i32>} : memref<10240xf32, #tpu.memory_space<vmem>>, vector<16xf32>,
      tpu.vector_store %arg15[%swap3A_109], %broadcast_in_dim3A_19 {strides = array<i32>} : memref<10240xf32, #tpu.memory_space<vmem>>, vector<16xf32>,
      %scan3A_111 = arith.constant 0 : i32
      scf.yield %scan3A_111 : i32
    }
    %scan3A_39 = arith.constant 80 : i32
    %parallel_loop3A = arith.constant 0 : i32
    %parallel_loop3A_40 = arith.constant 625 : i32
    %parallel_loop3A_41 = arith.constant 1 : i32
    scf.for %parallel_loop3A_46 = %parallel_loop3A to %parallel_loop3A_40 step %parallel_loop3A_41  : i32 {
      %parallel_loop3A_47 = arith.constant 16 : i32
      %parallel_loop3A_48 = arith.muli %parallel_loop3A_46, %parallel_loop3A_47 : i32
      %parallel_loop3A_49 = arith.index_cast %parallel_loop3A_48 : i32 to index
      %parallel_loop3A_50 = tpu.vector_load %arg6[%parallel_loop3A_49] {strides = array<i32>} : memref<10000xi32, #tpu.memory_space<vmem>>, vector<16xi32>,
      %parallel_loop3A_51 = arith.constant 65535 : i32
      %parallel_loop3A_52 = vector.broadcast %parallel_loop3A_51 : i32 to vector<16xi32>
      %parallel_loop3A_53 = arith.andi %parallel_loop3A_50, %parallel_loop3A_52 : vector<16xi32>
      %parallel_loop3A_54 = arith.constant 16 : i32
      %parallel_loop3A_55 = vector.broadcast %parallel_loop3A_54 : i32 to vector<16xi32>
      %parallel_loop3A_56 = arith.shrui %parallel_loop3A_50, %parallel_loop3A_55 : vector<16xi32>
      %parallel_loop3A_57 = tpu.vector_load_idx %arg7[%parallel_loop3A_53] : memref<10240xf32, #tpu.memory_space<vmem>>[vector<16xi32>], vector<16xf32>,
      %parallel_loop3A_58 = tpu.vector_load_idx %arg8[%parallel_loop3A_56] : memref<10240xf32, #tpu.memory_space<vmem>>[vector<16xi32>], vector<16xf32>,
      %parallel_loop3A_59 = tpu.vector_load_idx %arg9[%parallel_loop3A_56] : memref<10240xf32, #tpu.memory_space<vmem>>[vector<16xi32>], vector<16xf32>,
      %parallel_loop3A_60 = arith.index_cast %parallel_loop3A_48 : i32 to index
      %parallel_loop3A_61 = tpu.vector_load %arg10[%parallel_loop3A_60] {strides = array<i32>} : memref<10000xf32, #tpu.memory_space<vmem>>, vector<16xf32>,
      %parallel_loop3A_62 = arith.addf %parallel_loop3A_57, %parallel_loop3A_58 : vector<16xf32>
      %parallel_loop3A_63 = arith.addf %parallel_loop3A_62, %parallel_loop3A_61 : vector<16xf32>
      %parallel_loop3A_64 = arith.constant 0.000000e+00 : f32
      %parallel_loop3A_65 = vector.broadcast %parallel_loop3A_64 : f32 to vector<16xf32>
      %parallel_loop3A_66 = arith.subf %parallel_loop3A_65, %parallel_loop3A_63 : vector<16xf32>
      %parallel_loop3A_67 = math.exp %parallel_loop3A_66 : vector<16xf32>
      %parallel_loop3A_68 = arith.constant 1.000000e+00 : f32
      %parallel_loop3A_69 = vector.broadcast %parallel_loop3A_68 : f32 to vector<16xf32>
      %parallel_loop3A_70 = arith.addf %parallel_loop3A_69, %parallel_loop3A_67 : vector<16xf32>
      %parallel_loop3A_71 = arith.constant 1.000000e+00 : f32
      %parallel_loop3A_72 = vector.broadcast %parallel_loop3A_71 : f32 to vector<16xf32>
      %parallel_loop3A_73 = arith.divf %parallel_loop3A_72, %parallel_loop3A_70 : vector<16xf32>
      %parallel_loop3A_74 = arith.mulf %parallel_loop3A_73, %parallel_loop3A_59 : vector<16xf32>
      tpu.vector_store_idx %arg15[%parallel_loop3A_53], %parallel_loop3A_74 {add = true} : memref<10240xf32, #tpu.memory_space<vmem>>[vector<16xi32>], vector<16xf32>,
    } {sc.loop_unroll_factor = 10 : i64, sc.parallel_access}
    %add3A_42 = arith.constant 0 : i32
    %add3A_43 = arith.addi %add3A_42, %add3A : i32
    %mul3A_44 = arith.constant 10240 : i32
    %mul3A_45 = arith.muli %add3A_43, %mul3A_44 : i32
    "tpu.region"() ({
      %run_scoped3A = tpu.sem_alloc : memref<!tpu.dma_semaphore, #tpu.memory_space<semaphore_mem>>
      %dma_start3A_46 = tpu.memref_slice %arg5[%mul3A_45] : memref<327680xf32, #tpu.memory_space<hbm>> -> memref<10240xf32, #tpu.memory_space<hbm>>
      %dma_start3A_47 = tpu.memref_slice %arg5[%mul3A_45] : memref<327680xf32, #tpu.memory_space<hbm>> -> memref<10240xf32, #tpu.memory_space<hbm>>
      tpu.enqueue_dma source(%arg15 : memref<10240xf32, #tpu.memory_space<vmem>>) target(%dma_start3A_47 : memref<10240xf32, #tpu.memory_space<hbm>>) target_semaphore(%run_scoped3A : memref<!tpu.dma_semaphore, #tpu.memory_space<semaphore_mem>>)
      %dma_wait3A_48 = tpu.memref_slice %arg5[%mul3A_45] : memref<327680xf32, #tpu.memory_space<hbm>> -> memref<10240xf32, #tpu.memory_space<hbm>>
      %dma_wait3A_49 = tpu.memref_slice %arg5[%mul3A_45] : memref<327680xf32, #tpu.memory_space<hbm>> -> memref<10240xf32, #tpu.memory_space<hbm>>
      tpu.wait_dma2 semaphore(%run_scoped3A : memref<!tpu.dma_semaphore, #tpu.memory_space<semaphore_mem>>) src(%arg15 : memref<10240xf32, #tpu.memory_space<vmem>>) dst(%dma_wait3A_49 : memref<10240xf32, #tpu.memory_space<hbm>>)
      tpu.yield
    }) : () -> ()
    return
  }
}

#map = affine_map<(d0, d1) -> (0)>
module attributes {stable_mosaic.version = 14 : i64} {
  func.func @body(%arg0: i32, %arg1: i32, %arg2: memref<245760xf32, #tpu.memory_space<hbm>>, %arg3: memref<320000xf32, #tpu.memory_space<hbm>>, %arg4: memref<320000xf32, #tpu.memory_space<hbm>>, %arg5: memref<320000xf32, #tpu.memory_space<hbm>>, %arg6: memref<320000xf32, #tpu.memory_space<hbm>>, %arg7: memref<320000xf32, #tpu.memory_space<hbm>>, %arg8: memref<320000xi32, #tpu.memory_space<hbm>>, %arg9: memref<1638400xf32, #tpu.memory_space<hbm>>, %arg10: memref<10000xi32, #tpu.memory_space<vmem>>, %arg11: memref<10240xf32, #tpu.memory_space<vmem>>, %arg12: memref<10240xf32, #tpu.memory_space<vmem>>, %arg13: memref<10240xf32, #tpu.memory_space<vmem>>, %arg14: memref<10000xf32, #tpu.memory_space<vmem>>, %arg15: memref<10240xf32, #tpu.memory_space<vmem>>, %arg16: memref<10240xf32, #tpu.memory_space<vmem>>, %arg17: memref<10240xf32, #tpu.memory_space<vmem>>, %arg18: memref<10000xf32, #tpu.memory_space<vmem>>, %arg19: memref<10240xf32, #tpu.memory_space<vmem>>, %arg20: memref<!tpu.dma_semaphore, #tpu.memory_space<semaphore_mem>>, %arg21: memref<!tpu.dma_semaphore, #tpu.memory_space<semaphore_mem>>, %arg22: memref<!tpu.dma_semaphore, #tpu.memory_space<semaphore_mem>>) attributes {dimension_semantics = [#tpu.dimension_semantics<core_parallel>, #tpu.dimension_semantics<subcore_parallel>], iteration_bounds = array<i64: 2, 16>, scalar_prefetch = 0 : i64, scratch_operands = 13 : i64, tpu.core_type = #tpu.core_type<sc_vector_subcore>, window_params = [{transform_indices = #map}, {transform_indices = #map}, {transform_indices = #map}, {transform_indices = #map}, {transform_indices = #map}, {transform_indices = #map}, {transform_indices = #map}, {transform_indices = #map}]} {
    %mul3A = arith.constant 2 : i32
    %mul3A_0 = arith.muli %arg1, %mul3A : i32
    %add3A = arith.addi %mul3A_0, %arg0 : i32
    %mul3A_1 = arith.constant 10000 : i32
    %mul3A_2 = arith.muli %add3A, %mul3A_1 : i32
    %dma_start3A = tpu.memref_slice %arg8[%mul3A_2] : memref<320000xi32, #tpu.memory_space<hbm>> -> memref<10000xi32, #tpu.memory_space<hbm>>
    %dma_start3A_3 = tpu.memref_slice %arg8[%mul3A_2] : memref<320000xi32, #tpu.memory_space<hbm>> -> memref<10000xi32, #tpu.memory_space<hbm>>
    tpu.enqueue_dma source(%dma_start3A_3 : memref<10000xi32, #tpu.memory_space<hbm>>) target(%arg10 : memref<10000xi32, #tpu.memory_space<vmem>>) target_semaphore(%arg20 : memref<!tpu.dma_semaphore, #tpu.memory_space<semaphore_mem>>)
    %dma_start3A_4 = arith.constant 0 : i32
    %dma_start3A_5 = tpu.memref_slice %arg2[%dma_start3A_4] : memref<245760xf32, #tpu.memory_space<hbm>> -> memref<10240xf32, #tpu.memory_space<hbm>>
    %dma_start3A_6 = arith.constant 0 : i32
    %dma_start3A_7 = tpu.memref_slice %arg2[%dma_start3A_6] : memref<245760xf32, #tpu.memory_space<hbm>> -> memref<10240xf32, #tpu.memory_space<hbm>>
    tpu.enqueue_dma source(%dma_start3A_7 : memref<10240xf32, #tpu.memory_space<hbm>>) target(%arg11 : memref<10240xf32, #tpu.memory_space<vmem>>) target_semaphore(%arg21 : memref<!tpu.dma_semaphore, #tpu.memory_space<semaphore_mem>>)
    %dma_start3A_8 = arith.constant 51200 : i32
    %dma_start3A_9 = tpu.memref_slice %arg2[%dma_start3A_8] : memref<245760xf32, #tpu.memory_space<hbm>> -> memref<10240xf32, #tpu.memory_space<hbm>>
    %dma_start3A_10 = arith.constant 51200 : i32
    %dma_start3A_11 = tpu.memref_slice %arg2[%dma_start3A_10] : memref<245760xf32, #tpu.memory_space<hbm>> -> memref<10240xf32, #tpu.memory_space<hbm>>
    tpu.enqueue_dma source(%dma_start3A_11 : memref<10240xf32, #tpu.memory_space<hbm>>) target(%arg12 : memref<10240xf32, #tpu.memory_space<vmem>>) target_semaphore(%arg21 : memref<!tpu.dma_semaphore, #tpu.memory_space<semaphore_mem>>)
    %dma_start3A_12 = arith.constant 102400 : i32
    %dma_start3A_13 = tpu.memref_slice %arg2[%dma_start3A_12] : memref<245760xf32, #tpu.memory_space<hbm>> -> memref<10240xf32, #tpu.memory_space<hbm>>
    %dma_start3A_14 = arith.constant 102400 : i32
    %dma_start3A_15 = tpu.memref_slice %arg2[%dma_start3A_14] : memref<245760xf32, #tpu.memory_space<hbm>> -> memref<10240xf32, #tpu.memory_space<hbm>>
    tpu.enqueue_dma source(%dma_start3A_15 : memref<10240xf32, #tpu.memory_space<hbm>>) target(%arg13 : memref<10240xf32, #tpu.memory_space<vmem>>) target_semaphore(%arg21 : memref<!tpu.dma_semaphore, #tpu.memory_space<semaphore_mem>>)
    %dma_start3A_16 = tpu.memref_slice %arg3[%mul3A_2] : memref<320000xf32, #tpu.memory_space<hbm>> -> memref<10000xf32, #tpu.memory_space<hbm>>
    %dma_start3A_17 = tpu.memref_slice %arg3[%mul3A_2] : memref<320000xf32, #tpu.memory_space<hbm>> -> memref<10000xf32, #tpu.memory_space<hbm>>
    tpu.enqueue_dma source(%dma_start3A_17 : memref<10000xf32, #tpu.memory_space<hbm>>) target(%arg14 : memref<10000xf32, #tpu.memory_space<vmem>>) target_semaphore(%arg21 : memref<!tpu.dma_semaphore, #tpu.memory_space<semaphore_mem>>)
    %dma_wait3A = tpu.memref_slice %arg8[%mul3A_2] : memref<320000xi32, #tpu.memory_space<hbm>> -> memref<10000xi32, #tpu.memory_space<hbm>>
    %dma_wait3A_18 = tpu.memref_slice %arg8[%mul3A_2] : memref<320000xi32, #tpu.memory_space<hbm>> -> memref<10000xi32, #tpu.memory_space<hbm>>
    tpu.wait_dma2 semaphore(%arg20 : memref<!tpu.dma_semaphore, #tpu.memory_space<semaphore_mem>>) src(%dma_wait3A_18 : memref<10000xi32, #tpu.memory_space<hbm>>) dst(%arg10 : memref<10000xi32, #tpu.memory_space<vmem>>)
    %broadcast_in_dim3A = arith.constant 0.000000e+00 : f32
    %broadcast_in_dim3A_19 = vector.broadcast %broadcast_in_dim3A : f32 to vector<16xf32>
    %dma_wait3A_20 = arith.constant 0 : i32
    %dma_wait3A_21 = tpu.memref_slice %arg2[%dma_wait3A_20] : memref<245760xf32, #tpu.memory_space<hbm>> -> memref<10240xf32, #tpu.memory_space<hbm>>
    %dma_wait3A_22 = arith.constant 0 : i32
    %dma_wait3A_23 = tpu.memref_slice %arg2[%dma_wait3A_22] : memref<245760xf32, #tpu.memory_space<hbm>> -> memref<10240xf32, #tpu.memory_space<hbm>>
    tpu.wait_dma2 semaphore(%arg21 : memref<!tpu.dma_semaphore, #tpu.memory_space<semaphore_mem>>) src(%dma_wait3A_23 : memref<10240xf32, #tpu.memory_space<hbm>>) dst(%arg11 : memref<10240xf32, #tpu.memory_space<vmem>>)
    %dma_wait3A_24 = arith.constant 51200 : i32
    %dma_wait3A_25 = tpu.memref_slice %arg2[%dma_wait3A_24] : memref<245760xf32, #tpu.memory_space<hbm>> -> memref<10240xf32, #tpu.memory_space<hbm>>
    %dma_wait3A_26 = arith.constant 51200 : i32
    %dma_wait3A_27 = tpu.memref_slice %arg2[%dma_wait3A_26] : memref<245760xf32, #tpu.memory_space<hbm>> -> memref<10240xf32, #tpu.memory_space<hbm>>
    tpu.wait_dma2 semaphore(%arg21 : memref<!tpu.dma_semaphore, #tpu.memory_space<semaphore_mem>>) src(%dma_wait3A_27 : memref<10240xf32, #tpu.memory_space<hbm>>) dst(%arg12 : memref<10240xf32, #tpu.memory_space<vmem>>)
    %dma_wait3A_28 = arith.constant 102400 : i32
    %dma_wait3A_29 = tpu.memref_slice %arg2[%dma_wait3A_28] : memref<245760xf32, #tpu.memory_space<hbm>> -> memref<10240xf32, #tpu.memory_space<hbm>>
    %dma_wait3A_30 = arith.constant 102400 : i32
    %dma_wait3A_31 = tpu.memref_slice %arg2[%dma_wait3A_30] : memref<245760xf32, #tpu.memory_space<hbm>> -> memref<10240xf32, #tpu.memory_space<hbm>>
    tpu.wait_dma2 semaphore(%arg21 : memref<!tpu.dma_semaphore, #tpu.memory_space<semaphore_mem>>) src(%dma_wait3A_31 : memref<10240xf32, #tpu.memory_space<hbm>>) dst(%arg13 : memref<10240xf32, #tpu.memory_space<vmem>>)
    %dma_wait3A_32 = tpu.memref_slice %arg3[%mul3A_2] : memref<320000xf32, #tpu.memory_space<hbm>> -> memref<10000xf32, #tpu.memory_space<hbm>>
    %dma_wait3A_33 = tpu.memref_slice %arg3[%mul3A_2] : memref<320000xf32, #tpu.memory_space<hbm>> -> memref<10000xf32, #tpu.memory_space<hbm>>
    tpu.wait_dma2 semaphore(%arg21 : memref<!tpu.dma_semaphore, #tpu.memory_space<semaphore_mem>>) src(%dma_wait3A_33 : memref<10000xf32, #tpu.memory_space<hbm>>) dst(%arg14 : memref<10000xf32, #tpu.memory_space<vmem>>)
    %dma_start3A_34 = arith.constant 10240 : i32
    %dma_start3A_35 = tpu.memref_slice %arg2[%dma_start3A_34] : memref<245760xf32, #tpu.memory_space<hbm>> -> memref<10240xf32, #tpu.memory_space<hbm>>
    %dma_start3A_36 = arith.constant 10240 : i32
    %dma_start3A_37 = tpu.memref_slice %arg2[%dma_start3A_36] : memref<245760xf32, #tpu.memory_space<hbm>> -> memref<10240xf32, #tpu.memory_space<hbm>>
    tpu.enqueue_dma source(%dma_start3A_37 : memref<10240xf32, #tpu.memory_space<hbm>>) target(%arg15 : memref<10240xf32, #tpu.memory_space<vmem>>) target_semaphore(%arg22 : memref<!tpu.dma_semaphore, #tpu.memory_space<semaphore_mem>>)
    %dma_start3A_38 = arith.constant 61440 : i32
    %dma_start3A_39 = tpu.memref_slice %arg2[%dma_start3A_38] : memref<245760xf32, #tpu.memory_space<hbm>> -> memref<10240xf32, #tpu.memory_space<hbm>>
    %dma_start3A_40 = arith.constant 61440 : i32
    %dma_start3A_41 = tpu.memref_slice %arg2[%dma_start3A_40] : memref<245760xf32, #tpu.memory_space<hbm>> -> memref<10240xf32, #tpu.memory_space<hbm>>
    tpu.enqueue_dma source(%dma_start3A_41 : memref<10240xf32, #tpu.memory_space<hbm>>) target(%arg16 : memref<10240xf32, #tpu.memory_space<vmem>>) target_semaphore(%arg22 : memref<!tpu.dma_semaphore, #tpu.memory_space<semaphore_mem>>)
    %dma_start3A_42 = arith.constant 112640 : i32
    %dma_start3A_43 = tpu.memref_slice %arg2[%dma_start3A_42] : memref<245760xf32, #tpu.memory_space<hbm>> -> memref<10240xf32, #tpu.memory_space<hbm>>
    %dma_start3A_44 = arith.constant 112640 : i32
    %dma_start3A_45 = tpu.memref_slice %arg2[%dma_start3A_44] : memref<245760xf32, #tpu.memory_space<hbm>> -> memref<10240xf32, #tpu.memory_space<hbm>>
    tpu.enqueue_dma source(%dma_start3A_45 : memref<10240xf32, #tpu.memory_space<hbm>>) target(%arg17 : memref<10240xf32, #tpu.memory_space<vmem>>) target_semaphore(%arg22 : memref<!tpu.dma_semaphore, #tpu.memory_space<semaphore_mem>>)
    %dma_start3A_46 = tpu.memref_slice %arg4[%mul3A_2] : memref<320000xf32, #tpu.memory_space<hbm>> -> memref<10000xf32, #tpu.memory_space<hbm>>
    %dma_start3A_47 = tpu.memref_slice %arg4[%mul3A_2] : memref<320000xf32, #tpu.memory_space<hbm>> -> memref<10000xf32, #tpu.memory_space<hbm>>
    tpu.enqueue_dma source(%dma_start3A_47 : memref<10000xf32, #tpu.memory_space<hbm>>) target(%arg18 : memref<10000xf32, #tpu.memory_space<vmem>>) target_semaphore(%arg22 : memref<!tpu.dma_semaphore, #tpu.memory_space<semaphore_mem>>)
    %scan3A = arith.constant 0 : i32
    %scan3A_48 = arith.constant 0 : i32
    %scan3A_49 = arith.constant 80 : i32
    %scan3A_50 = arith.addi %scan3A_48, %scan3A_49 : i32
    %scan3A_51 = arith.constant 1 : i32
    %scan3A_52 = scf.for %scan3A_214 = %scan3A_48 to %scan3A_50 step %scan3A_51 iter_args(%scan3A_215 = %scan3A) -> (i32)  : i32 {
      %mul3A_216 = arith.constant 8 : i32
      %mul3A_217 = arith.muli %scan3A_214, %mul3A_216 : i32
      %add3A_218 = arith.constant 0 : i32
      %add3A_219 = arith.addi %mul3A_217, %add3A_218 : i32
      %mul3A_220 = arith.constant 16 : i32
      %mul3A_221 = arith.muli %add3A_219, %mul3A_220 : i32
      %swap3A = arith.index_cast %mul3A_221 : i32 to index
      %swap3A_222 = tpu.vector_load %arg19[%swap3A] {strides = array<i32>} : memref<10240xf32, #tpu.memory_space<vmem>>, vector<16xf32>,
      tpu.vector_store %arg19[%swap3A], %broadcast_in_dim3A_19 {strides = array<i32>} : memref<10240xf32, #tpu.memory_space<vmem>>, vector<16xf32>,
      %mul3A_223 = arith.constant 8 : i32
      %mul3A_224 = arith.muli %scan3A_214, %mul3A_223 : i32
      %add3A_225 = arith.constant 1 : i32
      %add3A_226 = arith.addi %mul3A_224, %add3A_225 : i32
      %mul3A_227 = arith.constant 16 : i32
      %mul3A_228 = arith.muli %add3A_226, %mul3A_227 : i32
      %swap3A_229 = arith.index_cast %mul3A_228 : i32 to index
      %swap3A_230 = tpu.vector_load %arg19[%swap3A_229] {strides = array<i32>} : memref<10240xf32, #tpu.memory_space<vmem>>, vector<16xf32>,
      tpu.vector_store %arg19[%swap3A_229], %broadcast_in_dim3A_19 {strides = array<i32>} : memref<10240xf32, #tpu.memory_space<vmem>>, vector<16xf32>,
      %mul3A_231 = arith.constant 8 : i32
      %mul3A_232 = arith.muli %scan3A_214, %mul3A_231 : i32
      %add3A_233 = arith.constant 2 : i32
      %add3A_234 = arith.addi %mul3A_232, %add3A_233 : i32
      %mul3A_235 = arith.constant 16 : i32
      %mul3A_236 = arith.muli %add3A_234, %mul3A_235 : i32
      %swap3A_237 = arith.index_cast %mul3A_236 : i32 to index
      %swap3A_238 = tpu.vector_load %arg19[%swap3A_237] {strides = array<i32>} : memref<10240xf32, #tpu.memory_space<vmem>>, vector<16xf32>,
      tpu.vector_store %arg19[%swap3A_237], %broadcast_in_dim3A_19 {strides = array<i32>} : memref<10240xf32, #tpu.memory_space<vmem>>, vector<16xf32>,
      %mul3A_239 = arith.constant 8 : i32
      %mul3A_240 = arith.muli %scan3A_214, %mul3A_239 : i32
      %add3A_241 = arith.constant 3 : i32
      %add3A_242 = arith.addi %mul3A_240, %add3A_241 : i32
      %mul3A_243 = arith.constant 16 : i32
      %mul3A_244 = arith.muli %add3A_242, %mul3A_243 : i32
      %swap3A_245 = arith.index_cast %mul3A_244 : i32 to index
      %swap3A_246 = tpu.vector_load %arg19[%swap3A_245] {strides = array<i32>} : memref<10240xf32, #tpu.memory_space<vmem>>, vector<16xf32>,
      tpu.vector_store %arg19[%swap3A_245], %broadcast_in_dim3A_19 {strides = array<i32>} : memref<10240xf32, #tpu.memory_space<vmem>>, vector<16xf32>,
      %mul3A_247 = arith.constant 8 : i32
      %mul3A_248 = arith.muli %scan3A_214, %mul3A_247 : i32
      %add3A_249 = arith.constant 4 : i32
      %add3A_250 = arith.addi %mul3A_248, %add3A_249 : i32
      %mul3A_251 = arith.constant 16 : i32
      %mul3A_252 = arith.muli %add3A_250, %mul3A_251 : i32
      %swap3A_253 = arith.index_cast %mul3A_252 : i32 to index
      %swap3A_254 = tpu.vector_load %arg19[%swap3A_253] {strides = array<i32>} : memref<10240xf32, #tpu.memory_space<vmem>>, vector<16xf32>,
      tpu.vector_store %arg19[%swap3A_253], %broadcast_in_dim3A_19 {strides = array<i32>} : memref<10240xf32, #tpu.memory_space<vmem>>, vector<16xf32>,
      %mul3A_255 = arith.constant 8 : i32
      %mul3A_256 = arith.muli %scan3A_214, %mul3A_255 : i32
      %add3A_257 = arith.constant 5 : i32
      %add3A_258 = arith.addi %mul3A_256, %add3A_257 : i32
      %mul3A_259 = arith.constant 16 : i32
      %mul3A_260 = arith.muli %add3A_258, %mul3A_259 : i32
      %swap3A_261 = arith.index_cast %mul3A_260 : i32 to index
      %swap3A_262 = tpu.vector_load %arg19[%swap3A_261] {strides = array<i32>} : memref<10240xf32, #tpu.memory_space<vmem>>, vector<16xf32>,
      tpu.vector_store %arg19[%swap3A_261], %broadcast_in_dim3A_19 {strides = array<i32>} : memref<10240xf32, #tpu.memory_space<vmem>>, vector<16xf32>,
      %mul3A_263 = arith.constant 8 : i32
      %mul3A_264 = arith.muli %scan3A_214, %mul3A_263 : i32
      %add3A_265 = arith.constant 6 : i32
      %add3A_266 = arith.addi %mul3A_264, %add3A_265 : i32
      %mul3A_267 = arith.constant 16 : i32
      %mul3A_268 = arith.muli %add3A_266, %mul3A_267 : i32
      %swap3A_269 = arith.index_cast %mul3A_268 : i32 to index
      %swap3A_270 = tpu.vector_load %arg19[%swap3A_269] {strides = array<i32>} : memref<10240xf32, #tpu.memory_space<vmem>>, vector<16xf32>,
      tpu.vector_store %arg19[%swap3A_269], %broadcast_in_dim3A_19 {strides = array<i32>} : memref<10240xf32, #tpu.memory_space<vmem>>, vector<16xf32>,
      %mul3A_271 = arith.constant 8 : i32
      %mul3A_272 = arith.muli %scan3A_214, %mul3A_271 : i32
      %add3A_273 = arith.constant 7 : i32
      %add3A_274 = arith.addi %mul3A_272, %add3A_273 : i32
      %mul3A_275 = arith.constant 16 : i32
      %mul3A_276 = arith.muli %add3A_274, %mul3A_275 : i32
      %swap3A_277 = arith.index_cast %mul3A_276 : i32 to index
      %swap3A_278 = tpu.vector_load %arg19[%swap3A_277] {strides = array<i32>} : memref<10240xf32, #tpu.memory_space<vmem>>, vector<16xf32>,
      tpu.vector_store %arg19[%swap3A_277], %broadcast_in_dim3A_19 {strides = array<i32>} : memref<10240xf32, #tpu.memory_space<vmem>>, vector<16xf32>,
      %scan3A_279 = arith.constant 0 : i32
      scf.yield %scan3A_279 : i32
    }
    %scan3A_53 = arith.constant 80 : i32
    %parallel_loop3A = arith.constant 0 : i32
    %parallel_loop3A_54 = arith.constant 625 : i32
    %parallel_loop3A_55 = arith.constant 1 : i32
    scf.for %parallel_loop3A_214 = %parallel_loop3A to %parallel_loop3A_54 step %parallel_loop3A_55  : i32 {
      %parallel_loop3A_215 = arith.constant 16 : i32
      %parallel_loop3A_216 = arith.muli %parallel_loop3A_214, %parallel_loop3A_215 : i32
      %parallel_loop3A_217 = arith.index_cast %parallel_loop3A_216 : i32 to index
      %parallel_loop3A_218 = tpu.vector_load %arg10[%parallel_loop3A_217] {strides = array<i32>} : memref<10000xi32, #tpu.memory_space<vmem>>, vector<16xi32>,
      %parallel_loop3A_219 = arith.constant 65535 : i32
      %parallel_loop3A_220 = vector.broadcast %parallel_loop3A_219 : i32 to vector<16xi32>
      %parallel_loop3A_221 = arith.andi %parallel_loop3A_218, %parallel_loop3A_220 : vector<16xi32>
      %parallel_loop3A_222 = arith.constant 16 : i32
      %parallel_loop3A_223 = vector.broadcast %parallel_loop3A_222 : i32 to vector<16xi32>
      %parallel_loop3A_224 = arith.shrui %parallel_loop3A_218, %parallel_loop3A_223 : vector<16xi32>
      %parallel_loop3A_225 = tpu.vector_load_idx %arg11[%parallel_loop3A_221] : memref<10240xf32, #tpu.memory_space<vmem>>[vector<16xi32>], vector<16xf32>,
      %parallel_loop3A_226 = tpu.vector_load_idx %arg12[%parallel_loop3A_224] : memref<10240xf32, #tpu.memory_space<vmem>>[vector<16xi32>], vector<16xf32>,
      %parallel_loop3A_227 = tpu.vector_load_idx %arg13[%parallel_loop3A_224] : memref<10240xf32, #tpu.memory_space<vmem>>[vector<16xi32>], vector<16xf32>,
      %parallel_loop3A_228 = arith.index_cast %parallel_loop3A_216 : i32 to index
      %parallel_loop3A_229 = tpu.vector_load %arg14[%parallel_loop3A_228] {strides = array<i32>} : memref<10000xf32, #tpu.memory_space<vmem>>, vector<16xf32>,
      %parallel_loop3A_230 = arith.addf %parallel_loop3A_225, %parallel_loop3A_226 : vector<16xf32>
      %parallel_loop3A_231 = arith.addf %parallel_loop3A_230, %parallel_loop3A_229 : vector<16xf32>
      %parallel_loop3A_232 = arith.constant 0.000000e+00 : f32
      %parallel_loop3A_233 = vector.broadcast %parallel_loop3A_232 : f32 to vector<16xf32>
      %parallel_loop3A_234 = arith.subf %parallel_loop3A_233, %parallel_loop3A_231 : vector<16xf32>
      %parallel_loop3A_235 = math.exp %parallel_loop3A_234 : vector<16xf32>
      %parallel_loop3A_236 = arith.constant 1.000000e+00 : f32
      %parallel_loop3A_237 = vector.broadcast %parallel_loop3A_236 : f32 to vector<16xf32>
      %parallel_loop3A_238 = arith.addf %parallel_loop3A_237, %parallel_loop3A_235 : vector<16xf32>
      %parallel_loop3A_239 = arith.constant 1.000000e+00 : f32
      %parallel_loop3A_240 = vector.broadcast %parallel_loop3A_239 : f32 to vector<16xf32>
      %parallel_loop3A_241 = arith.divf %parallel_loop3A_240, %parallel_loop3A_238 : vector<16xf32>
      %parallel_loop3A_242 = arith.mulf %parallel_loop3A_241, %parallel_loop3A_227 : vector<16xf32>
      tpu.vector_store_idx %arg19[%parallel_loop3A_221], %parallel_loop3A_242 {add = true} : memref<10240xf32, #tpu.memory_space<vmem>>[vector<16xi32>], vector<16xf32>,
    } {sc.loop_unroll_factor = 10 : i64, sc.parallel_access}
    %add3A_56 = arith.constant 0 : i32
    %add3A_57 = arith.addi %add3A_56, %add3A : i32
    %mul3A_58 = arith.constant 10240 : i32
    %mul3A_59 = arith.muli %add3A_57, %mul3A_58 : i32
    "tpu.region"() ({
      %run_scoped3A = tpu.sem_alloc : memref<!tpu.dma_semaphore, #tpu.memory_space<semaphore_mem>>
      %dma_start3A_214 = tpu.memref_slice %arg9[%mul3A_59] : memref<1638400xf32, #tpu.memory_space<hbm>> -> memref<10240xf32, #tpu.memory_space<hbm>>
      %dma_start3A_215 = tpu.memref_slice %arg9[%mul3A_59] : memref<1638400xf32, #tpu.memory_space<hbm>> -> memref<10240xf32, #tpu.memory_space<hbm>>
      tpu.enqueue_dma source(%arg19 : memref<10240xf32, #tpu.memory_space<vmem>>) target(%dma_start3A_215 : memref<10240xf32, #tpu.memory_space<hbm>>) target_semaphore(%run_scoped3A : memref<!tpu.dma_semaphore, #tpu.memory_space<semaphore_mem>>)
      %dma_wait3A_216 = tpu.memref_slice %arg9[%mul3A_59] : memref<1638400xf32, #tpu.memory_space<hbm>> -> memref<10240xf32, #tpu.memory_space<hbm>>
      %dma_wait3A_217 = tpu.memref_slice %arg9[%mul3A_59] : memref<1638400xf32, #tpu.memory_space<hbm>> -> memref<10240xf32, #tpu.memory_space<hbm>>
      tpu.wait_dma2 semaphore(%run_scoped3A : memref<!tpu.dma_semaphore, #tpu.memory_space<semaphore_mem>>) src(%arg19 : memref<10240xf32, #tpu.memory_space<vmem>>) dst(%dma_wait3A_217 : memref<10240xf32, #tpu.memory_space<hbm>>)
      tpu.yield
    }) : () -> ()
    %dma_wait3A_60 = arith.constant 10240 : i32
    %dma_wait3A_61 = tpu.memref_slice %arg2[%dma_wait3A_60] : memref<245760xf32, #tpu.memory_space<hbm>> -> memref<10240xf32, #tpu.memory_space<hbm>>
    %dma_wait3A_62 = arith.constant 10240 : i32
    %dma_wait3A_63 = tpu.memref_slice %arg2[%dma_wait3A_62] : memref<245760xf32, #tpu.memory_space<hbm>> -> memref<10240xf32, #tpu.memory_space<hbm>>
    tpu.wait_dma2 semaphore(%arg22 : memref<!tpu.dma_semaphore, #tpu.memory_space<semaphore_mem>>) src(%dma_wait3A_63 : memref<10240xf32, #tpu.memory_space<hbm>>) dst(%arg15 : memref<10240xf32, #tpu.memory_space<vmem>>)
    %dma_wait3A_64 = arith.constant 61440 : i32
    %dma_wait3A_65 = tpu.memref_slice %arg2[%dma_wait3A_64] : memref<245760xf32, #tpu.memory_space<hbm>> -> memref<10240xf32, #tpu.memory_space<hbm>>
    %dma_wait3A_66 = arith.constant 61440 : i32
    %dma_wait3A_67 = tpu.memref_slice %arg2[%dma_wait3A_66] : memref<245760xf32, #tpu.memory_space<hbm>> -> memref<10240xf32, #tpu.memory_space<hbm>>
    tpu.wait_dma2 semaphore(%arg22 : memref<!tpu.dma_semaphore, #tpu.memory_space<semaphore_mem>>) src(%dma_wait3A_67 : memref<10240xf32, #tpu.memory_space<hbm>>) dst(%arg16 : memref<10240xf32, #tpu.memory_space<vmem>>)
    %dma_wait3A_68 = arith.constant 112640 : i32
    %dma_wait3A_69 = tpu.memref_slice %arg2[%dma_wait3A_68] : memref<245760xf32, #tpu.memory_space<hbm>> -> memref<10240xf32, #tpu.memory_space<hbm>>
    %dma_wait3A_70 = arith.constant 112640 : i32
    %dma_wait3A_71 = tpu.memref_slice %arg2[%dma_wait3A_70] : memref<245760xf32, #tpu.memory_space<hbm>> -> memref<10240xf32, #tpu.memory_space<hbm>>
    tpu.wait_dma2 semaphore(%arg22 : memref<!tpu.dma_semaphore, #tpu.memory_space<semaphore_mem>>) src(%dma_wait3A_71 : memref<10240xf32, #tpu.memory_space<hbm>>) dst(%arg17 : memref<10240xf32, #tpu.memory_space<vmem>>)
    %dma_wait3A_72 = tpu.memref_slice %arg4[%mul3A_2] : memref<320000xf32, #tpu.memory_space<hbm>> -> memref<10000xf32, #tpu.memory_space<hbm>>
    %dma_wait3A_73 = tpu.memref_slice %arg4[%mul3A_2] : memref<320000xf32, #tpu.memory_space<hbm>> -> memref<10000xf32, #tpu.memory_space<hbm>>
    tpu.wait_dma2 semaphore(%arg22 : memref<!tpu.dma_semaphore, #tpu.memory_space<semaphore_mem>>) src(%dma_wait3A_73 : memref<10000xf32, #tpu.memory_space<hbm>>) dst(%arg18 : memref<10000xf32, #tpu.memory_space<vmem>>)
    %dma_start3A_74 = arith.constant 20480 : i32
    %dma_start3A_75 = tpu.memref_slice %arg2[%dma_start3A_74] : memref<245760xf32, #tpu.memory_space<hbm>> -> memref<10240xf32, #tpu.memory_space<hbm>>
    %dma_start3A_76 = arith.constant 20480 : i32
    %dma_start3A_77 = tpu.memref_slice %arg2[%dma_start3A_76] : memref<245760xf32, #tpu.memory_space<hbm>> -> memref<10240xf32, #tpu.memory_space<hbm>>
    tpu.enqueue_dma source(%dma_start3A_77 : memref<10240xf32, #tpu.memory_space<hbm>>) target(%arg11 : memref<10240xf32, #tpu.memory_space<vmem>>) target_semaphore(%arg21 : memref<!tpu.dma_semaphore, #tpu.memory_space<semaphore_mem>>)
    %dma_start3A_78 = arith.constant 71680 : i32
    %dma_start3A_79 = tpu.memref_slice %arg2[%dma_start3A_78] : memref<245760xf32, #tpu.memory_space<hbm>> -> memref<10240xf32, #tpu.memory_space<hbm>>
    %dma_start3A_80 = arith.constant 71680 : i32
    %dma_start3A_81 = tpu.memref_slice %arg2[%dma_start3A_80] : memref<245760xf32, #tpu.memory_space<hbm>> -> memref<10240xf32, #tpu.memory_space<hbm>>
    tpu.enqueue_dma source(%dma_start3A_81 : memref<10240xf32, #tpu.memory_space<hbm>>) target(%arg12 : memref<10240xf32, #tpu.memory_space<vmem>>) target_semaphore(%arg21 : memref<!tpu.dma_semaphore, #tpu.memory_space<semaphore_mem>>)
    %dma_start3A_82 = arith.constant 122880 : i32
    %dma_start3A_83 = tpu.memref_slice %arg2[%dma_start3A_82] : memref<245760xf32, #tpu.memory_space<hbm>> -> memref<10240xf32, #tpu.memory_space<hbm>>
    %dma_start3A_84 = arith.constant 122880 : i32
    %dma_start3A_85 = tpu.memref_slice %arg2[%dma_start3A_84] : memref<245760xf32, #tpu.memory_space<hbm>> -> memref<10240xf32, #tpu.memory_space<hbm>>
    tpu.enqueue_dma source(%dma_start3A_85 : memref<10240xf32, #tpu.memory_space<hbm>>) target(%arg13 : memref<10240xf32, #tpu.memory_space<vmem>>) target_semaphore(%arg21 : memref<!tpu.dma_semaphore, #tpu.memory_space<semaphore_mem>>)
    %dma_start3A_86 = tpu.memref_slice %arg5[%mul3A_2] : memref<320000xf32, #tpu.memory_space<hbm>> -> memref<10000xf32, #tpu.memory_space<hbm>>
    %dma_start3A_87 = tpu.memref_slice %arg5[%mul3A_2] : memref<320000xf32, #tpu.memory_space<hbm>> -> memref<10000xf32, #tpu.memory_space<hbm>>
    tpu.enqueue_dma source(%dma_start3A_87 : memref<10000xf32, #tpu.memory_space<hbm>>) target(%arg14 : memref<10000xf32, #tpu.memory_space<vmem>>) target_semaphore(%arg21 : memref<!tpu.dma_semaphore, #tpu.memory_space<semaphore_mem>>)
    %scan3A_88 = arith.constant 0 : i32
    %scan3A_89 = arith.constant 0 : i32
    %scan3A_90 = arith.constant 80 : i32
    %scan3A_91 = arith.addi %scan3A_89, %scan3A_90 : i32
    %scan3A_92 = arith.constant 1 : i32
    %scan3A_93 = scf.for %scan3A_214 = %scan3A_89 to %scan3A_91 step %scan3A_92 iter_args(%scan3A_215 = %scan3A_88) -> (i32)  : i32 {
      %mul3A_216 = arith.constant 8 : i32
      %mul3A_217 = arith.muli %scan3A_214, %mul3A_216 : i32
      %add3A_218 = arith.constant 0 : i32
      %add3A_219 = arith.addi %mul3A_217, %add3A_218 : i32
      %mul3A_220 = arith.constant 16 : i32
      %mul3A_221 = arith.muli %add3A_219, %mul3A_220 : i32
      %swap3A = arith.index_cast %mul3A_221 : i32 to index
      %swap3A_222 = tpu.vector_load %arg19[%swap3A] {strides = array<i32>} : memref<10240xf32, #tpu.memory_space<vmem>>, vector<16xf32>,
      tpu.vector_store %arg19[%swap3A], %broadcast_in_dim3A_19 {strides = array<i32>} : memref<10240xf32, #tpu.memory_space<vmem>>, vector<16xf32>,
      %mul3A_223 = arith.constant 8 : i32
      %mul3A_224 = arith.muli %scan3A_214, %mul3A_223 : i32
      %add3A_225 = arith.constant 1 : i32
      %add3A_226 = arith.addi %mul3A_224, %add3A_225 : i32
      %mul3A_227 = arith.constant 16 : i32
      %mul3A_228 = arith.muli %add3A_226, %mul3A_227 : i32
      %swap3A_229 = arith.index_cast %mul3A_228 : i32 to index
      %swap3A_230 = tpu.vector_load %arg19[%swap3A_229] {strides = array<i32>} : memref<10240xf32, #tpu.memory_space<vmem>>, vector<16xf32>,
      tpu.vector_store %arg19[%swap3A_229], %broadcast_in_dim3A_19 {strides = array<i32>} : memref<10240xf32, #tpu.memory_space<vmem>>, vector<16xf32>,
      %mul3A_231 = arith.constant 8 : i32
      %mul3A_232 = arith.muli %scan3A_214, %mul3A_231 : i32
      %add3A_233 = arith.constant 2 : i32
      %add3A_234 = arith.addi %mul3A_232, %add3A_233 : i32
      %mul3A_235 = arith.constant 16 : i32
      %mul3A_236 = arith.muli %add3A_234, %mul3A_235 : i32
      %swap3A_237 = arith.index_cast %mul3A_236 : i32 to index
      %swap3A_238 = tpu.vector_load %arg19[%swap3A_237] {strides = array<i32>} : memref<10240xf32, #tpu.memory_space<vmem>>, vector<16xf32>,
      tpu.vector_store %arg19[%swap3A_237], %broadcast_in_dim3A_19 {strides = array<i32>} : memref<10240xf32, #tpu.memory_space<vmem>>, vector<16xf32>,
      %mul3A_239 = arith.constant 8 : i32
      %mul3A_240 = arith.muli %scan3A_214, %mul3A_239 : i32
      %add3A_241 = arith.constant 3 : i32
      %add3A_242 = arith.addi %mul3A_240, %add3A_241 : i32
      %mul3A_243 = arith.constant 16 : i32
      %mul3A_244 = arith.muli %add3A_242, %mul3A_243 : i32
      %swap3A_245 = arith.index_cast %mul3A_244 : i32 to index
      %swap3A_246 = tpu.vector_load %arg19[%swap3A_245] {strides = array<i32>} : memref<10240xf32, #tpu.memory_space<vmem>>, vector<16xf32>,
      tpu.vector_store %arg19[%swap3A_245], %broadcast_in_dim3A_19 {strides = array<i32>} : memref<10240xf32, #tpu.memory_space<vmem>>, vector<16xf32>,
      %mul3A_247 = arith.constant 8 : i32
      %mul3A_248 = arith.muli %scan3A_214, %mul3A_247 : i32
      %add3A_249 = arith.constant 4 : i32
      %add3A_250 = arith.addi %mul3A_248, %add3A_249 : i32
      %mul3A_251 = arith.constant 16 : i32
      %mul3A_252 = arith.muli %add3A_250, %mul3A_251 : i32
      %swap3A_253 = arith.index_cast %mul3A_252 : i32 to index
      %swap3A_254 = tpu.vector_load %arg19[%swap3A_253] {strides = array<i32>} : memref<10240xf32, #tpu.memory_space<vmem>>, vector<16xf32>,
      tpu.vector_store %arg19[%swap3A_253], %broadcast_in_dim3A_19 {strides = array<i32>} : memref<10240xf32, #tpu.memory_space<vmem>>, vector<16xf32>,
      %mul3A_255 = arith.constant 8 : i32
      %mul3A_256 = arith.muli %scan3A_214, %mul3A_255 : i32
      %add3A_257 = arith.constant 5 : i32
      %add3A_258 = arith.addi %mul3A_256, %add3A_257 : i32
      %mul3A_259 = arith.constant 16 : i32
      %mul3A_260 = arith.muli %add3A_258, %mul3A_259 : i32
      %swap3A_261 = arith.index_cast %mul3A_260 : i32 to index
      %swap3A_262 = tpu.vector_load %arg19[%swap3A_261] {strides = array<i32>} : memref<10240xf32, #tpu.memory_space<vmem>>, vector<16xf32>,
      tpu.vector_store %arg19[%swap3A_261], %broadcast_in_dim3A_19 {strides = array<i32>} : memref<10240xf32, #tpu.memory_space<vmem>>, vector<16xf32>,
      %mul3A_263 = arith.constant 8 : i32
      %mul3A_264 = arith.muli %scan3A_214, %mul3A_263 : i32
      %add3A_265 = arith.constant 6 : i32
      %add3A_266 = arith.addi %mul3A_264, %add3A_265 : i32
      %mul3A_267 = arith.constant 16 : i32
      %mul3A_268 = arith.muli %add3A_266, %mul3A_267 : i32
      %swap3A_269 = arith.index_cast %mul3A_268 : i32 to index
      %swap3A_270 = tpu.vector_load %arg19[%swap3A_269] {strides = array<i32>} : memref<10240xf32, #tpu.memory_space<vmem>>, vector<16xf32>,
      tpu.vector_store %arg19[%swap3A_269], %broadcast_in_dim3A_19 {strides = array<i32>} : memref<10240xf32, #tpu.memory_space<vmem>>, vector<16xf32>,
      %mul3A_271 = arith.constant 8 : i32
      %mul3A_272 = arith.muli %scan3A_214, %mul3A_271 : i32
      %add3A_273 = arith.constant 7 : i32
      %add3A_274 = arith.addi %mul3A_272, %add3A_273 : i32
      %mul3A_275 = arith.constant 16 : i32
      %mul3A_276 = arith.muli %add3A_274, %mul3A_275 : i32
      %swap3A_277 = arith.index_cast %mul3A_276 : i32 to index
      %swap3A_278 = tpu.vector_load %arg19[%swap3A_277] {strides = array<i32>} : memref<10240xf32, #tpu.memory_space<vmem>>, vector<16xf32>,
      tpu.vector_store %arg19[%swap3A_277], %broadcast_in_dim3A_19 {strides = array<i32>} : memref<10240xf32, #tpu.memory_space<vmem>>, vector<16xf32>,
      %scan3A_279 = arith.constant 0 : i32
      scf.yield %scan3A_279 : i32
    }
    %scan3A_94 = arith.constant 80 : i32
    %parallel_loop3A_95 = arith.constant 0 : i32
    %parallel_loop3A_96 = arith.constant 625 : i32
    %parallel_loop3A_97 = arith.constant 1 : i32
    scf.for %parallel_loop3A_214 = %parallel_loop3A_95 to %parallel_loop3A_96 step %parallel_loop3A_97  : i32 {
      %parallel_loop3A_215 = arith.constant 16 : i32
      %parallel_loop3A_216 = arith.muli %parallel_loop3A_214, %parallel_loop3A_215 : i32
      %parallel_loop3A_217 = arith.index_cast %parallel_loop3A_216 : i32 to index
      %parallel_loop3A_218 = tpu.vector_load %arg10[%parallel_loop3A_217] {strides = array<i32>} : memref<10000xi32, #tpu.memory_space<vmem>>, vector<16xi32>,
      %parallel_loop3A_219 = arith.constant 65535 : i32
      %parallel_loop3A_220 = vector.broadcast %parallel_loop3A_219 : i32 to vector<16xi32>
      %parallel_loop3A_221 = arith.andi %parallel_loop3A_218, %parallel_loop3A_220 : vector<16xi32>
      %parallel_loop3A_222 = arith.constant 16 : i32
      %parallel_loop3A_223 = vector.broadcast %parallel_loop3A_222 : i32 to vector<16xi32>
      %parallel_loop3A_224 = arith.shrui %parallel_loop3A_218, %parallel_loop3A_223 : vector<16xi32>
      %parallel_loop3A_225 = tpu.vector_load_idx %arg15[%parallel_loop3A_221] : memref<10240xf32, #tpu.memory_space<vmem>>[vector<16xi32>], vector<16xf32>,
      %parallel_loop3A_226 = tpu.vector_load_idx %arg16[%parallel_loop3A_224] : memref<10240xf32, #tpu.memory_space<vmem>>[vector<16xi32>], vector<16xf32>,
      %parallel_loop3A_227 = tpu.vector_load_idx %arg17[%parallel_loop3A_224] : memref<10240xf32, #tpu.memory_space<vmem>>[vector<16xi32>], vector<16xf32>,
      %parallel_loop3A_228 = arith.index_cast %parallel_loop3A_216 : i32 to index
      %parallel_loop3A_229 = tpu.vector_load %arg18[%parallel_loop3A_228] {strides = array<i32>} : memref<10000xf32, #tpu.memory_space<vmem>>, vector<16xf32>,
      %parallel_loop3A_230 = arith.addf %parallel_loop3A_225, %parallel_loop3A_226 : vector<16xf32>
      %parallel_loop3A_231 = arith.addf %parallel_loop3A_230, %parallel_loop3A_229 : vector<16xf32>
      %parallel_loop3A_232 = arith.constant 0.000000e+00 : f32
      %parallel_loop3A_233 = vector.broadcast %parallel_loop3A_232 : f32 to vector<16xf32>
      %parallel_loop3A_234 = arith.subf %parallel_loop3A_233, %parallel_loop3A_231 : vector<16xf32>
      %parallel_loop3A_235 = math.exp %parallel_loop3A_234 : vector<16xf32>
      %parallel_loop3A_236 = arith.constant 1.000000e+00 : f32
      %parallel_loop3A_237 = vector.broadcast %parallel_loop3A_236 : f32 to vector<16xf32>
      %parallel_loop3A_238 = arith.addf %parallel_loop3A_237, %parallel_loop3A_235 : vector<16xf32>
      %parallel_loop3A_239 = arith.constant 1.000000e+00 : f32
      %parallel_loop3A_240 = vector.broadcast %parallel_loop3A_239 : f32 to vector<16xf32>
      %parallel_loop3A_241 = arith.divf %parallel_loop3A_240, %parallel_loop3A_238 : vector<16xf32>
      %parallel_loop3A_242 = arith.mulf %parallel_loop3A_241, %parallel_loop3A_227 : vector<16xf32>
      tpu.vector_store_idx %arg19[%parallel_loop3A_221], %parallel_loop3A_242 {add = true} : memref<10240xf32, #tpu.memory_space<vmem>>[vector<16xi32>], vector<16xf32>,
    } {sc.loop_unroll_factor = 10 : i64, sc.parallel_access}
    %add3A_98 = arith.constant 32 : i32
    %add3A_99 = arith.addi %add3A_98, %add3A : i32
    %mul3A_100 = arith.constant 10240 : i32
    %mul3A_101 = arith.muli %add3A_99, %mul3A_100 : i32
    "tpu.region"() ({
      %run_scoped3A = tpu.sem_alloc : memref<!tpu.dma_semaphore, #tpu.memory_space<semaphore_mem>>
      %dma_start3A_214 = tpu.memref_slice %arg9[%mul3A_101] : memref<1638400xf32, #tpu.memory_space<hbm>> -> memref<10240xf32, #tpu.memory_space<hbm>>
      %dma_start3A_215 = tpu.memref_slice %arg9[%mul3A_101] : memref<1638400xf32, #tpu.memory_space<hbm>> -> memref<10240xf32, #tpu.memory_space<hbm>>
      tpu.enqueue_dma source(%arg19 : memref<10240xf32, #tpu.memory_space<vmem>>) target(%dma_start3A_215 : memref<10240xf32, #tpu.memory_space<hbm>>) target_semaphore(%run_scoped3A : memref<!tpu.dma_semaphore, #tpu.memory_space<semaphore_mem>>)
      %dma_wait3A_216 = tpu.memref_slice %arg9[%mul3A_101] : memref<1638400xf32, #tpu.memory_space<hbm>> -> memref<10240xf32, #tpu.memory_space<hbm>>
      %dma_wait3A_217 = tpu.memref_slice %arg9[%mul3A_101] : memref<1638400xf32, #tpu.memory_space<hbm>> -> memref<10240xf32, #tpu.memory_space<hbm>>
      tpu.wait_dma2 semaphore(%run_scoped3A : memref<!tpu.dma_semaphore, #tpu.memory_space<semaphore_mem>>) src(%arg19 : memref<10240xf32, #tpu.memory_space<vmem>>) dst(%dma_wait3A_217 : memref<10240xf32, #tpu.memory_space<hbm>>)
      tpu.yield
    }) : () -> ()
    %dma_wait3A_102 = arith.constant 20480 : i32
    %dma_wait3A_103 = tpu.memref_slice %arg2[%dma_wait3A_102] : memref<245760xf32, #tpu.memory_space<hbm>> -> memref<10240xf32, #tpu.memory_space<hbm>>
    %dma_wait3A_104 = arith.constant 20480 : i32
    %dma_wait3A_105 = tpu.memref_slice %arg2[%dma_wait3A_104] : memref<245760xf32, #tpu.memory_space<hbm>> -> memref<10240xf32, #tpu.memory_space<hbm>>
    tpu.wait_dma2 semaphore(%arg21 : memref<!tpu.dma_semaphore, #tpu.memory_space<semaphore_mem>>) src(%dma_wait3A_105 : memref<10240xf32, #tpu.memory_space<hbm>>) dst(%arg11 : memref<10240xf32, #tpu.memory_space<vmem>>)
    %dma_wait3A_106 = arith.constant 71680 : i32
    %dma_wait3A_107 = tpu.memref_slice %arg2[%dma_wait3A_106] : memref<245760xf32, #tpu.memory_space<hbm>> -> memref<10240xf32, #tpu.memory_space<hbm>>
    %dma_wait3A_108 = arith.constant 71680 : i32
    %dma_wait3A_109 = tpu.memref_slice %arg2[%dma_wait3A_108] : memref<245760xf32, #tpu.memory_space<hbm>> -> memref<10240xf32, #tpu.memory_space<hbm>>
    tpu.wait_dma2 semaphore(%arg21 : memref<!tpu.dma_semaphore, #tpu.memory_space<semaphore_mem>>) src(%dma_wait3A_109 : memref<10240xf32, #tpu.memory_space<hbm>>) dst(%arg12 : memref<10240xf32, #tpu.memory_space<vmem>>)
    %dma_wait3A_110 = arith.constant 122880 : i32
    %dma_wait3A_111 = tpu.memref_slice %arg2[%dma_wait3A_110] : memref<245760xf32, #tpu.memory_space<hbm>> -> memref<10240xf32, #tpu.memory_space<hbm>>
    %dma_wait3A_112 = arith.constant 122880 : i32
    %dma_wait3A_113 = tpu.memref_slice %arg2[%dma_wait3A_112] : memref<245760xf32, #tpu.memory_space<hbm>> -> memref<10240xf32, #tpu.memory_space<hbm>>
    tpu.wait_dma2 semaphore(%arg21 : memref<!tpu.dma_semaphore, #tpu.memory_space<semaphore_mem>>) src(%dma_wait3A_113 : memref<10240xf32, #tpu.memory_space<hbm>>) dst(%arg13 : memref<10240xf32, #tpu.memory_space<vmem>>)
    %dma_wait3A_114 = tpu.memref_slice %arg5[%mul3A_2] : memref<320000xf32, #tpu.memory_space<hbm>> -> memref<10000xf32, #tpu.memory_space<hbm>>
    %dma_wait3A_115 = tpu.memref_slice %arg5[%mul3A_2] : memref<320000xf32, #tpu.memory_space<hbm>> -> memref<10000xf32, #tpu.memory_space<hbm>>
    tpu.wait_dma2 semaphore(%arg21 : memref<!tpu.dma_semaphore, #tpu.memory_space<semaphore_mem>>) src(%dma_wait3A_115 : memref<10000xf32, #tpu.memory_space<hbm>>) dst(%arg14 : memref<10000xf32, #tpu.memory_space<vmem>>)
    %dma_start3A_116 = arith.constant 30720 : i32
    %dma_start3A_117 = tpu.memref_slice %arg2[%dma_start3A_116] : memref<245760xf32, #tpu.memory_space<hbm>> -> memref<10240xf32, #tpu.memory_space<hbm>>
    %dma_start3A_118 = arith.constant 30720 : i32
    %dma_start3A_119 = tpu.memref_slice %arg2[%dma_start3A_118] : memref<245760xf32, #tpu.memory_space<hbm>> -> memref<10240xf32, #tpu.memory_space<hbm>>
    tpu.enqueue_dma source(%dma_start3A_119 : memref<10240xf32, #tpu.memory_space<hbm>>) target(%arg15 : memref<10240xf32, #tpu.memory_space<vmem>>) target_semaphore(%arg22 : memref<!tpu.dma_semaphore, #tpu.memory_space<semaphore_mem>>)
    %dma_start3A_120 = arith.constant 81920 : i32
    %dma_start3A_121 = tpu.memref_slice %arg2[%dma_start3A_120] : memref<245760xf32, #tpu.memory_space<hbm>> -> memref<10240xf32, #tpu.memory_space<hbm>>
    %dma_start3A_122 = arith.constant 81920 : i32
    %dma_start3A_123 = tpu.memref_slice %arg2[%dma_start3A_122] : memref<245760xf32, #tpu.memory_space<hbm>> -> memref<10240xf32, #tpu.memory_space<hbm>>
    tpu.enqueue_dma source(%dma_start3A_123 : memref<10240xf32, #tpu.memory_space<hbm>>) target(%arg16 : memref<10240xf32, #tpu.memory_space<vmem>>) target_semaphore(%arg22 : memref<!tpu.dma_semaphore, #tpu.memory_space<semaphore_mem>>)
    %dma_start3A_124 = arith.constant 133120 : i32
    %dma_start3A_125 = tpu.memref_slice %arg2[%dma_start3A_124] : memref<245760xf32, #tpu.memory_space<hbm>> -> memref<10240xf32, #tpu.memory_space<hbm>>
    %dma_start3A_126 = arith.constant 133120 : i32
    %dma_start3A_127 = tpu.memref_slice %arg2[%dma_start3A_126] : memref<245760xf32, #tpu.memory_space<hbm>> -> memref<10240xf32, #tpu.memory_space<hbm>>
    tpu.enqueue_dma source(%dma_start3A_127 : memref<10240xf32, #tpu.memory_space<hbm>>) target(%arg17 : memref<10240xf32, #tpu.memory_space<vmem>>) target_semaphore(%arg22 : memref<!tpu.dma_semaphore, #tpu.memory_space<semaphore_mem>>)
    %dma_start3A_128 = tpu.memref_slice %arg6[%mul3A_2] : memref<320000xf32, #tpu.memory_space<hbm>> -> memref<10000xf32, #tpu.memory_space<hbm>>
    %dma_start3A_129 = tpu.memref_slice %arg6[%mul3A_2] : memref<320000xf32, #tpu.memory_space<hbm>> -> memref<10000xf32, #tpu.memory_space<hbm>>
    tpu.enqueue_dma source(%dma_start3A_129 : memref<10000xf32, #tpu.memory_space<hbm>>) target(%arg18 : memref<10000xf32, #tpu.memory_space<vmem>>) target_semaphore(%arg22 : memref<!tpu.dma_semaphore, #tpu.memory_space<semaphore_mem>>)
    %scan3A_130 = arith.constant 0 : i32
    %scan3A_131 = arith.constant 0 : i32
    %scan3A_132 = arith.constant 80 : i32
    %scan3A_133 = arith.addi %scan3A_131, %scan3A_132 : i32
    %scan3A_134 = arith.constant 1 : i32
    %scan3A_135 = scf.for %scan3A_214 = %scan3A_131 to %scan3A_133 step %scan3A_134 iter_args(%scan3A_215 = %scan3A_130) -> (i32)  : i32 {
      %mul3A_216 = arith.constant 8 : i32
      %mul3A_217 = arith.muli %scan3A_214, %mul3A_216 : i32
      %add3A_218 = arith.constant 0 : i32
      %add3A_219 = arith.addi %mul3A_217, %add3A_218 : i32
      %mul3A_220 = arith.constant 16 : i32
      %mul3A_221 = arith.muli %add3A_219, %mul3A_220 : i32
      %swap3A = arith.index_cast %mul3A_221 : i32 to index
      %swap3A_222 = tpu.vector_load %arg19[%swap3A] {strides = array<i32>} : memref<10240xf32, #tpu.memory_space<vmem>>, vector<16xf32>,
      tpu.vector_store %arg19[%swap3A], %broadcast_in_dim3A_19 {strides = array<i32>} : memref<10240xf32, #tpu.memory_space<vmem>>, vector<16xf32>,
      %mul3A_223 = arith.constant 8 : i32
      %mul3A_224 = arith.muli %scan3A_214, %mul3A_223 : i32
      %add3A_225 = arith.constant 1 : i32
      %add3A_226 = arith.addi %mul3A_224, %add3A_225 : i32
      %mul3A_227 = arith.constant 16 : i32
      %mul3A_228 = arith.muli %add3A_226, %mul3A_227 : i32
      %swap3A_229 = arith.index_cast %mul3A_228 : i32 to index
      %swap3A_230 = tpu.vector_load %arg19[%swap3A_229] {strides = array<i32>} : memref<10240xf32, #tpu.memory_space<vmem>>, vector<16xf32>,
      tpu.vector_store %arg19[%swap3A_229], %broadcast_in_dim3A_19 {strides = array<i32>} : memref<10240xf32, #tpu.memory_space<vmem>>, vector<16xf32>,
      %mul3A_231 = arith.constant 8 : i32
      %mul3A_232 = arith.muli %scan3A_214, %mul3A_231 : i32
      %add3A_233 = arith.constant 2 : i32
      %add3A_234 = arith.addi %mul3A_232, %add3A_233 : i32
      %mul3A_235 = arith.constant 16 : i32
      %mul3A_236 = arith.muli %add3A_234, %mul3A_235 : i32
      %swap3A_237 = arith.index_cast %mul3A_236 : i32 to index
      %swap3A_238 = tpu.vector_load %arg19[%swap3A_237] {strides = array<i32>} : memref<10240xf32, #tpu.memory_space<vmem>>, vector<16xf32>,
      tpu.vector_store %arg19[%swap3A_237], %broadcast_in_dim3A_19 {strides = array<i32>} : memref<10240xf32, #tpu.memory_space<vmem>>, vector<16xf32>,
      %mul3A_239 = arith.constant 8 : i32
      %mul3A_240 = arith.muli %scan3A_214, %mul3A_239 : i32
      %add3A_241 = arith.constant 3 : i32
      %add3A_242 = arith.addi %mul3A_240, %add3A_241 : i32
      %mul3A_243 = arith.constant 16 : i32
      %mul3A_244 = arith.muli %add3A_242, %mul3A_243 : i32
      %swap3A_245 = arith.index_cast %mul3A_244 : i32 to index
      %swap3A_246 = tpu.vector_load %arg19[%swap3A_245] {strides = array<i32>} : memref<10240xf32, #tpu.memory_space<vmem>>, vector<16xf32>,
      tpu.vector_store %arg19[%swap3A_245], %broadcast_in_dim3A_19 {strides = array<i32>} : memref<10240xf32, #tpu.memory_space<vmem>>, vector<16xf32>,
      %mul3A_247 = arith.constant 8 : i32
      %mul3A_248 = arith.muli %scan3A_214, %mul3A_247 : i32
      %add3A_249 = arith.constant 4 : i32
      %add3A_250 = arith.addi %mul3A_248, %add3A_249 : i32
      %mul3A_251 = arith.constant 16 : i32
      %mul3A_252 = arith.muli %add3A_250, %mul3A_251 : i32
      %swap3A_253 = arith.index_cast %mul3A_252 : i32 to index
      %swap3A_254 = tpu.vector_load %arg19[%swap3A_253] {strides = array<i32>} : memref<10240xf32, #tpu.memory_space<vmem>>, vector<16xf32>,
      tpu.vector_store %arg19[%swap3A_253], %broadcast_in_dim3A_19 {strides = array<i32>} : memref<10240xf32, #tpu.memory_space<vmem>>, vector<16xf32>,
      %mul3A_255 = arith.constant 8 : i32
      %mul3A_256 = arith.muli %scan3A_214, %mul3A_255 : i32
      %add3A_257 = arith.constant 5 : i32
      %add3A_258 = arith.addi %mul3A_256, %add3A_257 : i32
      %mul3A_259 = arith.constant 16 : i32
      %mul3A_260 = arith.muli %add3A_258, %mul3A_259 : i32
      %swap3A_261 = arith.index_cast %mul3A_260 : i32 to index
      %swap3A_262 = tpu.vector_load %arg19[%swap3A_261] {strides = array<i32>} : memref<10240xf32, #tpu.memory_space<vmem>>, vector<16xf32>,
      tpu.vector_store %arg19[%swap3A_261], %broadcast_in_dim3A_19 {strides = array<i32>} : memref<10240xf32, #tpu.memory_space<vmem>>, vector<16xf32>,
      %mul3A_263 = arith.constant 8 : i32
      %mul3A_264 = arith.muli %scan3A_214, %mul3A_263 : i32
      %add3A_265 = arith.constant 6 : i32
      %add3A_266 = arith.addi %mul3A_264, %add3A_265 : i32
      %mul3A_267 = arith.constant 16 : i32
      %mul3A_268 = arith.muli %add3A_266, %mul3A_267 : i32
      %swap3A_269 = arith.index_cast %mul3A_268 : i32 to index
      %swap3A_270 = tpu.vector_load %arg19[%swap3A_269] {strides = array<i32>} : memref<10240xf32, #tpu.memory_space<vmem>>, vector<16xf32>,
      tpu.vector_store %arg19[%swap3A_269], %broadcast_in_dim3A_19 {strides = array<i32>} : memref<10240xf32, #tpu.memory_space<vmem>>, vector<16xf32>,
      %mul3A_271 = arith.constant 8 : i32
      %mul3A_272 = arith.muli %scan3A_214, %mul3A_271 : i32
      %add3A_273 = arith.constant 7 : i32
      %add3A_274 = arith.addi %mul3A_272, %add3A_273 : i32
      %mul3A_275 = arith.constant 16 : i32
      %mul3A_276 = arith.muli %add3A_274, %mul3A_275 : i32
      %swap3A_277 = arith.index_cast %mul3A_276 : i32 to index
      %swap3A_278 = tpu.vector_load %arg19[%swap3A_277] {strides = array<i32>} : memref<10240xf32, #tpu.memory_space<vmem>>, vector<16xf32>,
      tpu.vector_store %arg19[%swap3A_277], %broadcast_in_dim3A_19 {strides = array<i32>} : memref<10240xf32, #tpu.memory_space<vmem>>, vector<16xf32>,
      %scan3A_279 = arith.constant 0 : i32
      scf.yield %scan3A_279 : i32
    }
    %scan3A_136 = arith.constant 80 : i32
    %parallel_loop3A_137 = arith.constant 0 : i32
    %parallel_loop3A_138 = arith.constant 625 : i32
    %parallel_loop3A_139 = arith.constant 1 : i32
    scf.for %parallel_loop3A_214 = %parallel_loop3A_137 to %parallel_loop3A_138 step %parallel_loop3A_139  : i32 {
      %parallel_loop3A_215 = arith.constant 16 : i32
      %parallel_loop3A_216 = arith.muli %parallel_loop3A_214, %parallel_loop3A_215 : i32
      %parallel_loop3A_217 = arith.index_cast %parallel_loop3A_216 : i32 to index
      %parallel_loop3A_218 = tpu.vector_load %arg10[%parallel_loop3A_217] {strides = array<i32>} : memref<10000xi32, #tpu.memory_space<vmem>>, vector<16xi32>,
      %parallel_loop3A_219 = arith.constant 65535 : i32
      %parallel_loop3A_220 = vector.broadcast %parallel_loop3A_219 : i32 to vector<16xi32>
      %parallel_loop3A_221 = arith.andi %parallel_loop3A_218, %parallel_loop3A_220 : vector<16xi32>
      %parallel_loop3A_222 = arith.constant 16 : i32
      %parallel_loop3A_223 = vector.broadcast %parallel_loop3A_222 : i32 to vector<16xi32>
      %parallel_loop3A_224 = arith.shrui %parallel_loop3A_218, %parallel_loop3A_223 : vector<16xi32>
      %parallel_loop3A_225 = tpu.vector_load_idx %arg11[%parallel_loop3A_221] : memref<10240xf32, #tpu.memory_space<vmem>>[vector<16xi32>], vector<16xf32>,
      %parallel_loop3A_226 = tpu.vector_load_idx %arg12[%parallel_loop3A_224] : memref<10240xf32, #tpu.memory_space<vmem>>[vector<16xi32>], vector<16xf32>,
      %parallel_loop3A_227 = tpu.vector_load_idx %arg13[%parallel_loop3A_224] : memref<10240xf32, #tpu.memory_space<vmem>>[vector<16xi32>], vector<16xf32>,
      %parallel_loop3A_228 = arith.index_cast %parallel_loop3A_216 : i32 to index
      %parallel_loop3A_229 = tpu.vector_load %arg14[%parallel_loop3A_228] {strides = array<i32>} : memref<10000xf32, #tpu.memory_space<vmem>>, vector<16xf32>,
      %parallel_loop3A_230 = arith.addf %parallel_loop3A_225, %parallel_loop3A_226 : vector<16xf32>
      %parallel_loop3A_231 = arith.addf %parallel_loop3A_230, %parallel_loop3A_229 : vector<16xf32>
      %parallel_loop3A_232 = arith.constant 0.000000e+00 : f32
      %parallel_loop3A_233 = vector.broadcast %parallel_loop3A_232 : f32 to vector<16xf32>
      %parallel_loop3A_234 = arith.subf %parallel_loop3A_233, %parallel_loop3A_231 : vector<16xf32>
      %parallel_loop3A_235 = math.exp %parallel_loop3A_234 : vector<16xf32>
      %parallel_loop3A_236 = arith.constant 1.000000e+00 : f32
      %parallel_loop3A_237 = vector.broadcast %parallel_loop3A_236 : f32 to vector<16xf32>
      %parallel_loop3A_238 = arith.addf %parallel_loop3A_237, %parallel_loop3A_235 : vector<16xf32>
      %parallel_loop3A_239 = arith.constant 1.000000e+00 : f32
      %parallel_loop3A_240 = vector.broadcast %parallel_loop3A_239 : f32 to vector<16xf32>
      %parallel_loop3A_241 = arith.divf %parallel_loop3A_240, %parallel_loop3A_238 : vector<16xf32>
      %parallel_loop3A_242 = arith.mulf %parallel_loop3A_241, %parallel_loop3A_227 : vector<16xf32>
      tpu.vector_store_idx %arg19[%parallel_loop3A_221], %parallel_loop3A_242 {add = true} : memref<10240xf32, #tpu.memory_space<vmem>>[vector<16xi32>], vector<16xf32>,
    } {sc.loop_unroll_factor = 10 : i64, sc.parallel_access}
    %add3A_140 = arith.constant 64 : i32
    %add3A_141 = arith.addi %add3A_140, %add3A : i32
    %mul3A_142 = arith.constant 10240 : i32
    %mul3A_143 = arith.muli %add3A_141, %mul3A_142 : i32
    "tpu.region"() ({
      %run_scoped3A = tpu.sem_alloc : memref<!tpu.dma_semaphore, #tpu.memory_space<semaphore_mem>>
      %dma_start3A_214 = tpu.memref_slice %arg9[%mul3A_143] : memref<1638400xf32, #tpu.memory_space<hbm>> -> memref<10240xf32, #tpu.memory_space<hbm>>
      %dma_start3A_215 = tpu.memref_slice %arg9[%mul3A_143] : memref<1638400xf32, #tpu.memory_space<hbm>> -> memref<10240xf32, #tpu.memory_space<hbm>>
      tpu.enqueue_dma source(%arg19 : memref<10240xf32, #tpu.memory_space<vmem>>) target(%dma_start3A_215 : memref<10240xf32, #tpu.memory_space<hbm>>) target_semaphore(%run_scoped3A : memref<!tpu.dma_semaphore, #tpu.memory_space<semaphore_mem>>)
      %dma_wait3A_216 = tpu.memref_slice %arg9[%mul3A_143] : memref<1638400xf32, #tpu.memory_space<hbm>> -> memref<10240xf32, #tpu.memory_space<hbm>>
      %dma_wait3A_217 = tpu.memref_slice %arg9[%mul3A_143] : memref<1638400xf32, #tpu.memory_space<hbm>> -> memref<10240xf32, #tpu.memory_space<hbm>>
      tpu.wait_dma2 semaphore(%run_scoped3A : memref<!tpu.dma_semaphore, #tpu.memory_space<semaphore_mem>>) src(%arg19 : memref<10240xf32, #tpu.memory_space<vmem>>) dst(%dma_wait3A_217 : memref<10240xf32, #tpu.memory_space<hbm>>)
      tpu.yield
    }) : () -> ()
    %dma_wait3A_144 = arith.constant 30720 : i32
    %dma_wait3A_145 = tpu.memref_slice %arg2[%dma_wait3A_144] : memref<245760xf32, #tpu.memory_space<hbm>> -> memref<10240xf32, #tpu.memory_space<hbm>>
    %dma_wait3A_146 = arith.constant 30720 : i32
    %dma_wait3A_147 = tpu.memref_slice %arg2[%dma_wait3A_146] : memref<245760xf32, #tpu.memory_space<hbm>> -> memref<10240xf32, #tpu.memory_space<hbm>>
    tpu.wait_dma2 semaphore(%arg22 : memref<!tpu.dma_semaphore, #tpu.memory_space<semaphore_mem>>) src(%dma_wait3A_147 : memref<10240xf32, #tpu.memory_space<hbm>>) dst(%arg15 : memref<10240xf32, #tpu.memory_space<vmem>>)
    %dma_wait3A_148 = arith.constant 81920 : i32
    %dma_wait3A_149 = tpu.memref_slice %arg2[%dma_wait3A_148] : memref<245760xf32, #tpu.memory_space<hbm>> -> memref<10240xf32, #tpu.memory_space<hbm>>
    %dma_wait3A_150 = arith.constant 81920 : i32
    %dma_wait3A_151 = tpu.memref_slice %arg2[%dma_wait3A_150] : memref<245760xf32, #tpu.memory_space<hbm>> -> memref<10240xf32, #tpu.memory_space<hbm>>
    tpu.wait_dma2 semaphore(%arg22 : memref<!tpu.dma_semaphore, #tpu.memory_space<semaphore_mem>>) src(%dma_wait3A_151 : memref<10240xf32, #tpu.memory_space<hbm>>) dst(%arg16 : memref<10240xf32, #tpu.memory_space<vmem>>)
    %dma_wait3A_152 = arith.constant 133120 : i32
    %dma_wait3A_153 = tpu.memref_slice %arg2[%dma_wait3A_152] : memref<245760xf32, #tpu.memory_space<hbm>> -> memref<10240xf32, #tpu.memory_space<hbm>>
    %dma_wait3A_154 = arith.constant 133120 : i32
    %dma_wait3A_155 = tpu.memref_slice %arg2[%dma_wait3A_154] : memref<245760xf32, #tpu.memory_space<hbm>> -> memref<10240xf32, #tpu.memory_space<hbm>>
    tpu.wait_dma2 semaphore(%arg22 : memref<!tpu.dma_semaphore, #tpu.memory_space<semaphore_mem>>) src(%dma_wait3A_155 : memref<10240xf32, #tpu.memory_space<hbm>>) dst(%arg17 : memref<10240xf32, #tpu.memory_space<vmem>>)
    %dma_wait3A_156 = tpu.memref_slice %arg6[%mul3A_2] : memref<320000xf32, #tpu.memory_space<hbm>> -> memref<10000xf32, #tpu.memory_space<hbm>>
    %dma_wait3A_157 = tpu.memref_slice %arg6[%mul3A_2] : memref<320000xf32, #tpu.memory_space<hbm>> -> memref<10000xf32, #tpu.memory_space<hbm>>
    tpu.wait_dma2 semaphore(%arg22 : memref<!tpu.dma_semaphore, #tpu.memory_space<semaphore_mem>>) src(%dma_wait3A_157 : memref<10000xf32, #tpu.memory_space<hbm>>) dst(%arg18 : memref<10000xf32, #tpu.memory_space<vmem>>)
    %dma_start3A_158 = arith.constant 40960 : i32
    %dma_start3A_159 = tpu.memref_slice %arg2[%dma_start3A_158] : memref<245760xf32, #tpu.memory_space<hbm>> -> memref<10240xf32, #tpu.memory_space<hbm>>
    %dma_start3A_160 = arith.constant 40960 : i32
    %dma_start3A_161 = tpu.memref_slice %arg2[%dma_start3A_160] : memref<245760xf32, #tpu.memory_space<hbm>> -> memref<10240xf32, #tpu.memory_space<hbm>>
    tpu.enqueue_dma source(%dma_start3A_161 : memref<10240xf32, #tpu.memory_space<hbm>>) target(%arg11 : memref<10240xf32, #tpu.memory_space<vmem>>) target_semaphore(%arg21 : memref<!tpu.dma_semaphore, #tpu.memory_space<semaphore_mem>>)
    %dma_start3A_162 = arith.constant 92160 : i32
    %dma_start3A_163 = tpu.memref_slice %arg2[%dma_start3A_162] : memref<245760xf32, #tpu.memory_space<hbm>> -> memref<10240xf32, #tpu.memory_space<hbm>>
    %dma_start3A_164 = arith.constant 92160 : i32
    %dma_start3A_165 = tpu.memref_slice %arg2[%dma_start3A_164] : memref<245760xf32, #tpu.memory_space<hbm>> -> memref<10240xf32, #tpu.memory_space<hbm>>
    tpu.enqueue_dma source(%dma_start3A_165 : memref<10240xf32, #tpu.memory_space<hbm>>) target(%arg12 : memref<10240xf32, #tpu.memory_space<vmem>>) target_semaphore(%arg21 : memref<!tpu.dma_semaphore, #tpu.memory_space<semaphore_mem>>)
    %dma_start3A_166 = arith.constant 143360 : i32
    %dma_start3A_167 = tpu.memref_slice %arg2[%dma_start3A_166] : memref<245760xf32, #tpu.memory_space<hbm>> -> memref<10240xf32, #tpu.memory_space<hbm>>
    %dma_start3A_168 = arith.constant 143360 : i32
    %dma_start3A_169 = tpu.memref_slice %arg2[%dma_start3A_168] : memref<245760xf32, #tpu.memory_space<hbm>> -> memref<10240xf32, #tpu.memory_space<hbm>>
    tpu.enqueue_dma source(%dma_start3A_169 : memref<10240xf32, #tpu.memory_space<hbm>>) target(%arg13 : memref<10240xf32, #tpu.memory_space<vmem>>) target_semaphore(%arg21 : memref<!tpu.dma_semaphore, #tpu.memory_space<semaphore_mem>>)
    %dma_start3A_170 = tpu.memref_slice %arg7[%mul3A_2] : memref<320000xf32, #tpu.memory_space<hbm>> -> memref<10000xf32, #tpu.memory_space<hbm>>
    %dma_start3A_171 = tpu.memref_slice %arg7[%mul3A_2] : memref<320000xf32, #tpu.memory_space<hbm>> -> memref<10000xf32, #tpu.memory_space<hbm>>
    tpu.enqueue_dma source(%dma_start3A_171 : memref<10000xf32, #tpu.memory_space<hbm>>) target(%arg14 : memref<10000xf32, #tpu.memory_space<vmem>>) target_semaphore(%arg21 : memref<!tpu.dma_semaphore, #tpu.memory_space<semaphore_mem>>)
    %scan3A_172 = arith.constant 0 : i32
    %scan3A_173 = arith.constant 0 : i32
    %scan3A_174 = arith.constant 80 : i32
    %scan3A_175 = arith.addi %scan3A_173, %scan3A_174 : i32
    %scan3A_176 = arith.constant 1 : i32
    %scan3A_177 = scf.for %scan3A_214 = %scan3A_173 to %scan3A_175 step %scan3A_176 iter_args(%scan3A_215 = %scan3A_172) -> (i32)  : i32 {
      %mul3A_216 = arith.constant 8 : i32
      %mul3A_217 = arith.muli %scan3A_214, %mul3A_216 : i32
      %add3A_218 = arith.constant 0 : i32
      %add3A_219 = arith.addi %mul3A_217, %add3A_218 : i32
      %mul3A_220 = arith.constant 16 : i32
      %mul3A_221 = arith.muli %add3A_219, %mul3A_220 : i32
      %swap3A = arith.index_cast %mul3A_221 : i32 to index
      %swap3A_222 = tpu.vector_load %arg19[%swap3A] {strides = array<i32>} : memref<10240xf32, #tpu.memory_space<vmem>>, vector<16xf32>,
      tpu.vector_store %arg19[%swap3A], %broadcast_in_dim3A_19 {strides = array<i32>} : memref<10240xf32, #tpu.memory_space<vmem>>, vector<16xf32>,
      %mul3A_223 = arith.constant 8 : i32
      %mul3A_224 = arith.muli %scan3A_214, %mul3A_223 : i32
      %add3A_225 = arith.constant 1 : i32
      %add3A_226 = arith.addi %mul3A_224, %add3A_225 : i32
      %mul3A_227 = arith.constant 16 : i32
      %mul3A_228 = arith.muli %add3A_226, %mul3A_227 : i32
      %swap3A_229 = arith.index_cast %mul3A_228 : i32 to index
      %swap3A_230 = tpu.vector_load %arg19[%swap3A_229] {strides = array<i32>} : memref<10240xf32, #tpu.memory_space<vmem>>, vector<16xf32>,
      tpu.vector_store %arg19[%swap3A_229], %broadcast_in_dim3A_19 {strides = array<i32>} : memref<10240xf32, #tpu.memory_space<vmem>>, vector<16xf32>,
      %mul3A_231 = arith.constant 8 : i32
      %mul3A_232 = arith.muli %scan3A_214, %mul3A_231 : i32
      %add3A_233 = arith.constant 2 : i32
      %add3A_234 = arith.addi %mul3A_232, %add3A_233 : i32
      %mul3A_235 = arith.constant 16 : i32
      %mul3A_236 = arith.muli %add3A_234, %mul3A_235 : i32
      %swap3A_237 = arith.index_cast %mul3A_236 : i32 to index
      %swap3A_238 = tpu.vector_load %arg19[%swap3A_237] {strides = array<i32>} : memref<10240xf32, #tpu.memory_space<vmem>>, vector<16xf32>,
      tpu.vector_store %arg19[%swap3A_237], %broadcast_in_dim3A_19 {strides = array<i32>} : memref<10240xf32, #tpu.memory_space<vmem>>, vector<16xf32>,
      %mul3A_239 = arith.constant 8 : i32
      %mul3A_240 = arith.muli %scan3A_214, %mul3A_239 : i32
      %add3A_241 = arith.constant 3 : i32
      %add3A_242 = arith.addi %mul3A_240, %add3A_241 : i32
      %mul3A_243 = arith.constant 16 : i32
      %mul3A_244 = arith.muli %add3A_242, %mul3A_243 : i32
      %swap3A_245 = arith.index_cast %mul3A_244 : i32 to index
      %swap3A_246 = tpu.vector_load %arg19[%swap3A_245] {strides = array<i32>} : memref<10240xf32, #tpu.memory_space<vmem>>, vector<16xf32>,
      tpu.vector_store %arg19[%swap3A_245], %broadcast_in_dim3A_19 {strides = array<i32>} : memref<10240xf32, #tpu.memory_space<vmem>>, vector<16xf32>,
      %mul3A_247 = arith.constant 8 : i32
      %mul3A_248 = arith.muli %scan3A_214, %mul3A_247 : i32
      %add3A_249 = arith.constant 4 : i32
      %add3A_250 = arith.addi %mul3A_248, %add3A_249 : i32
      %mul3A_251 = arith.constant 16 : i32
      %mul3A_252 = arith.muli %add3A_250, %mul3A_251 : i32
      %swap3A_253 = arith.index_cast %mul3A_252 : i32 to index
      %swap3A_254 = tpu.vector_load %arg19[%swap3A_253] {strides = array<i32>} : memref<10240xf32, #tpu.memory_space<vmem>>, vector<16xf32>,
      tpu.vector_store %arg19[%swap3A_253], %broadcast_in_dim3A_19 {strides = array<i32>} : memref<10240xf32, #tpu.memory_space<vmem>>, vector<16xf32>,
      %mul3A_255 = arith.constant 8 : i32
      %mul3A_256 = arith.muli %scan3A_214, %mul3A_255 : i32
      %add3A_257 = arith.constant 5 : i32
      %add3A_258 = arith.addi %mul3A_256, %add3A_257 : i32
      %mul3A_259 = arith.constant 16 : i32
      %mul3A_260 = arith.muli %add3A_258, %mul3A_259 : i32
      %swap3A_261 = arith.index_cast %mul3A_260 : i32 to index
      %swap3A_262 = tpu.vector_load %arg19[%swap3A_261] {strides = array<i32>} : memref<10240xf32, #tpu.memory_space<vmem>>, vector<16xf32>,
      tpu.vector_store %arg19[%swap3A_261], %broadcast_in_dim3A_19 {strides = array<i32>} : memref<10240xf32, #tpu.memory_space<vmem>>, vector<16xf32>,
      %mul3A_263 = arith.constant 8 : i32
      %mul3A_264 = arith.muli %scan3A_214, %mul3A_263 : i32
      %add3A_265 = arith.constant 6 : i32
      %add3A_266 = arith.addi %mul3A_264, %add3A_265 : i32
      %mul3A_267 = arith.constant 16 : i32
      %mul3A_268 = arith.muli %add3A_266, %mul3A_267 : i32
      %swap3A_269 = arith.index_cast %mul3A_268 : i32 to index
      %swap3A_270 = tpu.vector_load %arg19[%swap3A_269] {strides = array<i32>} : memref<10240xf32, #tpu.memory_space<vmem>>, vector<16xf32>,
      tpu.vector_store %arg19[%swap3A_269], %broadcast_in_dim3A_19 {strides = array<i32>} : memref<10240xf32, #tpu.memory_space<vmem>>, vector<16xf32>,
      %mul3A_271 = arith.constant 8 : i32
      %mul3A_272 = arith.muli %scan3A_214, %mul3A_271 : i32
      %add3A_273 = arith.constant 7 : i32
      %add3A_274 = arith.addi %mul3A_272, %add3A_273 : i32
      %mul3A_275 = arith.constant 16 : i32
      %mul3A_276 = arith.muli %add3A_274, %mul3A_275 : i32
      %swap3A_277 = arith.index_cast %mul3A_276 : i32 to index
      %swap3A_278 = tpu.vector_load %arg19[%swap3A_277] {strides = array<i32>} : memref<10240xf32, #tpu.memory_space<vmem>>, vector<16xf32>,
      tpu.vector_store %arg19[%swap3A_277], %broadcast_in_dim3A_19 {strides = array<i32>} : memref<10240xf32, #tpu.memory_space<vmem>>, vector<16xf32>,
      %scan3A_279 = arith.constant 0 : i32
      scf.yield %scan3A_279 : i32
    }
    %scan3A_178 = arith.constant 80 : i32
    %parallel_loop3A_179 = arith.constant 0 : i32
    %parallel_loop3A_180 = arith.constant 625 : i32
    %parallel_loop3A_181 = arith.constant 1 : i32
    scf.for %parallel_loop3A_214 = %parallel_loop3A_179 to %parallel_loop3A_180 step %parallel_loop3A_181  : i32 {
      %parallel_loop3A_215 = arith.constant 16 : i32
      %parallel_loop3A_216 = arith.muli %parallel_loop3A_214, %parallel_loop3A_215 : i32
      %parallel_loop3A_217 = arith.index_cast %parallel_loop3A_216 : i32 to index
      %parallel_loop3A_218 = tpu.vector_load %arg10[%parallel_loop3A_217] {strides = array<i32>} : memref<10000xi32, #tpu.memory_space<vmem>>, vector<16xi32>,
      %parallel_loop3A_219 = arith.constant 65535 : i32
      %parallel_loop3A_220 = vector.broadcast %parallel_loop3A_219 : i32 to vector<16xi32>
      %parallel_loop3A_221 = arith.andi %parallel_loop3A_218, %parallel_loop3A_220 : vector<16xi32>
      %parallel_loop3A_222 = arith.constant 16 : i32
      %parallel_loop3A_223 = vector.broadcast %parallel_loop3A_222 : i32 to vector<16xi32>
      %parallel_loop3A_224 = arith.shrui %parallel_loop3A_218, %parallel_loop3A_223 : vector<16xi32>
      %parallel_loop3A_225 = tpu.vector_load_idx %arg15[%parallel_loop3A_221] : memref<10240xf32, #tpu.memory_space<vmem>>[vector<16xi32>], vector<16xf32>,
      %parallel_loop3A_226 = tpu.vector_load_idx %arg16[%parallel_loop3A_224] : memref<10240xf32, #tpu.memory_space<vmem>>[vector<16xi32>], vector<16xf32>,
      %parallel_loop3A_227 = tpu.vector_load_idx %arg17[%parallel_loop3A_224] : memref<10240xf32, #tpu.memory_space<vmem>>[vector<16xi32>], vector<16xf32>,
      %parallel_loop3A_228 = arith.index_cast %parallel_loop3A_216 : i32 to index
      %parallel_loop3A_229 = tpu.vector_load %arg18[%parallel_loop3A_228] {strides = array<i32>} : memref<10000xf32, #tpu.memory_space<vmem>>, vector<16xf32>,
      %parallel_loop3A_230 = arith.addf %parallel_loop3A_225, %parallel_loop3A_226 : vector<16xf32>
      %parallel_loop3A_231 = arith.addf %parallel_loop3A_230, %parallel_loop3A_229 : vector<16xf32>
      %parallel_loop3A_232 = arith.constant 0.000000e+00 : f32
      %parallel_loop3A_233 = vector.broadcast %parallel_loop3A_232 : f32 to vector<16xf32>
      %parallel_loop3A_234 = arith.subf %parallel_loop3A_233, %parallel_loop3A_231 : vector<16xf32>
      %parallel_loop3A_235 = math.exp %parallel_loop3A_234 : vector<16xf32>
      %parallel_loop3A_236 = arith.constant 1.000000e+00 : f32
      %parallel_loop3A_237 = vector.broadcast %parallel_loop3A_236 : f32 to vector<16xf32>
      %parallel_loop3A_238 = arith.addf %parallel_loop3A_237, %parallel_loop3A_235 : vector<16xf32>
      %parallel_loop3A_239 = arith.constant 1.000000e+00 : f32
      %parallel_loop3A_240 = vector.broadcast %parallel_loop3A_239 : f32 to vector<16xf32>
      %parallel_loop3A_241 = arith.divf %parallel_loop3A_240, %parallel_loop3A_238 : vector<16xf32>
      %parallel_loop3A_242 = arith.mulf %parallel_loop3A_241, %parallel_loop3A_227 : vector<16xf32>
      tpu.vector_store_idx %arg19[%parallel_loop3A_221], %parallel_loop3A_242 {add = true} : memref<10240xf32, #tpu.memory_space<vmem>>[vector<16xi32>], vector<16xf32>,
    } {sc.loop_unroll_factor = 10 : i64, sc.parallel_access}
    %add3A_182 = arith.constant 96 : i32
    %add3A_183 = arith.addi %add3A_182, %add3A : i32
    %mul3A_184 = arith.constant 10240 : i32
    %mul3A_185 = arith.muli %add3A_183, %mul3A_184 : i32
    "tpu.region"() ({
      %run_scoped3A = tpu.sem_alloc : memref<!tpu.dma_semaphore, #tpu.memory_space<semaphore_mem>>
      %dma_start3A_214 = tpu.memref_slice %arg9[%mul3A_185] : memref<1638400xf32, #tpu.memory_space<hbm>> -> memref<10240xf32, #tpu.memory_space<hbm>>
      %dma_start3A_215 = tpu.memref_slice %arg9[%mul3A_185] : memref<1638400xf32, #tpu.memory_space<hbm>> -> memref<10240xf32, #tpu.memory_space<hbm>>
      tpu.enqueue_dma source(%arg19 : memref<10240xf32, #tpu.memory_space<vmem>>) target(%dma_start3A_215 : memref<10240xf32, #tpu.memory_space<hbm>>) target_semaphore(%run_scoped3A : memref<!tpu.dma_semaphore, #tpu.memory_space<semaphore_mem>>)
      %dma_wait3A_216 = tpu.memref_slice %arg9[%mul3A_185] : memref<1638400xf32, #tpu.memory_space<hbm>> -> memref<10240xf32, #tpu.memory_space<hbm>>
      %dma_wait3A_217 = tpu.memref_slice %arg9[%mul3A_185] : memref<1638400xf32, #tpu.memory_space<hbm>> -> memref<10240xf32, #tpu.memory_space<hbm>>
      tpu.wait_dma2 semaphore(%run_scoped3A : memref<!tpu.dma_semaphore, #tpu.memory_space<semaphore_mem>>) src(%arg19 : memref<10240xf32, #tpu.memory_space<vmem>>) dst(%dma_wait3A_217 : memref<10240xf32, #tpu.memory_space<hbm>>)
      tpu.yield
    }) : () -> ()
    %dma_wait3A_186 = arith.constant 40960 : i32
    %dma_wait3A_187 = tpu.memref_slice %arg2[%dma_wait3A_186] : memref<245760xf32, #tpu.memory_space<hbm>> -> memref<10240xf32, #tpu.memory_space<hbm>>
    %dma_wait3A_188 = arith.constant 40960 : i32
    %dma_wait3A_189 = tpu.memref_slice %arg2[%dma_wait3A_188] : memref<245760xf32, #tpu.memory_space<hbm>> -> memref<10240xf32, #tpu.memory_space<hbm>>
    tpu.wait_dma2 semaphore(%arg21 : memref<!tpu.dma_semaphore, #tpu.memory_space<semaphore_mem>>) src(%dma_wait3A_189 : memref<10240xf32, #tpu.memory_space<hbm>>) dst(%arg11 : memref<10240xf32, #tpu.memory_space<vmem>>)
    %dma_wait3A_190 = arith.constant 92160 : i32
    %dma_wait3A_191 = tpu.memref_slice %arg2[%dma_wait3A_190] : memref<245760xf32, #tpu.memory_space<hbm>> -> memref<10240xf32, #tpu.memory_space<hbm>>
    %dma_wait3A_192 = arith.constant 92160 : i32
    %dma_wait3A_193 = tpu.memref_slice %arg2[%dma_wait3A_192] : memref<245760xf32, #tpu.memory_space<hbm>> -> memref<10240xf32, #tpu.memory_space<hbm>>
    tpu.wait_dma2 semaphore(%arg21 : memref<!tpu.dma_semaphore, #tpu.memory_space<semaphore_mem>>) src(%dma_wait3A_193 : memref<10240xf32, #tpu.memory_space<hbm>>) dst(%arg12 : memref<10240xf32, #tpu.memory_space<vmem>>)
    %dma_wait3A_194 = arith.constant 143360 : i32
    %dma_wait3A_195 = tpu.memref_slice %arg2[%dma_wait3A_194] : memref<245760xf32, #tpu.memory_space<hbm>> -> memref<10240xf32, #tpu.memory_space<hbm>>
    %dma_wait3A_196 = arith.constant 143360 : i32
    %dma_wait3A_197 = tpu.memref_slice %arg2[%dma_wait3A_196] : memref<245760xf32, #tpu.memory_space<hbm>> -> memref<10240xf32, #tpu.memory_space<hbm>>
    tpu.wait_dma2 semaphore(%arg21 : memref<!tpu.dma_semaphore, #tpu.memory_space<semaphore_mem>>) src(%dma_wait3A_197 : memref<10240xf32, #tpu.memory_space<hbm>>) dst(%arg13 : memref<10240xf32, #tpu.memory_space<vmem>>)
    %dma_wait3A_198 = tpu.memref_slice %arg7[%mul3A_2] : memref<320000xf32, #tpu.memory_space<hbm>> -> memref<10000xf32, #tpu.memory_space<hbm>>
    %dma_wait3A_199 = tpu.memref_slice %arg7[%mul3A_2] : memref<320000xf32, #tpu.memory_space<hbm>> -> memref<10000xf32, #tpu.memory_space<hbm>>
    tpu.wait_dma2 semaphore(%arg21 : memref<!tpu.dma_semaphore, #tpu.memory_space<semaphore_mem>>) src(%dma_wait3A_199 : memref<10000xf32, #tpu.memory_space<hbm>>) dst(%arg14 : memref<10000xf32, #tpu.memory_space<vmem>>)
    %scan3A_200 = arith.constant 0 : i32
    %scan3A_201 = arith.constant 0 : i32
    %scan3A_202 = arith.constant 80 : i32
    %scan3A_203 = arith.addi %scan3A_201, %scan3A_202 : i32
    %scan3A_204 = arith.constant 1 : i32
    %scan3A_205 = scf.for %scan3A_214 = %scan3A_201 to %scan3A_203 step %scan3A_204 iter_args(%scan3A_215 = %scan3A_200) -> (i32)  : i32 {
      %mul3A_216 = arith.constant 8 : i32
      %mul3A_217 = arith.muli %scan3A_214, %mul3A_216 : i32
      %add3A_218 = arith.constant 0 : i32
      %add3A_219 = arith.addi %mul3A_217, %add3A_218 : i32
      %mul3A_220 = arith.constant 16 : i32
      %mul3A_221 = arith.muli %add3A_219, %mul3A_220 : i32
      %swap3A = arith.index_cast %mul3A_221 : i32 to index
      %swap3A_222 = tpu.vector_load %arg19[%swap3A] {strides = array<i32>} : memref<10240xf32, #tpu.memory_space<vmem>>, vector<16xf32>,
      tpu.vector_store %arg19[%swap3A], %broadcast_in_dim3A_19 {strides = array<i32>} : memref<10240xf32, #tpu.memory_space<vmem>>, vector<16xf32>,
      %mul3A_223 = arith.constant 8 : i32
      %mul3A_224 = arith.muli %scan3A_214, %mul3A_223 : i32
      %add3A_225 = arith.constant 1 : i32
      %add3A_226 = arith.addi %mul3A_224, %add3A_225 : i32
      %mul3A_227 = arith.constant 16 : i32
      %mul3A_228 = arith.muli %add3A_226, %mul3A_227 : i32
      %swap3A_229 = arith.index_cast %mul3A_228 : i32 to index
      %swap3A_230 = tpu.vector_load %arg19[%swap3A_229] {strides = array<i32>} : memref<10240xf32, #tpu.memory_space<vmem>>, vector<16xf32>,
      tpu.vector_store %arg19[%swap3A_229], %broadcast_in_dim3A_19 {strides = array<i32>} : memref<10240xf32, #tpu.memory_space<vmem>>, vector<16xf32>,
      %mul3A_231 = arith.constant 8 : i32
      %mul3A_232 = arith.muli %scan3A_214, %mul3A_231 : i32
      %add3A_233 = arith.constant 2 : i32
      %add3A_234 = arith.addi %mul3A_232, %add3A_233 : i32
      %mul3A_235 = arith.constant 16 : i32
      %mul3A_236 = arith.muli %add3A_234, %mul3A_235 : i32
      %swap3A_237 = arith.index_cast %mul3A_236 : i32 to index
      %swap3A_238 = tpu.vector_load %arg19[%swap3A_237] {strides = array<i32>} : memref<10240xf32, #tpu.memory_space<vmem>>, vector<16xf32>,
      tpu.vector_store %arg19[%swap3A_237], %broadcast_in_dim3A_19 {strides = array<i32>} : memref<10240xf32, #tpu.memory_space<vmem>>, vector<16xf32>,
      %mul3A_239 = arith.constant 8 : i32
      %mul3A_240 = arith.muli %scan3A_214, %mul3A_239 : i32
      %add3A_241 = arith.constant 3 : i32
      %add3A_242 = arith.addi %mul3A_240, %add3A_241 : i32
      %mul3A_243 = arith.constant 16 : i32
      %mul3A_244 = arith.muli %add3A_242, %mul3A_243 : i32
      %swap3A_245 = arith.index_cast %mul3A_244 : i32 to index
      %swap3A_246 = tpu.vector_load %arg19[%swap3A_245] {strides = array<i32>} : memref<10240xf32, #tpu.memory_space<vmem>>, vector<16xf32>,
      tpu.vector_store %arg19[%swap3A_245], %broadcast_in_dim3A_19 {strides = array<i32>} : memref<10240xf32, #tpu.memory_space<vmem>>, vector<16xf32>,
      %mul3A_247 = arith.constant 8 : i32
      %mul3A_248 = arith.muli %scan3A_214, %mul3A_247 : i32
      %add3A_249 = arith.constant 4 : i32
      %add3A_250 = arith.addi %mul3A_248, %add3A_249 : i32
      %mul3A_251 = arith.constant 16 : i32
      %mul3A_252 = arith.muli %add3A_250, %mul3A_251 : i32
      %swap3A_253 = arith.index_cast %mul3A_252 : i32 to index
      %swap3A_254 = tpu.vector_load %arg19[%swap3A_253] {strides = array<i32>} : memref<10240xf32, #tpu.memory_space<vmem>>, vector<16xf32>,
      tpu.vector_store %arg19[%swap3A_253], %broadcast_in_dim3A_19 {strides = array<i32>} : memref<10240xf32, #tpu.memory_space<vmem>>, vector<16xf32>,
      %mul3A_255 = arith.constant 8 : i32
      %mul3A_256 = arith.muli %scan3A_214, %mul3A_255 : i32
      %add3A_257 = arith.constant 5 : i32
      %add3A_258 = arith.addi %mul3A_256, %add3A_257 : i32
      %mul3A_259 = arith.constant 16 : i32
      %mul3A_260 = arith.muli %add3A_258, %mul3A_259 : i32
      %swap3A_261 = arith.index_cast %mul3A_260 : i32 to index
      %swap3A_262 = tpu.vector_load %arg19[%swap3A_261] {strides = array<i32>} : memref<10240xf32, #tpu.memory_space<vmem>>, vector<16xf32>,
      tpu.vector_store %arg19[%swap3A_261], %broadcast_in_dim3A_19 {strides = array<i32>} : memref<10240xf32, #tpu.memory_space<vmem>>, vector<16xf32>,
      %mul3A_263 = arith.constant 8 : i32
      %mul3A_264 = arith.muli %scan3A_214, %mul3A_263 : i32
      %add3A_265 = arith.constant 6 : i32
      %add3A_266 = arith.addi %mul3A_264, %add3A_265 : i32
      %mul3A_267 = arith.constant 16 : i32
      %mul3A_268 = arith.muli %add3A_266, %mul3A_267 : i32
      %swap3A_269 = arith.index_cast %mul3A_268 : i32 to index
      %swap3A_270 = tpu.vector_load %arg19[%swap3A_269] {strides = array<i32>} : memref<10240xf32, #tpu.memory_space<vmem>>, vector<16xf32>,
      tpu.vector_store %arg19[%swap3A_269], %broadcast_in_dim3A_19 {strides = array<i32>} : memref<10240xf32, #tpu.memory_space<vmem>>, vector<16xf32>,
      %mul3A_271 = arith.constant 8 : i32
      %mul3A_272 = arith.muli %scan3A_214, %mul3A_271 : i32
      %add3A_273 = arith.constant 7 : i32
      %add3A_274 = arith.addi %mul3A_272, %add3A_273 : i32
      %mul3A_275 = arith.constant 16 : i32
      %mul3A_276 = arith.muli %add3A_274, %mul3A_275 : i32
      %swap3A_277 = arith.index_cast %mul3A_276 : i32 to index
      %swap3A_278 = tpu.vector_load %arg19[%swap3A_277] {strides = array<i32>} : memref<10240xf32, #tpu.memory_space<vmem>>, vector<16xf32>,
      tpu.vector_store %arg19[%swap3A_277], %broadcast_in_dim3A_19 {strides = array<i32>} : memref<10240xf32, #tpu.memory_space<vmem>>, vector<16xf32>,
      %scan3A_279 = arith.constant 0 : i32
      scf.yield %scan3A_279 : i32
    }
    %scan3A_206 = arith.constant 80 : i32
    %parallel_loop3A_207 = arith.constant 0 : i32
    %parallel_loop3A_208 = arith.constant 625 : i32
    %parallel_loop3A_209 = arith.constant 1 : i32
    scf.for %parallel_loop3A_214 = %parallel_loop3A_207 to %parallel_loop3A_208 step %parallel_loop3A_209  : i32 {
      %parallel_loop3A_215 = arith.constant 16 : i32
      %parallel_loop3A_216 = arith.muli %parallel_loop3A_214, %parallel_loop3A_215 : i32
      %parallel_loop3A_217 = arith.index_cast %parallel_loop3A_216 : i32 to index
      %parallel_loop3A_218 = tpu.vector_load %arg10[%parallel_loop3A_217] {strides = array<i32>} : memref<10000xi32, #tpu.memory_space<vmem>>, vector<16xi32>,
      %parallel_loop3A_219 = arith.constant 65535 : i32
      %parallel_loop3A_220 = vector.broadcast %parallel_loop3A_219 : i32 to vector<16xi32>
      %parallel_loop3A_221 = arith.andi %parallel_loop3A_218, %parallel_loop3A_220 : vector<16xi32>
      %parallel_loop3A_222 = arith.constant 16 : i32
      %parallel_loop3A_223 = vector.broadcast %parallel_loop3A_222 : i32 to vector<16xi32>
      %parallel_loop3A_224 = arith.shrui %parallel_loop3A_218, %parallel_loop3A_223 : vector<16xi32>
      %parallel_loop3A_225 = tpu.vector_load_idx %arg11[%parallel_loop3A_221] : memref<10240xf32, #tpu.memory_space<vmem>>[vector<16xi32>], vector<16xf32>,
      %parallel_loop3A_226 = tpu.vector_load_idx %arg12[%parallel_loop3A_224] : memref<10240xf32, #tpu.memory_space<vmem>>[vector<16xi32>], vector<16xf32>,
      %parallel_loop3A_227 = tpu.vector_load_idx %arg13[%parallel_loop3A_224] : memref<10240xf32, #tpu.memory_space<vmem>>[vector<16xi32>], vector<16xf32>,
      %parallel_loop3A_228 = arith.index_cast %parallel_loop3A_216 : i32 to index
      %parallel_loop3A_229 = tpu.vector_load %arg14[%parallel_loop3A_228] {strides = array<i32>} : memref<10000xf32, #tpu.memory_space<vmem>>, vector<16xf32>,
      %parallel_loop3A_230 = arith.addf %parallel_loop3A_225, %parallel_loop3A_226 : vector<16xf32>
      %parallel_loop3A_231 = arith.addf %parallel_loop3A_230, %parallel_loop3A_229 : vector<16xf32>
      %parallel_loop3A_232 = arith.constant 0.000000e+00 : f32
      %parallel_loop3A_233 = vector.broadcast %parallel_loop3A_232 : f32 to vector<16xf32>
      %parallel_loop3A_234 = arith.subf %parallel_loop3A_233, %parallel_loop3A_231 : vector<16xf32>
      %parallel_loop3A_235 = math.exp %parallel_loop3A_234 : vector<16xf32>
      %parallel_loop3A_236 = arith.constant 1.000000e+00 : f32
      %parallel_loop3A_237 = vector.broadcast %parallel_loop3A_236 : f32 to vector<16xf32>
      %parallel_loop3A_238 = arith.addf %parallel_loop3A_237, %parallel_loop3A_235 : vector<16xf32>
      %parallel_loop3A_239 = arith.constant 1.000000e+00 : f32
      %parallel_loop3A_240 = vector.broadcast %parallel_loop3A_239 : f32 to vector<16xf32>
      %parallel_loop3A_241 = arith.divf %parallel_loop3A_240, %parallel_loop3A_238 : vector<16xf32>
      %parallel_loop3A_242 = arith.mulf %parallel_loop3A_241, %parallel_loop3A_227 : vector<16xf32>
      tpu.vector_store_idx %arg19[%parallel_loop3A_221], %parallel_loop3A_242 {add = true} : memref<10240xf32, #tpu.memory_space<vmem>>[vector<16xi32>], vector<16xf32>,
    } {sc.loop_unroll_factor = 10 : i64, sc.parallel_access}
    %add3A_210 = arith.constant 128 : i32
    %add3A_211 = arith.addi %add3A_210, %add3A : i32
    %mul3A_212 = arith.constant 10240 : i32
    %mul3A_213 = arith.muli %add3A_211, %mul3A_212 : i32
    "tpu.region"() ({
      %run_scoped3A = tpu.sem_alloc : memref<!tpu.dma_semaphore, #tpu.memory_space<semaphore_mem>>
      %dma_start3A_214 = tpu.memref_slice %arg9[%mul3A_213] : memref<1638400xf32, #tpu.memory_space<hbm>> -> memref<10240xf32, #tpu.memory_space<hbm>>
      %dma_start3A_215 = tpu.memref_slice %arg9[%mul3A_213] : memref<1638400xf32, #tpu.memory_space<hbm>> -> memref<10240xf32, #tpu.memory_space<hbm>>
      tpu.enqueue_dma source(%arg19 : memref<10240xf32, #tpu.memory_space<vmem>>) target(%dma_start3A_215 : memref<10240xf32, #tpu.memory_space<hbm>>) target_semaphore(%run_scoped3A : memref<!tpu.dma_semaphore, #tpu.memory_space<semaphore_mem>>)
      %dma_wait3A_216 = tpu.memref_slice %arg9[%mul3A_213] : memref<1638400xf32, #tpu.memory_space<hbm>> -> memref<10240xf32, #tpu.memory_space<hbm>>
      %dma_wait3A_217 = tpu.memref_slice %arg9[%mul3A_213] : memref<1638400xf32, #tpu.memory_space<hbm>> -> memref<10240xf32, #tpu.memory_space<hbm>>
      tpu.wait_dma2 semaphore(%run_scoped3A : memref<!tpu.dma_semaphore, #tpu.memory_space<semaphore_mem>>) src(%arg19 : memref<10240xf32, #tpu.memory_space<vmem>>) dst(%dma_wait3A_217 : memref<10240xf32, #tpu.memory_space<hbm>>)
      tpu.yield
    }) : () -> ()
    return
  }
}

module attributes {stable_mosaic.version = 14 : i64} {
  func.func @_tc_node_proj(%arg0: memref<128x24xf32, #tpu.memory_space<vmem>>, %arg1: memref<24x1xf32, #tpu.memory_space<vmem>>, %arg2: memref<10240x128xf32, #tpu.memory_space<vmem>>, %arg3: memref<24x10240xf32, #tpu.memory_space<vmem>>) attributes {dimension_semantics = [], scalar_prefetch = 0 : i64, scratch_operands = 0 : i64, tpu.core_type = #tpu.core_type<tc>} {
    %get3A = arith.constant 0 : index
    %get3A_0 = arith.constant 0 : index
    %get3A_1 = vector.load %arg0[%get3A, %get3A_0] : memref<128x24xf32, #tpu.memory_space<vmem>>, vector<128x24xf32>
    %get3A_2 = arith.constant 0 : index
    %get3A_3 = arith.constant 0 : index
    %get3A_4 = vector.load %arg2[%get3A_2, %get3A_3] : memref<10240x128xf32, #tpu.memory_space<vmem>>, vector<10240x128xf32>
    %dot_general3A = arith.constant dense<0.000000e+00> : vector<24x10240xf32>
    %dot_general3A_5 = tpu.matmul %get3A_1, %get3A_4, %dot_general3A {dimension_numbers = #tpu.dot_dimension_numbers<[0], [1], [1], [0], [0, 1, 1, 0], [], []>, precision = #tpu.contract_precision<fp32>, transpose_lhs_hint = false} : vector<128x24xf32>, vector<10240x128xf32>, vector<24x10240xf32> -> vector<24x10240xf32>
    %get3A_6 = arith.constant 0 : index
    %get3A_7 = arith.constant 0 : index
    %get3A_8 = vector.load %arg1[%get3A_6, %get3A_7] : memref<24x1xf32, #tpu.memory_space<vmem>>, vector<24x1xf32>
    %add3A = vector.broadcast %get3A_8 : vector<24x1xf32> to vector<24x10240xf32>
    %add3A_9 = arith.addf %dot_general3A_5, %add3A : vector<24x10240xf32>
    %swap3A = arith.constant 0 : index
    %swap3A_10 = arith.constant 0 : index
    %swap3A_11 = vector.load %arg3[%swap3A, %swap3A_10] : memref<24x10240xf32, #tpu.memory_space<vmem>>, vector<24x10240xf32>
    tpu.vector_store %arg3[%swap3A, %swap3A_10], %add3A_9 {strides = array<i32>} : memref<24x10240xf32, #tpu.memory_space<vmem>>, vector<24x10240xf32>,
    return
  }
}

module attributes {stable_mosaic.version = 14 : i64} {
  func.func @_tc_edge_proj(%arg0: i32, %arg1: memref<16x6xf32, #tpu.memory_space<vmem>>, %arg2: memref<6x1xf32, #tpu.memory_space<vmem>>, %arg3: memref<16x12800xf32, #tpu.memory_space<vmem>>, %arg4: memref<320000xf32, #tpu.memory_space<vmem>>, %arg5: memref<320000xf32, #tpu.memory_space<vmem>>, %arg6: memref<320000xf32, #tpu.memory_space<vmem>>, %arg7: memref<320000xf32, #tpu.memory_space<vmem>>, %arg8: memref<320000xf32, #tpu.memory_space<vmem>>, %arg9: memref<320000xf32, #tpu.memory_space<vmem>>) attributes {dimension_semantics = [#tpu.dimension_semantics<arbitrary>], iteration_bounds = array<i64: 25>, scalar_prefetch = 0 : i64, scratch_operands = 0 : i64, tpu.core_type = #tpu.core_type<tc>, window_params = [{pipeline_mode = #tpu.pipeline_mode<synchronous>, transform_indices = @transform_0, window_bounds = array<i64: 16, 6>}, {pipeline_mode = #tpu.pipeline_mode<synchronous>, transform_indices = @transform_1, window_bounds = array<i64: 6, 1>}, {transform_indices = @transform_2, window_bounds = array<i64: 16, 12800>}, {pipeline_mode = #tpu.pipeline_mode<synchronous>, transform_indices = @transform_3, window_bounds = array<i64: 320000>}, {pipeline_mode = #tpu.pipeline_mode<synchronous>, transform_indices = @transform_4, window_bounds = array<i64: 320000>}, {pipeline_mode = #tpu.pipeline_mode<synchronous>, transform_indices = @transform_5, window_bounds = array<i64: 320000>}, {pipeline_mode = #tpu.pipeline_mode<synchronous>, transform_indices = @transform_6, window_bounds = array<i64: 320000>}, {pipeline_mode = #tpu.pipeline_mode<synchronous>, transform_indices = @transform_7, window_bounds = array<i64: 320000>}, {pipeline_mode = #tpu.pipeline_mode<synchronous>, transform_indices = @transform_8, window_bounds = array<i64: 320000>}]} {
    %get3A = arith.constant 0 : index
    %get3A_0 = arith.constant 0 : index
    %get3A_1 = vector.load %arg1[%get3A, %get3A_0] : memref<16x6xf32, #tpu.memory_space<vmem>>, vector<16x6xf32>
    %get3A_2 = arith.constant 0 : index
    %get3A_3 = arith.constant 0 : index
    %get3A_4 = vector.load %arg3[%get3A_2, %get3A_3] : memref<16x12800xf32, #tpu.memory_space<vmem>>, vector<16x12800xf32>
    %dot_general3A = arith.constant dense<0.000000e+00> : vector<6x12800xf32>
    %dot_general3A_5 = tpu.matmul %get3A_1, %get3A_4, %dot_general3A {dimension_numbers = #tpu.dot_dimension_numbers<[0], [0], [1], [1], [0, 1, 1, 1], [], []>, precision = #tpu.contract_precision<fp32>, transpose_lhs_hint = false} : vector<16x6xf32>, vector<16x12800xf32>, vector<6x12800xf32> -> vector<6x12800xf32>
    %get3A_6 = arith.constant 0 : index
    %get3A_7 = arith.constant 0 : index
    %get3A_8 = vector.load %arg2[%get3A_6, %get3A_7] : memref<6x1xf32, #tpu.memory_space<vmem>>, vector<6x1xf32>
    %add3A = vector.broadcast %get3A_8 : vector<6x1xf32> to vector<6x12800xf32>
    %add3A_9 = arith.addf %dot_general3A_5, %add3A : vector<6x12800xf32>
    %slice3A = vector.extract_strided_slice %add3A_9 {offsets = [0, 0], sizes = [1, 12800], strides = [1, 1]} : vector<6x12800xf32> to vector<1x12800xf32>
    %squeeze3A = vector.shape_cast %slice3A : vector<1x12800xf32> to vector<12800xf32>
    %mul3A = arith.constant 12800 : i32
    %mul3A_10 = arith.muli %arg0, %mul3A : i32
    %swap3A = arith.index_cast %mul3A_10 : i32 to index
    %swap3A_11 = vector.load %arg4[%swap3A] : memref<320000xf32, #tpu.memory_space<vmem>>, vector<12800xf32>
    tpu.vector_store %arg4[%swap3A], %squeeze3A {strides = array<i32>} : memref<320000xf32, #tpu.memory_space<vmem>>, vector<12800xf32>,
    %slice3A_12 = vector.extract_strided_slice %add3A_9 {offsets = [1, 0], sizes = [1, 12800], strides = [1, 1]} : vector<6x12800xf32> to vector<1x12800xf32>
    %squeeze3A_13 = vector.shape_cast %slice3A_12 : vector<1x12800xf32> to vector<12800xf32>
    %mul3A_14 = arith.constant 12800 : i32
    %mul3A_15 = arith.muli %arg0, %mul3A_14 : i32
    %swap3A_16 = arith.index_cast %mul3A_15 : i32 to index
    %swap3A_17 = vector.load %arg5[%swap3A_16] : memref<320000xf32, #tpu.memory_space<vmem>>, vector<12800xf32>
    tpu.vector_store %arg5[%swap3A_16], %squeeze3A_13 {strides = array<i32>} : memref<320000xf32, #tpu.memory_space<vmem>>, vector<12800xf32>,
    %slice3A_18 = vector.extract_strided_slice %add3A_9 {offsets = [2, 0], sizes = [1, 12800], strides = [1, 1]} : vector<6x12800xf32> to vector<1x12800xf32>
    %squeeze3A_19 = vector.shape_cast %slice3A_18 : vector<1x12800xf32> to vector<12800xf32>
    %mul3A_20 = arith.constant 12800 : i32
    %mul3A_21 = arith.muli %arg0, %mul3A_20 : i32
    %swap3A_22 = arith.index_cast %mul3A_21 : i32 to index
    %swap3A_23 = vector.load %arg6[%swap3A_22] : memref<320000xf32, #tpu.memory_space<vmem>>, vector<12800xf32>
    tpu.vector_store %arg6[%swap3A_22], %squeeze3A_19 {strides = array<i32>} : memref<320000xf32, #tpu.memory_space<vmem>>, vector<12800xf32>,
    %slice3A_24 = vector.extract_strided_slice %add3A_9 {offsets = [3, 0], sizes = [1, 12800], strides = [1, 1]} : vector<6x12800xf32> to vector<1x12800xf32>
    %squeeze3A_25 = vector.shape_cast %slice3A_24 : vector<1x12800xf32> to vector<12800xf32>
    %mul3A_26 = arith.constant 12800 : i32
    %mul3A_27 = arith.muli %arg0, %mul3A_26 : i32
    %swap3A_28 = arith.index_cast %mul3A_27 : i32 to index
    %swap3A_29 = vector.load %arg7[%swap3A_28] : memref<320000xf32, #tpu.memory_space<vmem>>, vector<12800xf32>
    tpu.vector_store %arg7[%swap3A_28], %squeeze3A_25 {strides = array<i32>} : memref<320000xf32, #tpu.memory_space<vmem>>, vector<12800xf32>,
    %slice3A_30 = vector.extract_strided_slice %add3A_9 {offsets = [4, 0], sizes = [1, 12800], strides = [1, 1]} : vector<6x12800xf32> to vector<1x12800xf32>
    %squeeze3A_31 = vector.shape_cast %slice3A_30 : vector<1x12800xf32> to vector<12800xf32>
    %mul3A_32 = arith.constant 12800 : i32
    %mul3A_33 = arith.muli %arg0, %mul3A_32 : i32
    %swap3A_34 = arith.index_cast %mul3A_33 : i32 to index
    %swap3A_35 = vector.load %arg8[%swap3A_34] : memref<320000xf32, #tpu.memory_space<vmem>>, vector<12800xf32>
    tpu.vector_store %arg8[%swap3A_34], %squeeze3A_31 {strides = array<i32>} : memref<320000xf32, #tpu.memory_space<vmem>>, vector<12800xf32>,
    %slice3A_36 = vector.extract_strided_slice %add3A_9 {offsets = [5, 0], sizes = [1, 12800], strides = [1, 1]} : vector<6x12800xf32> to vector<1x12800xf32>
    %squeeze3A_37 = vector.shape_cast %slice3A_36 : vector<1x12800xf32> to vector<12800xf32>
    %mul3A_38 = arith.constant 12800 : i32
    %mul3A_39 = arith.muli %arg0, %mul3A_38 : i32
    %swap3A_40 = arith.index_cast %mul3A_39 : i32 to index
    %swap3A_41 = vector.load %arg9[%swap3A_40] : memref<320000xf32, #tpu.memory_space<vmem>>, vector<12800xf32>
    tpu.vector_store %arg9[%swap3A_40], %squeeze3A_37 {strides = array<i32>} : memref<320000xf32, #tpu.memory_space<vmem>>, vector<12800xf32>,
    return
  }
  func.func @transform_0(%arg0: i32) -> (i32, i32) {
    %c0_i32 = arith.constant 0 : i32
    %c0_i32_0 = arith.constant 0 : i32
    %c0_i32_1 = arith.constant 0 : i32
    return %c0_i32, %c0_i32_0 : i32, i32
  }
  func.func @transform_1(%arg0: i32) -> (i32, i32) {
    %c0_i32 = arith.constant 0 : i32
    %c0_i32_0 = arith.constant 0 : i32
    %c0_i32_1 = arith.constant 0 : i32
    return %c0_i32, %c0_i32_0 : i32, i32
  }
  func.func @transform_2(%arg0: i32) -> (i32, i32) {
    %c0_i32 = arith.constant 0 : i32
    %c0_i32_0 = arith.constant 0 : i32
    return %c0_i32, %arg0 : i32, i32
  }
  func.func @transform_3(%arg0: i32) -> i32 {
    %c0_i32 = arith.constant 0 : i32
    %c0_i32_0 = arith.constant 0 : i32
    return %c0_i32 : i32
  }
  func.func @transform_4(%arg0: i32) -> i32 {
    %c0_i32 = arith.constant 0 : i32
    %c0_i32_0 = arith.constant 0 : i32
    return %c0_i32 : i32
  }
  func.func @transform_5(%arg0: i32) -> i32 {
    %c0_i32 = arith.constant 0 : i32
    %c0_i32_0 = arith.constant 0 : i32
    return %c0_i32 : i32
  }
  func.func @transform_6(%arg0: i32) -> i32 {
    %c0_i32 = arith.constant 0 : i32
    %c0_i32_0 = arith.constant 0 : i32
    return %c0_i32 : i32
  }
  func.func @transform_7(%arg0: i32) -> i32 {
    %c0_i32 = arith.constant 0 : i32
    %c0_i32_0 = arith.constant 0 : i32
    return %c0_i32 : i32
  }
  func.func @transform_8(%arg0: i32) -> i32 {
    %c0_i32 = arith.constant 0 : i32
    %c0_i32_0 = arith.constant 0 : i32
    return %c0_i32 : i32
  }
}

module attributes {stable_mosaic.version = 14 : i64} {
  func.func @_tc_norm(%arg0: memref<160x10240xf32, #tpu.memory_space<vmem>>, %arg1: memref<24x10240xf32, #tpu.memory_space<vmem>>, %arg2: memref<10240x1xi32, #tpu.memory_space<vmem>>, %arg3: memref<5x1xf32, #tpu.memory_space<vmem>>, %arg4: memref<5x1xf32, #tpu.memory_space<vmem>>, %arg5: memref<5x1xf32, #tpu.memory_space<vmem>>, %arg6: memref<5x4xf32, #tpu.memory_space<vmem>>, %arg7: memref<4x1xf32, #tpu.memory_space<vmem>>, %arg8: memref<4x10240xf32, #tpu.memory_space<vmem>>) attributes {dimension_semantics = [], scalar_prefetch = 0 : i64, scratch_operands = 0 : i64, tpu.core_type = #tpu.core_type<tc>} {
    %get3A = arith.constant 0 : index
    %get3A_0 = arith.constant 0 : index
    %get3A_1 = vector.load %arg0[%get3A, %get3A_0] : memref<160x10240xf32, #tpu.memory_space<vmem>>, vector<160x10240xf32>
    %slice3A = vector.extract_strided_slice %get3A_1 {offsets = [0, 0], sizes = [32, 10240], strides = [1, 1]} : vector<160x10240xf32> to vector<32x10240xf32>
    %reduce_sum3A = arith.constant dense<0.000000e+00> : vector<10240xf32>
    %reduce_sum3A_2 = vector.multi_reduction <add>, %slice3A, %reduce_sum3A [0] : vector<32x10240xf32> to vector<10240xf32>
    %broadcast_in_dim3A = vector.shape_cast %reduce_sum3A_2 : vector<10240xf32> to vector<1x10240xf32>
    %get3A_3 = arith.constant 15 : index
    %get3A_4 = arith.constant 0 : index
    %get3A_5 = vector.load %arg1[%get3A_3, %get3A_4] : memref<24x10240xf32, #tpu.memory_space<vmem>>, vector<1x10240xf32>
    %add3A = arith.addf %broadcast_in_dim3A, %get3A_5 : vector<1x10240xf32>
    %slice3A_6 = vector.extract_strided_slice %get3A_1 {offsets = [32, 0], sizes = [32, 10240], strides = [1, 1]} : vector<160x10240xf32> to vector<32x10240xf32>
    %reduce_sum3A_7 = arith.constant dense<0.000000e+00> : vector<10240xf32>
    %reduce_sum3A_8 = vector.multi_reduction <add>, %slice3A_6, %reduce_sum3A_7 [0] : vector<32x10240xf32> to vector<10240xf32>
    %broadcast_in_dim3A_9 = vector.shape_cast %reduce_sum3A_8 : vector<10240xf32> to vector<1x10240xf32>
    %get3A_10 = arith.constant 16 : index
    %get3A_11 = arith.constant 0 : index
    %get3A_12 = vector.load %arg1[%get3A_10, %get3A_11] : memref<24x10240xf32, #tpu.memory_space<vmem>>, vector<1x10240xf32>
    %add3A_13 = arith.addf %broadcast_in_dim3A_9, %get3A_12 : vector<1x10240xf32>
    %slice3A_14 = vector.extract_strided_slice %get3A_1 {offsets = [64, 0], sizes = [32, 10240], strides = [1, 1]} : vector<160x10240xf32> to vector<32x10240xf32>
    %reduce_sum3A_15 = arith.constant dense<0.000000e+00> : vector<10240xf32>
    %reduce_sum3A_16 = vector.multi_reduction <add>, %slice3A_14, %reduce_sum3A_15 [0] : vector<32x10240xf32> to vector<10240xf32>
    %broadcast_in_dim3A_17 = vector.shape_cast %reduce_sum3A_16 : vector<10240xf32> to vector<1x10240xf32>
    %get3A_18 = arith.constant 17 : index
    %get3A_19 = arith.constant 0 : index
    %get3A_20 = vector.load %arg1[%get3A_18, %get3A_19] : memref<24x10240xf32, #tpu.memory_space<vmem>>, vector<1x10240xf32>
    %add3A_21 = arith.addf %broadcast_in_dim3A_17, %get3A_20 : vector<1x10240xf32>
    %slice3A_22 = vector.extract_strided_slice %get3A_1 {offsets = [96, 0], sizes = [32, 10240], strides = [1, 1]} : vector<160x10240xf32> to vector<32x10240xf32>
    %reduce_sum3A_23 = arith.constant dense<0.000000e+00> : vector<10240xf32>
    %reduce_sum3A_24 = vector.multi_reduction <add>, %slice3A_22, %reduce_sum3A_23 [0] : vector<32x10240xf32> to vector<10240xf32>
    %broadcast_in_dim3A_25 = vector.shape_cast %reduce_sum3A_24 : vector<10240xf32> to vector<1x10240xf32>
    %get3A_26 = arith.constant 18 : index
    %get3A_27 = arith.constant 0 : index
    %get3A_28 = vector.load %arg1[%get3A_26, %get3A_27] : memref<24x10240xf32, #tpu.memory_space<vmem>>, vector<1x10240xf32>
    %add3A_29 = arith.addf %broadcast_in_dim3A_25, %get3A_28 : vector<1x10240xf32>
    %slice3A_30 = vector.extract_strided_slice %get3A_1 {offsets = [128, 0], sizes = [32, 10240], strides = [1, 1]} : vector<160x10240xf32> to vector<32x10240xf32>
    %reduce_sum3A_31 = arith.constant dense<0.000000e+00> : vector<10240xf32>
    %reduce_sum3A_32 = vector.multi_reduction <add>, %slice3A_30, %reduce_sum3A_31 [0] : vector<32x10240xf32> to vector<10240xf32>
    %broadcast_in_dim3A_33 = vector.shape_cast %reduce_sum3A_32 : vector<10240xf32> to vector<1x10240xf32>
    %get3A_34 = arith.constant 19 : index
    %get3A_35 = arith.constant 0 : index
    %get3A_36 = vector.load %arg1[%get3A_34, %get3A_35] : memref<24x10240xf32, #tpu.memory_space<vmem>>, vector<1x10240xf32>
    %add3A_37 = arith.addf %broadcast_in_dim3A_33, %get3A_36 : vector<1x10240xf32>
    %concatenate3A = tpu.concatenate %add3A, %add3A_13, %add3A_21, %add3A_29, %add3A_37 in 0 : vector<1x10240xf32>, vector<1x10240xf32>, vector<1x10240xf32>, vector<1x10240xf32>, vector<1x10240xf32> -> vector<5x10240xf32>
    %get3A_38 = arith.constant 0 : index
    %get3A_39 = arith.constant 0 : index
    %get3A_40 = vector.load %arg2[%get3A_38, %get3A_39] : memref<10240x1xi32, #tpu.memory_space<vmem>>, vector<10240x1xi32>
    %iota3A = tpu.iota {dimensions = array<i32: 1>} : vector<10240x64xi32>
    %eq3A = vector.broadcast %get3A_40 : vector<10240x1xi32> to vector<10240x64xi32>
    %eq3A_41 = arith.cmpi eq, %eq3A, %iota3A : vector<10240x64xi32>
    %jit3A = arith.constant 1.000000e+00 : f32
    %jit3A_42 = arith.constant 0.000000e+00 : f32
    %broadcast_in_dim3A_43 = vector.broadcast %jit3A : f32 to vector<10240x64xf32>
    %broadcast_in_dim3A_44 = vector.broadcast %jit3A_42 : f32 to vector<10240x64xf32>
    %select_n3A = arith.select %eq3A_41, %broadcast_in_dim3A_43, %broadcast_in_dim3A_44 : vector<10240x64xi1>, vector<10240x64xf32>
    %mul3A = arith.mulf %concatenate3A, %concatenate3A : vector<5x10240xf32>
    %broadcast_in_dim3A_45 = arith.constant 1.000000e+00 : f32
    %broadcast_in_dim3A_46 = vector.broadcast %broadcast_in_dim3A_45 : f32 to vector<1x10240xf32>
    %concatenate3A_47 = tpu.concatenate %concatenate3A, %mul3A, %broadcast_in_dim3A_46 in 0 : vector<5x10240xf32>, vector<5x10240xf32>, vector<1x10240xf32> -> vector<11x10240xf32>
    %dot_general3A = arith.constant dense<0.000000e+00> : vector<11x64xf32>
    %dot_general3A_48 = tpu.matmul %concatenate3A_47, %select_n3A, %dot_general3A {dimension_numbers = #tpu.dot_dimension_numbers<[1], [0], [0], [1], [0, 0, 1, 1], [], []>, precision = #tpu.contract_precision<fp32>, transpose_lhs_hint = false} : vector<11x10240xf32>, vector<10240x64xf32>, vector<11x64xf32> -> vector<11x64xf32>
    %slice3A_49 = vector.extract_strided_slice %dot_general3A_48 {offsets = [10, 0], sizes = [1, 64], strides = [1, 1]} : vector<11x64xf32> to vector<1x64xf32>
    %max3A = arith.constant 1.000000e+00 : f32
    %max3A_50 = vector.broadcast %max3A : f32 to vector<1x64xf32>
    %max3A_51 = arith.maximumf %slice3A_49, %max3A_50 : vector<1x64xf32>
    %slice3A_52 = vector.extract_strided_slice %dot_general3A_48 {offsets = [0, 0], sizes = [5, 64], strides = [1, 1]} : vector<11x64xf32> to vector<5x64xf32>
    %div3A = vector.broadcast %max3A_51 : vector<1x64xf32> to vector<5x64xf32>
    %div3A_53 = arith.divf %slice3A_52, %div3A : vector<5x64xf32>
    %slice3A_54 = vector.extract_strided_slice %dot_general3A_48 {offsets = [5, 0], sizes = [5, 64], strides = [1, 1]} : vector<11x64xf32> to vector<5x64xf32>
    %div3A_55 = vector.broadcast %max3A_51 : vector<1x64xf32> to vector<5x64xf32>
    %div3A_56 = arith.divf %slice3A_54, %div3A_55 : vector<5x64xf32>
    %get3A_57 = arith.constant 0 : index
    %get3A_58 = arith.constant 0 : index
    %get3A_59 = vector.load %arg5[%get3A_57, %get3A_58] : memref<5x1xf32, #tpu.memory_space<vmem>>, vector<5x1xf32>
    %mul3A_60 = arith.constant 2.000000e+00 : f32
    %mul3A_61 = vector.broadcast %mul3A_60 : f32 to vector<5x1xf32>
    %mul3A_62 = arith.mulf %mul3A_61, %get3A_59 : vector<5x1xf32>
    %mul3A_63 = arith.mulf %get3A_59, %get3A_59 : vector<5x1xf32>
    %sub3A = arith.subf %mul3A_62, %mul3A_63 : vector<5x1xf32>
    %mul3A_64 = vector.broadcast %sub3A : vector<5x1xf32> to vector<5x64xf32>
    %mul3A_65 = arith.mulf %mul3A_64, %div3A_53 : vector<5x64xf32>
    %mul3A_66 = arith.mulf %mul3A_65, %div3A_53 : vector<5x64xf32>
    %sub3A_67 = arith.subf %div3A_56, %mul3A_66 : vector<5x64xf32>
    %add3A_68 = arith.constant 9.99999974E-6 : f32
    %add3A_69 = vector.broadcast %add3A_68 : f32 to vector<5x64xf32>
    %add3A_70 = arith.addf %sub3A_67, %add3A_69 : vector<5x64xf32>
    %sqrt3A = math.sqrt %add3A_70 : vector<5x64xf32>
    %get3A_71 = arith.constant 0 : index
    %get3A_72 = arith.constant 0 : index
    %get3A_73 = vector.load %arg3[%get3A_71, %get3A_72] : memref<5x1xf32, #tpu.memory_space<vmem>>, vector<5x1xf32>
    %div3A_74 = vector.broadcast %get3A_73 : vector<5x1xf32> to vector<5x64xf32>
    %div3A_75 = arith.divf %div3A_74, %sqrt3A : vector<5x64xf32>
    %get3A_76 = arith.constant 0 : index
    %get3A_77 = arith.constant 0 : index
    %get3A_78 = vector.load %arg4[%get3A_76, %get3A_77] : memref<5x1xf32, #tpu.memory_space<vmem>>, vector<5x1xf32>
    %get3A_79 = arith.constant 0 : index
    %get3A_80 = arith.constant 0 : index
    %get3A_81 = vector.load %arg3[%get3A_79, %get3A_80] : memref<5x1xf32, #tpu.memory_space<vmem>>, vector<5x1xf32>
    %mul3A_82 = arith.mulf %get3A_81, %get3A_59 : vector<5x1xf32>
    %mul3A_83 = vector.broadcast %mul3A_82 : vector<5x1xf32> to vector<5x64xf32>
    %mul3A_84 = arith.mulf %mul3A_83, %div3A_53 : vector<5x64xf32>
    %div3A_85 = arith.divf %mul3A_84, %sqrt3A : vector<5x64xf32>
    %sub3A_86 = vector.broadcast %get3A_78 : vector<5x1xf32> to vector<5x64xf32>
    %sub3A_87 = arith.subf %sub3A_86, %div3A_85 : vector<5x64xf32>
    %concatenate3A_88 = tpu.concatenate %div3A_75, %sub3A_87 in 0 : vector<5x64xf32>, vector<5x64xf32> -> vector<10x64xf32>
    %dot_general3A_89 = arith.constant dense<0.000000e+00> : vector<10x10240xf32>
    %dot_general3A_90 = tpu.matmul %concatenate3A_88, %select_n3A, %dot_general3A_89 {dimension_numbers = #tpu.dot_dimension_numbers<[1], [1], [0], [0], [0, 0, 1, 0], [], []>, precision = #tpu.contract_precision<fp32>, transpose_lhs_hint = false} : vector<10x64xf32>, vector<10240x64xf32>, vector<10x10240xf32> -> vector<10x10240xf32>
    %slice3A_91 = vector.extract_strided_slice %dot_general3A_90 {offsets = [0, 0], sizes = [5, 10240], strides = [1, 1]} : vector<10x10240xf32> to vector<5x10240xf32>
    %mul3A_92 = arith.mulf %slice3A_91, %concatenate3A : vector<5x10240xf32>
    %slice3A_93 = vector.extract_strided_slice %dot_general3A_90 {offsets = [5, 0], sizes = [5, 10240], strides = [1, 1]} : vector<10x10240xf32> to vector<5x10240xf32>
    %add3A_94 = arith.addf %mul3A_92, %slice3A_93 : vector<5x10240xf32>
    %max3A_95 = arith.constant 0.000000e+00 : f32
    %max3A_96 = vector.broadcast %max3A_95 : f32 to vector<5x10240xf32>
    %max3A_97 = arith.maximumf %add3A_94, %max3A_96 : vector<5x10240xf32>
    %get3A_98 = arith.constant 0 : index
    %get3A_99 = arith.constant 0 : index
    %get3A_100 = vector.load %arg6[%get3A_98, %get3A_99] : memref<5x4xf32, #tpu.memory_space<vmem>>, vector<5x4xf32>
    %dot_general3A_101 = arith.constant dense<0.000000e+00> : vector<4x10240xf32>
    %dot_general3A_102 = tpu.matmul %get3A_100, %max3A_97, %dot_general3A_101 {dimension_numbers = #tpu.dot_dimension_numbers<[0], [0], [1], [1], [0, 1, 1, 1], [], []>, precision = #tpu.contract_precision<fp32>, transpose_lhs_hint = false} : vector<5x4xf32>, vector<5x10240xf32>, vector<4x10240xf32> -> vector<4x10240xf32>
    %get3A_103 = arith.constant 0 : index
    %get3A_104 = arith.constant 0 : index
    %get3A_105 = vector.load %arg7[%get3A_103, %get3A_104] : memref<4x1xf32, #tpu.memory_space<vmem>>, vector<4x1xf32>
    %add3A_106 = vector.broadcast %get3A_105 : vector<4x1xf32> to vector<4x10240xf32>
    %add3A_107 = arith.addf %dot_general3A_102, %add3A_106 : vector<4x10240xf32>
    %swap3A = arith.constant 0 : index
    %swap3A_108 = arith.constant 0 : index
    %swap3A_109 = vector.load %arg8[%swap3A, %swap3A_108] : memref<4x10240xf32, #tpu.memory_space<vmem>>, vector<4x10240xf32>
    tpu.vector_store %arg8[%swap3A, %swap3A_108], %add3A_107 {strides = array<i32>} : memref<4x10240xf32, #tpu.memory_space<vmem>>, vector<4x10240xf32>,
    return
  }
}

module attributes {stable_mosaic.version = 14 : i64} {
  func.func @_tc_final(%arg0: memref<32x10240xf32, #tpu.memory_space<vmem>>, %arg1: memref<4x10240xf32, #tpu.memory_space<vmem>>, %arg2: memref<1x10240xf32, #tpu.memory_space<vmem>>) attributes {dimension_semantics = [], scalar_prefetch = 0 : i64, scratch_operands = 0 : i64, tpu.core_type = #tpu.core_type<tc>} {
    %get3A = arith.constant 0 : index
    %get3A_0 = arith.constant 0 : index
    %get3A_1 = vector.load %arg0[%get3A, %get3A_0] : memref<32x10240xf32, #tpu.memory_space<vmem>>, vector<32x10240xf32>
    %reduce_sum3A = arith.constant dense<0.000000e+00> : vector<10240xf32>
    %reduce_sum3A_2 = vector.multi_reduction <add>, %get3A_1, %reduce_sum3A [0] : vector<32x10240xf32> to vector<10240xf32>
    %broadcast_in_dim3A = vector.shape_cast %reduce_sum3A_2 : vector<10240xf32> to vector<1x10240xf32>
    %get3A_3 = arith.constant 3 : index
    %get3A_4 = arith.constant 0 : index
    %get3A_5 = vector.load %arg1[%get3A_3, %get3A_4] : memref<4x10240xf32, #tpu.memory_space<vmem>>, vector<1x10240xf32>
    %add3A = arith.addf %broadcast_in_dim3A, %get3A_5 : vector<1x10240xf32>
    %neg3A = arith.constant 0.000000e+00 : f32
    %neg3A_6 = vector.broadcast %neg3A : f32 to vector<1x10240xf32>
    %neg3A_7 = arith.subf %neg3A_6, %add3A : vector<1x10240xf32>
    %exp3A = math.exp %neg3A_7 : vector<1x10240xf32>
    %add3A_8 = arith.constant 1.000000e+00 : f32
    %add3A_9 = vector.broadcast %add3A_8 : f32 to vector<1x10240xf32>
    %add3A_10 = arith.addf %add3A_9, %exp3A : vector<1x10240xf32>
    %div3A = arith.constant 1.000000e+00 : f32
    %div3A_11 = vector.broadcast %div3A : f32 to vector<1x10240xf32>
    %div3A_12 = arith.divf %div3A_11, %add3A_10 : vector<1x10240xf32>
    %swap3A = arith.constant 0 : index
    %swap3A_13 = arith.constant 0 : index
    %swap3A_14 = vector.load %arg2[%swap3A, %swap3A_13] : memref<1x10240xf32, #tpu.memory_space<vmem>>, vector<1x10240xf32>
    tpu.vector_store %arg2[%swap3A, %swap3A_13], %div3A_12 {strides = array<i32>} : memref<1x10240xf32, #tpu.memory_space<vmem>>, vector<1x10240xf32>,
    return
  }
}

</mosaic_0001>

<sc_bundles>
// kernel: kernel.11.cloned.1.call-start
scs
__scs_entry_jumppad:
0x0: {  	(pc) =	sbr.rel $0x88, $3  }
0x1: {  	(tag) =	ssettag $0x0;
	lr =	simm.s32 $0x1  }
0x2: {  	[smem:$0x3F86] =	sst lr;
	_ =	strace $0xD0000000  }
0x3: {  	_ = 	snop  }
0x4: {  	_ = 	snop  }
0x5: {  	_ = 	snop  }
0x6: {  	_ = 	snop  }
0x7: {  	_ = 	snop  }
__scs_overlays_trampoline_lowered:
0x8: {  	[smem:$0x3F95] =	sst s0  }
0x9: {  	[smem:$0x3F96] =	sst s1  }
0xa: {  	[smem:$0x3F97] =	sst s2  }
0xb: {  	[smem:$0x3F98] =	sst s3  }
0xc: {  	[smem:$0x3F99] =	sst s4  }
0xd: {  	[smem:$0x3F9A] =	sst s5  }
0xe: {  	[smem:$0x3F9B] =	sst s6  }
0xf: {  	[smem:$0x3F9C] =	sst s7  }
0x10: {  	[smem:$0x3F9D] =	sst s8  }
0x11: {  	[smem:$0x3F9E] =	sst s9;
	s0 =	simm.s32 @!p0 $0x0  }
0x12: {  	s1 =	sld [smem:$0x3F84];
	s0 =	simm.s32 @p0 $0x1  }
0x13: {  	[smem:$0x3F9F] =	sst s0;
	s0 =	simm.s32 @!p1 $0x0  }
0x14: {  	s2 =	sld [smem:$0x3F83];
	s0 =	simm.s32 @p1 $0x1  }
0x15: {  	[smem:$0x3FA0] =	sst s0;
	s0 =	simm.s32 @!p2 $0x0  }
0x16: {  	s3 =	sld [smem:$0x3FDB];
	s0 =	simm.s32 @p2 $0x1  }
0x17: {  	s4 =	simm.s32 $0x1BF5;
	[smem:$0x3FA2] =	sst s0  }
0x18: {  	s0 =	sld [smem:$0x3F85];
	_ =	swait.ge [sflag:s4], $0x0  }
0x19: {  	s7 =	sld [smem:$0x3F86]  }
0x1a: {  	s8 =	sadd.s32 $0xFFFFE003, lr  }
0x1b: {  	s9 =	sadd.s32 $0xFFFFFEF7, lr;
	s5 =	simm.s32 $0xFFFFFFFF;
	p2 =	slt.u32 s8, $0xFFFFF086  }
0x1c: {  	p1 =	slt.u32 s9, $0xF7A;
	s5 =	simm.s32 @!p2 $0x0  }
0x1d: {  	s5 =	simm.s32 @p1 $0x1;
	p0 =	seq.s32 s7, s2  }
0x1e: {  	s7 =	smul.u32 @!p0 $0xF7A, s2;
	p2 =	seq.s32 @!p0 s5, $0x0  }
0x1f: {  	s9 =	smul.u32 $0xF7A, s1;
	s8 =	simm.s32 @!p0 $0x1BF5;
	p2 =	por !p2, p0  }
0x20: {  	[sflag:s8] =	ssyncset.s32 @!p0 $0xFFFFF086;
	s6 =	sadd.s32 @!p0 s3, s7;
	s7 =	simm.s32 @!p0 $0x108  }
0x21: {  	s3 =	sadd.s32 s3, s9;
	s6 =	sadd.s32 @!p0 $0x88, s6;
	s7 =	simm.s32 @p2 $0x1082  }
0x22: {  	[simem:s7], [sflag:s8] =	dma.local @!p0 [hbm:s6], $0xF7A  }
0x23: {  	s9 =	sor.u32 $0xD0000000, s2;
	s6 =	simm.s32 $0x108;
	_ =	swait.ge @!p0 [sflag:s8], $0x0  }
0x24: {  	s3 =	sadd.s32 $0x88, s3;
	s6 =	simm.s32 @!p1 $0x1082;
	[sflag:s4] =	ssyncset.s32 $0xFFFFF086  }
0x25: {  	[simem:s6], [sflag:s4] =	dma.local [hbm:s3], $0xF7A  }
0x26: {  	[smem:$0x3F86] =	sst s1;
	(tag) =	ssettag s2;
	_ =	strace s9  }
0x27: {  	s1 =	sld [smem:$0x3F96]  }
0x28: {  	s2 =	sld [smem:$0x3F97]  }
0x29: {  	s4 =	sld [smem:$0x3F99]  }
0x2a: {  	p0 =	seq.s32 s5, $0x0;
	s5 =	sld [smem:$0x3F9A]  }
0x2b: {  	s6 =	sld [smem:$0x3F9B]  }
0x2c: {  	s7 =	sld [smem:$0x3F9C]  }
0x2d: {  	s3 =	simm.s32 $0x108;
	s8 =	sld [smem:$0x3F9D]  }
0x2e: {  	s3 =	simm.s32 @!p0 $0x1082;
	s9 =	sld [smem:$0x3F9E]  }
0x2f: {  	lr =	sadd.s32 s0, s3;
	s0 =	sld [smem:$0x3F95]  }
0x30: {  	s3 =	sld [smem:$0x3F98]  }
0x31: {  	[smem:$0x3FA1] =	sst s10  }
0x32: {  	s10 =	sld [smem:$0x3F9F];
	_ =	sdelay $0x3  }
0x33: {  	p0 =	seq.s32 s10, $0x1;
	s10 =	sld [smem:$0x3FA1];
	_ =	sdelay $0x3  }
0x34: {  	[smem:$0x3FA1] =	sst s10  }
0x35: {  	s10 =	sld [smem:$0x3FA0];
	_ =	sdelay $0x3  }
0x36: {  	p1 =	seq.s32 s10, $0x1;
	s10 =	sld [smem:$0x3FA1];
	_ =	sdelay $0x3  }
0x37: {  	[smem:$0x3FA1] =	sst s10  }
0x38: {  	s10 =	sld [smem:$0x3FA2]  }
0x39: {  	_ = 	snop;
	(pc) =	sbr.ind lr, $3  }
0x3a: {  	_ = 	snop  }
0x3b: {  	_ = 	snop  }
0x3c: {  	p2 =	seq.s32 s10, $0x1;
	s10 =	sld [smem:$0x3FA1]  }
0x3d: {  	_ =	shalt  }
0x3e: {  	_ =	shalt  }
0x3f: {  	_ =	shalt  }
0x40: {  	_ =	shalt  }
0x41: {  	_ =	shalt  }
0x42: {  	_ =	shalt  }
0x43: {  	_ =	shalt  }
0x44: {  	_ =	shalt  }
0x45: {  	_ =	shalt  }
0x46: {  	_ =	shalt  }
0x47: {  	_ =	shalt  }
0x48: {  	_ =	shalt  }
0x49: {  	_ =	shalt  }
0x4a: {  	_ =	shalt  }
0x4b: {  	_ =	shalt  }
0x4c: {  	_ =	shalt  }
0x4d: {  	_ =	shalt  }
0x4e: {  	_ =	shalt  }
0x4f: {  	_ =	shalt  }
0x50: {  	_ =	shalt  }
0x51: {  	_ =	shalt  }
0x52: {  	_ =	shalt  }
0x53: {  	_ =	shalt  }
0x54: {  	_ =	shalt  }
0x55: {  	_ =	shalt  }
0x56: {  	_ =	shalt  }
0x57: {  	_ =	shalt  }
0x58: {  	_ =	shalt  }
0x59: {  	_ =	shalt  }
0x5a: {  	_ =	shalt  }
0x5b: {  	_ =	shalt  }
0x5c: {  	_ =	shalt  }
0x5d: {  	_ =	shalt  }
0x5e: {  	_ =	shalt  }
0x5f: {  	_ =	shalt  }
0x60: {  	_ =	shalt  }
0x61: {  	_ =	shalt  }
0x62: {  	_ =	shalt  }
0x63: {  	_ =	shalt  }
0x64: {  	_ =	shalt  }
0x65: {  	_ =	shalt  }
0x66: {  	_ =	shalt  }
0x67: {  	_ =	shalt  }
0x68: {  	_ =	shalt  }
0x69: {  	_ =	shalt  }
0x6a: {  	_ =	shalt  }
0x6b: {  	_ =	shalt  }
0x6c: {  	_ =	shalt  }
0x6d: {  	_ =	shalt  }
0x6e: {  	_ =	shalt  }
0x6f: {  	_ =	shalt  }
0x70: {  	_ =	shalt  }
0x71: {  	_ =	shalt  }
0x72: {  	_ =	shalt  }
0x73: {  	_ =	shalt  }
0x74: {  	_ =	shalt  }
0x75: {  	_ =	shalt  }
0x76: {  	_ =	shalt  }
0x77: {  	_ =	shalt  }
0x78: {  	_ =	shalt  }
0x79: {  	_ =	shalt  }
0x7a: {  	_ =	shalt  }
0x7b: {  	_ =	shalt  }
0x7c: {  	_ =	shalt  }
0x7d: {  	_ =	shalt  }
0x7e: {  	_ =	shalt  }
0x7f: {  	_ =	shalt  }
0x80: {  	_ =	shalt  }
0x81: {  	_ =	shalt  }
0x82: {  	_ =	shalt  }
0x83: {  	_ =	shalt  }
0x84: {  	_ =	shalt  }
0x85: {  	_ =	shalt  }
0x86: {  	_ =	shalt  }
0x87: {  	_ =	shalt  }
.Lfunc_end0:
.L_simem_size_0:
called_computation.1_lowered:
.L_overlay_start_0:
0x88: {  	s2 =	sld [smem:$0x3FD9]  }
0x89: {  	s3 =	sld [smem:$0x3FFE];
	_ =	sdelay $0x1  }
0x8a: {  	s1 =	srdreg.scid  }
0x8b: {  	s0 =	sand.u32 $0x1, s1  }
0x8c: {  	s16 =	sshll.u32 s0, $0xA;
	s2 =	sadd.s32 s3, s2  }
0x8d: {  	s2 =	sadd.s32 s2, s16  }
0x8e: {  	[smem:$0x3FAD] =	sst s2  }
0x8f: {  	_ = 	snop  }
0x90: {  	(tm) =	ssettm $0x1  }
0x91: {  	s17 =	sld [smem:$0x3FFB];
	_ =	sdelay $0x3  }
0x92: {  	_ =	strace s17  }
0x93: {  	s2 =	sld [smem:$0x3FFC];
	_ =	sdelay $0x3  }
0x94: {  	_ =	strace s2  }
0x95: {  	s2 =	sld [smem:$0x3FFD];
	_ =	sdelay $0x3  }
0x96: {  	_ =	strace s2  }
0x97: {  	_ =	strace $0x8FFFFFFF  }
0x98: {  	s18 =	sld [smem:$0x3FDB];
	_ =	sdelay $0x1  }
0x99: {  	s19 =	simm.s32 $_scs_section_size  }
0x9a: {  	s4 =	simm.s32 $_size__tile_overlayer_lowered;
	s5 =	simm.s32 $_tile_overlayer_lowered  }
0x9b: {  	s22 =	simm.s32 $0x1BFF;
	s21 =	sshll.u32 s5, $0x1;
	s2 =	sadd.s32 s19, s18  }
0x9c: {  	s6 =	simm.s32 $0x0;
	s20 =	sshll.u32 s4, $0x1;
	s4 =	sadd.s32 s21, s2  }
0x9d: {  	[timem:s6], [sflag:s22] =	dma.local [hbm:s4], s20  }
0x9e: {  	_ =	swait.ge [sflag:s22], s20  }
0x9f: {  	s3 =	ssub.s32 $0x0, s20;
	[sflag:s22] =	ssyncset.done $0x0  }
0xa0: {  	[sflag:s22] =	ssyncadd.s32 s3;
	_ =	sdelay $0x1  }
0xa1: {  	s23 =	simm.s32 $0x1B8B  }
0xa2: {  	_ =	swait.ge [sflag:s23], $0x1  }
0xa3: {  	[sflag:s23] =	ssyncset.done $0x0  }
0xa4: {  	s25 =	simm.s32 $0x1B8E;
	s24 =	sld [smem:$0x3FFE];
	[sflag:s23] =	ssyncadd.s32 $0xFFFFFFFF  }
0xa5: {  	s26 =	simm.s32 $execute0_lowered;
	[smem:$0x3FD2] =	sst s25  }
0xa6: {  	s4 =	sshll.u32 s26, $0x1;
	_ =	strace $0x80000049;
	[dreg:$0x1] =	wrdreg $0xFFFFFFFF  }
0xa7: {  	s28 =	simm.s32 $_size_execute0_lowered;
	s2 =	sadd.s32 s2, s4;
	[dreg:$0x0] =	wrdreg $0x0  }
0xa8: {  	s4 =	sshll.u32 s28, $0x1;
	[dreg:$0x2] =	wrdreg s2  }
0xa9: {  	[dreg:$0x3] =	wrdreg s4  }
0xaa: {  	[dreg:$0x4] =	wrdreg $0xC0  }
0xab: {  	_ =	task [dreg:s6], $0x5FFFF  }
0xac: {  	[dreg:$0x1] =	wrdreg $0xFFFFFFFF  }
0xad: {  	[dreg:$0x0] =	wrdreg $0x60  }
0xae: {  	[dreg:$0x2] =	wrdreg s24  }
0xaf: {  	[dreg:$0x3] =	wrdreg $0x9  }
0xb0: {  	_ =	task.clear_ibuf [dreg:s6], $0x4FFFF;
	_ =	strace $0x90000049  }
0xb1: {  	s29 =	simm.s32 $0x9;
	_ =	strace $0x8000004B  }
0xb2: {  	_ =	swait.ge [sflag:s29], $0x1  }
0xb3: {  	[sflag:s29] =	ssyncadd.s32 $0xFFFFFFFF  }
0xb4: {  	_ =	strace $0x9000004B  }
0xb5: {  	_ =	sfence  }
0xb6: {  	s30 =	sld [smem:$0x0];
	_ =	sdelay $0x2  }
0xb7: {  	s31 =	sshll.u32 s1, $0xD;
	s1 =	sshrl.u32 s1, $0x2  }
0xb8: {  	s3 =	sand.u32 $0x4000, s31;
	s1 =	sadd.s32 s1, s30  }
0xb9: {  	s0 =	sor.u32 s3, s0;
	s1 =	sshll.u32 s1, $0x11  }
0xba: {  	s0 =	sor.u32 s1, s0  }
0xbb: {  	s0 =	sadd.s32 $0x8F2B, s0  }
0xbc: {  	[sflag:s0] =	ssyncadd.remote.s32 $0x1  }
0xbd: {  	_ =	sfence.sel $0xFFFF  }
0xbe: {  	[dreg:$0x0] =	wrdreg $0xFFFFFFFF;
	(pc) =	sbr.abs _section_cstart, $3  }
0xbf: {  	[dreg:$0x1] =	wrdreg $0xFFFFFFFF  }
0xc0: {  	_ =	task.clear_ibuf [dreg:s6], $0x2FFFF;
	_ =	strace $0x9FFFFFFF  }
0xc1: {  	(tm) =	ssettm $0x7FFFFFFF  }
tec
execute0_lowered:
.L_overlay_start_1:
0x0: {  	(tag) =	ssettag $0x1  }
0x1: {  	s1 =	srdreg.scid  }
0x2: {  	s0 =	stileid.u32;
	s6 =	rddreg [dreg:$0x0]  }
0x3: {  	s2 =	simm.s32 $0x0;
	s12 =	simm.s32 $0x7780;
	s13 =	simm.s32 $0x9F80  }
0x4: {  	s14 =	simm.s32 $0x1;
	s15 =	simm.s32 $0x2;
	s16 =	simm.s32 $0xC700  }
0x5: {  	s17 =	simm.s32 $0x3;
	s3 =	sand.u32 $0x1, s1;
	s31 =	sshll.u32 s0, $0x1  }
0x6: {  	s18 =	simm.s32 $0x0;
	s1 =	rddreg [dreg:$0x1];
	s4 =	sor.u32 s3, s31  }
0x7: {  	[smem:$0x7FF] =	sst s2;
	s7 =	ssub.s32 $0x2, s3;
	s5 =	smul.u32 $0x4E2, s4  }
0x8: {  	_ =	strace $0x8000004A;
	s4 =	smul.u32 $0x500, s4;
	s8 =	sshrl.u32 s7, $0x1  }
0x9: {  	s3 =	sadd.s32 $0x3400, s6;
	s11 =	ssub.s32 s7, s8;
	s9 =	sadd.s32 s5, s6  }
0xa: {  	s10 =	sadd.s32 s4, s6;
	s5 =	sadd.s32 $0x3900, s6;
	s6 =	sadd.s32 $0x3E00, s6  }
0xb: {  	s4 =	sadd.s32 $0xAC00, s9;
	s7 =	sadd.s32 $0x46000, s9;
	s8 =	sadd.s32 $0x14A00, s10  }
0xc: {  	v0 =	vimm.f32 $0.0e+00;
	s9 =	smax.u32 s11, $0x1;
	s10 =	simm.s32 $0x2780;
	s11 =	simm.s32 $0x4F80  }
.LBB2_1:
0xd: {  	[tilespmem:s2], [sflag:$0x1] =	stream.linear.gather [hbm4b:s4+s2], $0x2710, $0x38;
	[tilespmem:$0xEF00] =	vst v63  }
0xe: {  	_ = 	snop  }
0xf: {  	[tilespmem:s10], [sflag:$0x2] =	stream.linear.gather [hbm4b:s3+s2], $0x2800, $0x38;
	[tilespmem:$0xEF00] =	vst v63  }
0x10: {  	_ = 	snop  }
0x11: {  	[tilespmem:s11], [sflag:$0x2] =	stream.linear.gather [hbm4b:s5+s2], $0x2800, $0x38;
	[tilespmem:$0xEF00] =	vst v63  }
0x12: {  	_ = 	snop  }
0x13: {  	[tilespmem:s12], [sflag:$0x2] =	stream.linear.gather [hbm4b:s6+s2], $0x2800, $0x38;
	[tilespmem:$0xEF00] =	vst v63  }
0x14: {  	_ = 	snop  }
0x15: {  	[tilespmem:s13], [sflag:$0x2] =	stream.linear.gather [hbm4b:s7+s2], $0x2710, $0x38;
	[tilespmem:$0xEF00] =	vst v63  }
0x16: {  	_ =	swait.ge [sflag:s14], $0x2710  }
0x17: {  	[sflag:s14] =	ssyncset.done $0x0  }
0x18: {  	[sflag:s14] =	ssyncadd.s32 $0xFFFFD8F0  }
0x19: {  	_ =	swait.ge [sflag:s15], $0x2800  }
0x1a: {  	[sflag:s15] =	ssyncset.done $0x0  }
0x1b: {  	[sflag:s15] =	ssyncadd.s32 $0xFFFFD800  }
0x1c: {  	_ =	swait.ge [sflag:s15], $0x2800  }
0x1d: {  	[sflag:s15] =	ssyncset.done $0x0  }
0x1e: {  	[sflag:s15] =	ssyncadd.s32 $0xFFFFD800  }
0x1f: {  	_ =	swait.ge [sflag:s15], $0x2800  }
0x20: {  	[sflag:s15] =	ssyncset.done $0x0  }
0x21: {  	[sflag:s15] =	ssyncadd.s32 $0xFFFFD800  }
0x22: {  	_ =	swait.ge [sflag:s15], $0x2710  }
0x23: {  	[sflag:s15] =	ssyncset.done $0x0  }
0x24: {  	s19 =	simm.s32 $0x0;
	s20 =	simm.s32 $0x200;
	[sflag:s15] =	ssyncadd.s32 $0xFFFFD8F0  }
.LBB2_2:
0x25: {  	p0 =	sne.s32 s20, $0x9E00;
	[tilespmem:s19+$0xC770] =	vst v0  }
0x26: {  	[tilespmem:s19+$0xC700] =	vst v0  }
0x27: {  	[tilespmem:s19+$0xC710] =	vst v0  }
.Ltmp0:
0x28: {  	[tilespmem:s19+$0xC720] =	vst v0;
	(pc) =	sbr.rel @p0 .LBB2_2-.Ltmp0, $4  }
0x29: {  	[tilespmem:s19+$0xC730] =	vst v0  }
0x2a: {  	[tilespmem:s19+$0xC740] =	vst v0  }
0x2b: {  	[tilespmem:s19+$0xC750] =	vst v0  }
0x2c: {  	[tilespmem:s19+$0xC760] =	vst v0;
	s19 =	sshra.s32 s20, $0x2;
	s20 =	sadd.s32 $0x200, s20  }
0x2d: {  	[tilespmem:s19+$0xC770] =	vst v0  }
0x2e: {  	[tilespmem:s19+$0xC700] =	vst v0  }
0x2f: {  	[tilespmem:s19+$0xC710] =	vst v0  }
0x30: {  	[tilespmem:s19+$0xC720] =	vst v0  }
0x31: {  	[tilespmem:s19+$0xC730] =	vst v0  }
0x32: {  	[tilespmem:s19+$0xC740] =	vst v0  }
0x33: {  	[tilespmem:s19+$0xC750] =	vst v0  }
0x34: {  	[tilespmem:s19+$0xC760] =	vst v0;
	s20 =	simm.s32 $0x50  }
0x35: {  	v1 =	vld [tilespmem:s20+$0x40]  }
0x36: {  	s19 =	simm.s32 $0x0;
	v2 =	vld [tilespmem:s20+$0xFFFFFFC0]  }
0x37: {  	s21 =	sand.u32 $0x3FE0, s19;
	v4 =	vld [tilespmem:s20+$0xFFFFFFD0]  }
0x38: {  	v3 =	vld [tilespmem:s21+$0x80]  }
0x39: {  	v6 =	vld [tilespmem:s20+$0xFFFFFFE0]  }
0x3a: {  	v7 =	vld [tilespmem:s20+$0xFFFFFFF0]  }
0x3b: {  	v8 =	vld [tilespmem:s20+$0x0];
	v17 =	vand.u32 $0xFFFF, v1  }
0x3c: {  	v9 =	vld [tilespmem:s20+$0x10];
	v11 =	vshrl.u32 v1, $0x10  }
0x3d: {  	v10 =	vld [tilespmem:s20+$0x20];
	v18 =	vand.u32 $0xFFFF, v3  }
0x3e: {  	v24 =	vld [tilespmem:s21+$0xA000];
	v12 =	vshrl.u32 v3, $0x10  }
0x3f: {  	v3 =	vld [tilespmem:s20+$0xFFFFFFB0]  }
0x40: {  	v13 =	vld.idx.msk [tilespmem:v17+s10+$0x0], $0xffff  }
0x41: {  	v14 =	vld.idx.msk [tilespmem:v11+s11+$0x0], $0xffff  }
0x42: {  	v16 =	vld.idx.msk [tilespmem:v18+s10+$0x0], $0xffff  }
0x43: {  	v1 =	vand.u32 $0xFFFF, v2;
	s20 =	simm.s32 $0x9FD0;
	v19 =	vld.idx.msk [tilespmem:v12+s11+$0x0], $0xffff  }
0x44: {  	v15 =	vshrl.u32 v2, $0x10;
	v20 =	vld [tilespmem:s20+$0x40]  }
0x45: {  	v23 =	vshrl.u32 v4, $0x10;
	v36 =	vld [tilespmem:s20+$0xFFFFFFC0]  }
0x46: {  	v26 =	vshrl.u32 v6, $0x10;
	v48 =	vld [tilespmem:s20+$0xFFFFFFD0]  }
0x47: {  	v47 =	vshrl.u32 v8, $0x10;
	v52 =	vld [tilespmem:s20+$0xFFFFFFF0];
	v13 =	vadd.f32 v14, v13  }
0x48: {  	v31 =	vshrl.u32 v9, $0x10;
	v22 =	vld.idx.msk [tilespmem:v1+s10+$0x0], $0xffff;
	v16 =	vadd.f32 v19, v16  }
0x49: {  	v2 =	vand.u32 $0xFFFF, v4;
	v25 =	vld.idx.msk [tilespmem:v15+s11+$0x0], $0xffff;
	v13 =	vadd.f32 v20, v13  }
0x4a: {  	v28 =	vld.idx.msk [tilespmem:v23+s11+$0x0], $0xffff;
	v5 =	vand.u32 $0xFFFF, v3;
	v16 =	vadd.f32 v24, v16  }
0x4b: {  	v30 =	vld.idx.msk [tilespmem:v26+s11+$0x0], $0xffff;
	v21 =	vshrl.u32 v3, $0x10;
	v13 =	vsub.f32 $0.0e+00, v13  }
0x4c: {  	v32 =	vld.idx.msk [tilespmem:v47+s11+$0x0], $0xffff;
	v3 =	vand.u32 $0xFFFF, v6;
	v6 =	vand.u32 $0xFFFF, v8;
	v8 =	vsub.f32 $0.0e+00, v16  }
0x4d: {  	v35 =	vld.idx.msk [tilespmem:v31+s11+$0x0], $0xffff;
	v13 =	vmul.f32 $1.442695020e+00, v13  }
0x4e: {  	v4 =	vand.u32 $0xFFFF, v7;
	v14 =	vld.idx.msk [tilespmem:v2+s10+$0x0], $0xffff;
	v8 =	vmul.f32 $1.442695020e+00, v8  }
0x4f: {  	v27 =	vld.idx.msk [tilespmem:v5+s10+$0x0], $0xffff;
	v19 =	vshrl.u32 v7, $0x10;
	(erf) = vpow2.f32 v13  }
0x50: {  	v20 =	vld.idx.msk [tilespmem:v21+s11+$0x0], $0xffff;
	(erf) = vpow2.f32 v8  }
0x51: {  	v29 =	vld.idx.msk [tilespmem:v3+s10+$0x0], $0xffff;
	v7 =	vand.u32 $0xFFFF, v9  }
0x52: {  	v34 =	vshrl.u32 v10, $0x10;
	v8 =	vand.u32 $0xFFFF, v10;
	v10 =	vld [tilespmem:s20+$0xFFFFFFB0]  }
0x53: {  	v22 =	vadd.f32 v25, v22;
	v16 =	vld.idx.msk [tilespmem:v4+s10+$0x0], $0xffff  }
0x54: {  	v9 =	vld.idx.msk [tilespmem:v19+s11+$0x0], $0xffff  }
0x55: {  	v22 =	vadd.f32 v36, v22;
	v20 =	vadd.f32 v20, v27;
	v13 =	vld.idx.msk [tilespmem:v6+s10+$0x0], $0xffff  }
0x56: {  	v33 =	vld.idx.msk [tilespmem:v7+s10+$0x0], $0xffff  }
0x57: {  	v22 =	vsub.f32 $0.0e+00, v22;
	v10 =	vadd.f32 v10, v20;
	v20 =	vld [tilespmem:s20+$0xFFFFFFE0]  }
0x58: {  	v54 =	vld [tilespmem:s20+$0x0];
	v14 =	vadd.f32 v28, v14;
	v49 =	vadd.f32 v30, v29;
	v51 =	vpop (erf)  }
0x59: {  	v55 =	vld [tilespmem:s20+$0x10];
	v9 =	vadd.f32 v9, v16;
	v29 =	vadd.f32 $1.000000000e+00, v51;
	v53 =	vpop (erf)  }
0x5a: {  	v16 =	vld.idx.msk [tilespmem:v34+s11+$0x0], $0xffff;
	v13 =	vadd.f32 v32, v13;
	v32 =	vadd.f32 $1.000000000e+00, v53  }
0x5b: {  	v14 =	vadd.f32 v48, v14;
	v50 =	vld.idx.msk [tilespmem:v8+s10+$0x0], $0xffff;
	v10 =	vsub.f32 $0.0e+00, v10;
	(erf) = vrcp.f32 v29  }
0x5c: {  	v56 =	vadd.f32 v35, v33;
	v20 =	vadd.f32 v20, v49;
	(erf) = vrcp.f32 v32  }
0x5d: {  	v57 =	vld [tilespmem:s20+$0x20];
	v58 =	vadd.f32 v52, v9;
	v13 =	vadd.f32 v54, v13;
	v10 =	vmul.f32 $1.442695020e+00, v10  }
0x5e: {  	v9 =	vld.idx.msk [tilespmem:v15+s12+$0x0], $0xffff;
	v15 =	vsub.f32 $0.0e+00, v20;
	v20 =	vadd.f32 v55, v56  }
0x5f: {  	v14 =	vsub.f32 $0.0e+00, v14;
	v13 =	vsub.f32 $0.0e+00, v13;
	(erf) = vpow2.f32 v10  }
0x60: {  	v22 =	vmul.f32 $1.442695020e+00, v22;
	v16 =	vadd.f32 v16, v50;
	v20 =	vsub.f32 $0.0e+00, v20  }
0x61: {  	v14 =	vmul.f32 $1.442695020e+00, v14;
	v60 =	vmul.f32 $1.442695020e+00, v13;
	v10 =	vld.idx.msk [tilespmem:v21+s12+$0x0], $0xffff;
	v21 =	vsub.f32 $0.0e+00, v58  }
0x62: {  	v16 =	vadd.f32 v57, v16;
	(erf) = vpow2.f32 v22;
	v15 =	vmul.f32 $1.442695020e+00, v15  }
0x63: {  	v11 =	vld.idx.msk [tilespmem:v11+s12+$0x0], $0xffff;
	(erf) = vpow2.f32 v14;
	v21 =	vmul.f32 $1.442695020e+00, v21  }
0x64: {  	v13 =	vld.idx.msk [tilespmem:v19+s12+$0x0], $0xffff;
	v16 =	vsub.f32 $0.0e+00, v16;
	v19 =	vmul.f32 $1.442695020e+00, v20;
	(erf) = vpow2.f32 v15;
	v20 =	vpop (erf)  }
0x65: {  	v59 =	vld.idx.msk [tilespmem:v12+s12+$0x0], $0xffff;
	v62 =	vpop (erf);
	(erf) = vpow2.f32 v21  }
0x66: {  	v12 =	vld.idx.msk [tilespmem:v26+s12+$0x0], $0xffff;
	v61 =	vmul.f32 $1.442695020e+00, v16;
	(erf) = vpow2.f32 v60  }
0x67: {  	v14 =	vld.idx.msk [tilespmem:v23+s12+$0x0], $0xffff;
	(erf) = vpow2.f32 v19  }
0x68: {  	v15 =	vld.idx.msk [tilespmem:v47+s12+$0x0], $0xffff;
	v63 =	vpop (erf);
	(erf) = vpow2.f32 v61  }
0x69: {  	v16 =	vld.idx.msk [tilespmem:v31+s12+$0x0], $0xffff;
	v20 =	vmul.f32 v20, v11;
	v19 =	vadd.f32 $1.000000000e+00, v63  }
0x6a: {  	v11 =	vld.idx.msk [tilespmem:v34+s12+$0x0], $0xffff;
	v22 =	vmul.f32 v62, v59  }
0x6b: {  	[tilespmem:v17+s16+$0x0] =	vst.idx.add.f32.msk $0xffff, v20;
	v17 =	vpop (erf);
	(erf) = vrcp.f32 v19  }
0x6c: {  	s22 =	simm.s32 $0xF0;
	s23 =	simm.s32 $0x0;
	s21 =	simm.s32 $0x0;
	[tilespmem:v18+s16+$0x0] =	vst.idx.add.f32.msk $0xffff, v22;
	v17 =	vadd.f32 $1.000000000e+00, v17;
	v18 =	vpop (erf)  }
.LBB2_4:
0x6d: {  	v19 =	vld [tilespmem:s22+$0x40];
	v21 =	vadd.f32 $1.000000000e+00, v18;
	s23 =	sadd.s32 $0xA0, s23;
	v20 =	vpop (erf)  }
0x6e: {  	v22 =	vld [tilespmem:s22+$0xFFFFFFC0];
	s24 =	sand.u32 $0x3FE0, s23;
	v25 =	vadd.f32 $1.000000000e+00, v20;
	(erf) = vrcp.f32 v17;
	v17 =	vpop (erf)  }
0x6f: {  	s21 =	sadd.s32 $0xA, s21;
	v23 =	vld [tilespmem:s24+$0x80];
	v27 =	vadd.f32 $1.000000000e+00, v17;
	(erf) = vrcp.f32 v21;
	v18 =	vpop (erf)  }
0x70: {  	p0 =	slt.u32 s21, $0x262;
	v24 =	vld [tilespmem:s22+$0xFFFFFFD0];
	v18 =	vadd.f32 $1.000000000e+00, v18;
	(erf) = vrcp.f32 v25;
	v20 =	vpop (erf)  }
0x71: {  	v26 =	vld [tilespmem:s22+$0xFFFFFFE0];
	v20 =	vadd.f32 $1.000000000e+00, v20;
	(erf) = vrcp.f32 v27;
	v17 =	vpop (erf)  }
0x72: {  	v27 =	vld [tilespmem:s22+$0xFFFFFFF0];
	v21 =	vand.u32 $0xFFFF, v19;
	v28 =	vadd.f32 $1.000000000e+00, v17;
	(erf) = vrcp.f32 v18  }
0x73: {  	v37 =	vshrl.u32 v19, $0x10;
	v42 =	vshrl.u32 v22, $0x10;
	v17 =	vand.u32 $0xFFFF, v22;
	v22 =	vld [tilespmem:s22+$0x0]  }
0x74: {  	v29 =	vld [tilespmem:s22+$0x10];
	v25 =	vand.u32 $0xFFFF, v23;
	v30 =	vpop (erf);
	(erf) = vrcp.f32 v20  }
0x75: {  	v43 =	vshrl.u32 v23, $0x10;
	v35 =	vshrl.u32 v24, $0x10;
	v18 =	vand.u32 $0xFFFF, v24;
	v24 =	vld [tilespmem:s22+$0x20]  }
0x76: {  	v31 =	vld [tilespmem:s22+$0xFFFFFFB0];
	v38 =	vshrl.u32 v26, $0x10;
	v19 =	vand.u32 $0xFFFF, v26;
	(erf) = vrcp.f32 v28  }
0x77: {  	v26 =	vmul.f32 v30, v10;
	v36 =	vshrl.u32 v27, $0x10;
	v20 =	vand.u32 $0xFFFF, v27;
	v33 =	vld.idx.msk [tilespmem:v21+s10+$0x0], $0xffff;
	v10 =	vpop (erf)  }
0x78: {  	v39 =	vshrl.u32 v22, $0x10;
	v22 =	vand.u32 $0xFFFF, v22;
	v44 =	vld.idx.msk [tilespmem:v37+s11+$0x0], $0xffff;
	v27 =	vmul.f32 v10, v9;
	v9 =	vpop (erf)  }
0x79: {  	v40 =	vshrl.u32 v29, $0x10;
	v23 =	vand.u32 $0xFFFF, v29;
	v10 =	vld.idx.msk [tilespmem:v25+s10+$0x0], $0xffff;
	v28 =	vmul.f32 v9, v14;
	v9 =	vpop (erf)  }
0x7a: {  	v41 =	vshrl.u32 v24, $0x10;
	v24 =	vand.u32 $0xFFFF, v24;
	v14 =	vld.idx.msk [tilespmem:v43+s11+$0x0], $0xffff;
	v29 =	vmul.f32 v9, v12;
	v9 =	vpop (erf)  }
0x7b: {  	s20 =	sadd.s32 $0xA0, s20;
	v12 =	vshrl.u32 v31, $0x10;
	v34 =	vand.u32 $0xFFFF, v31;
	v45 =	vld.idx.msk [tilespmem:v17+s10+$0x0], $0xffff;
	v30 =	vmul.f32 v9, v13;
	v9 =	vpop (erf)  }
0x7c: {  	v13 =	vld [tilespmem:s20+$0x40];
	v31 =	vmul.f32 v9, v15  }
0x7d: {  	v9 =	vld [tilespmem:s24+$0xA000];
	v15 =	vpop (erf)  }
0x7e: {  	v46 =	vld.idx.msk [tilespmem:v42+s11+$0x0], $0xffff;
	v32 =	vmul.f32 v15, v16  }
0x7f: {  	v16 =	vadd.f32 v44, v33;
	v15 =	vld.idx.msk [tilespmem:v18+s10+$0x0], $0xffff;
	v33 =	vpop (erf)  }
0x80: {  	v10 =	vadd.f32 v14, v10;
	v44 =	vld.idx.msk [tilespmem:v34+s10+$0x0], $0xffff;
	v33 =	vmul.f32 v33, v11  }
0x81: {  	v11 =	vld.idx.msk [tilespmem:v12+s11+$0x0], $0xffff;
	v13 =	vadd.f32 v13, v16  }
0x82: {  	v14 =	vld.idx.msk [tilespmem:v35+s11+$0x0], $0xffff;
	v9 =	vadd.f32 v9, v10  }
0x83: {  	v10 =	vld.idx.msk [tilespmem:v19+s10+$0x0], $0xffff;
	v13 =	vsub.f32 $0.0e+00, v13  }
0x84: {  	v16 =	vadd.f32 v46, v45;
	v45 =	vld.idx.msk [tilespmem:v38+s11+$0x0], $0xffff;
	v9 =	vsub.f32 $0.0e+00, v9  }
0x85: {  	v46 =	vld.idx.msk [tilespmem:v20+s10+$0x0], $0xffff;
	v13 =	vmul.f32 $1.442695020e+00, v13  }
0x86: {  	v47 =	vld.idx.msk [tilespmem:v36+s11+$0x0], $0xffff;
	v9 =	vmul.f32 $1.442695020e+00, v9  }
0x87: {  	v11 =	vadd.f32 v11, v44;
	v44 =	vld.idx.msk [tilespmem:v22+s10+$0x0], $0xffff;
	(erf) = vpow2.f32 v13  }
0x88: {  	v13 =	vadd.f32 v14, v15;
	v14 =	vld.idx.msk [tilespmem:v39+s11+$0x0], $0xffff;
	(erf) = vpow2.f32 v9  }
0x89: {  	v9 =	vld.idx.msk [tilespmem:v23+s10+$0x0], $0xffff  }
0x8a: {  	v15 =	vadd.f32 v45, v10;
	v10 =	vld.idx.msk [tilespmem:v40+s11+$0x0], $0xffff  }
0x8b: {  	v45 =	vld.idx.msk [tilespmem:v24+s10+$0x0], $0xffff  }
0x8c: {  	v46 =	vadd.f32 v47, v46;
	v47 =	vld.idx.msk [tilespmem:v41+s11+$0x0], $0xffff  }
0x8d: {  	v48 =	vld [tilespmem:s20+$0xFFFFFFB0]  }
0x8e: {  	v14 =	vadd.f32 v14, v44;
	v49 =	vld [tilespmem:s20+$0xFFFFFFC0]  }
0x8f: {  	v44 =	vld [tilespmem:s20+$0xFFFFFFD0]  }
0x90: {  	v51 =	vadd.f32 v10, v9;
	v50 =	vld [tilespmem:s20+$0xFFFFFFE0];
	v9 =	vpop (erf)  }
0x91: {  	v52 =	vld [tilespmem:s20+$0xFFFFFFF0];
	v9 =	vadd.f32 $1.000000000e+00, v9;
	v10 =	vpop (erf)  }
0x92: {  	v45 =	vadd.f32 v47, v45;
	v53 =	vld [tilespmem:s20+$0x0];
	v10 =	vadd.f32 $1.000000000e+00, v10  }
0x93: {  	v11 =	vadd.f32 v48, v11;
	v16 =	vadd.f32 v49, v16;
	v47 =	vld [tilespmem:s20+$0x10];
	(erf) = vrcp.f32 v9  }
0x94: {  	v13 =	vadd.f32 v44, v13;
	v44 =	vld [tilespmem:s20+$0x20];
	(erf) = vrcp.f32 v10  }
0x95: {  	v11 =	vsub.f32 $0.0e+00, v11;
	v10 =	vld.idx.msk [tilespmem:v12+s12+$0x0], $0xffff;
	v12 =	vadd.f32 v50, v15  }
0x96: {  	v15 =	vsub.f32 $0.0e+00, v16;
	v9 =	vld.idx.msk [tilespmem:v42+s12+$0x0], $0xffff;
	v16 =	vadd.f32 v52, v46  }
0x97: {  	v11 =	vmul.f32 $1.442695020e+00, v11;
	v13 =	vsub.f32 $0.0e+00, v13;
	v42 =	vadd.f32 v53, v14;
	v37 =	vld.idx.msk [tilespmem:v37+s12+$0x0], $0xffff  }
0x98: {  	v46 =	vmul.f32 $1.442695020e+00, v15;
	v15 =	vsub.f32 $0.0e+00, v12;
	v47 =	vadd.f32 v47, v51;
	v43 =	vld.idx.msk [tilespmem:v43+s12+$0x0], $0xffff  }
0x99: {  	v16 =	vsub.f32 $0.0e+00, v16;
	v14 =	vld.idx.msk [tilespmem:v35+s12+$0x0], $0xffff;
	v35 =	vmul.f32 $1.442695020e+00, v13;
	v44 =	vadd.f32 v44, v45  }
0x9a: {  	v42 =	vsub.f32 $0.0e+00, v42;
	v12 =	vld.idx.msk [tilespmem:v38+s12+$0x0], $0xffff;
	v38 =	vmul.f32 $1.442695020e+00, v15;
	v45 =	vsub.f32 $0.0e+00, v47  }
0x9b: {  	v13 =	vld.idx.msk [tilespmem:v36+s12+$0x0], $0xffff;
	v36 =	vmul.f32 $1.442695020e+00, v16;
	v47 =	vsub.f32 $0.0e+00, v44;
	(erf) = vpow2.f32 v11  }
0x9c: {  	v15 =	vld.idx.msk [tilespmem:v39+s12+$0x0], $0xffff;
	v39 =	vmul.f32 $1.442695020e+00, v42;
	v42 =	vmul.f32 $1.442695020e+00, v45;
	v11 =	vpop (erf)  }
0x9d: {  	v16 =	vld.idx.msk [tilespmem:v40+s12+$0x0], $0xffff;
	v40 =	vmul.f32 $1.442695020e+00, v47;
	v37 =	vmul.f32 v11, v37;
	v44 =	vpop (erf)  }
0x9e: {  	v11 =	vld.idx.msk [tilespmem:v41+s12+$0x0], $0xffff;
	v41 =	vmul.f32 v44, v43;
	(erf) = vpow2.f32 v46  }
0x9f: {  	[tilespmem:v21+s16+$0x0] =	vst.idx.add.f32.msk $0xffff, v37;
	(erf) = vpow2.f32 v35  }
0xa0: {  	[tilespmem:v25+s16+$0x0] =	vst.idx.add.f32.msk $0xffff, v41;
	(erf) = vpow2.f32 v38  }
0xa1: {  	(erf) = vpow2.f32 v36;
	[tilespmem:v5+s16+$0x0] =	vst.idx.add.f32.msk $0xffff, v26;
	v5 =	vmov v34  }
0xa2: {  	(erf) = vpow2.f32 v39;
	[tilespmem:v1+s16+$0x0] =	vst.idx.add.f32.msk $0xffff, v27;
	v1 =	vmov v17  }
0xa3: {  	(erf) = vpow2.f32 v42;
	[tilespmem:v2+s16+$0x0] =	vst.idx.add.f32.msk $0xffff, v28;
	v2 =	vmov v18  }
.Ltmp1:
0xa4: {  	v17 =	vpop (erf);
	(erf) = vpow2.f32 v40;
	[tilespmem:v3+s16+$0x0] =	vst.idx.add.f32.msk $0xffff, v29;
	v3 =	vmov v19;
	(pc) =	sbr.rel @p0 .LBB2_4-.Ltmp1, $4  }
0xa5: {  	v19 =	vadd.f32 $1.000000000e+00, v17;
	[tilespmem:v4+s16+$0x0] =	vst.idx.add.f32.msk $0xffff, v30;
	v4 =	vmov v20  }
0xa6: {  	[tilespmem:v6+s16+$0x0] =	vst.idx.add.f32.msk $0xffff, v31;
	v6 =	vmov v22  }
0xa7: {  	(erf) = vrcp.f32 v19;
	v17 =	vpop (erf);
	[tilespmem:v7+s16+$0x0] =	vst.idx.add.f32.msk $0xffff, v32;
	v7 =	vmov v23  }
0xa8: {  	s22 =	sadd.s32 $0xA0, s22;
	v17 =	vadd.f32 $1.000000000e+00, v17;
	v18 =	vpop (erf);
	[tilespmem:v8+s16+$0x0] =	vst.idx.add.f32.msk $0xffff, v33;
	v8 =	vmov v24  }
0xa9: {  	v18 =	vadd.f32 $1.000000000e+00, v18;
	v19 =	vpop (erf)  }
0xaa: {  	v19 =	vadd.f32 $1.000000000e+00, v19;
	(erf) = vrcp.f32 v17;
	v51 =	vpop (erf)  }
0xab: {  	v17 =	vadd.f32 $1.000000000e+00, v51;
	(erf) = vrcp.f32 v18;
	v52 =	vpop (erf)  }
0xac: {  	v18 =	vadd.f32 $1.000000000e+00, v52;
	(erf) = vrcp.f32 v19;
	v53 =	vpop (erf)  }
0xad: {  	v19 =	vadd.f32 $1.000000000e+00, v53;
	(erf) = vrcp.f32 v17;
	v54 =	vpop (erf)  }
0xae: {  	v17 =	vadd.f32 $1.000000000e+00, v54;
	(erf) = vrcp.f32 v18  }
0xaf: {  	(erf) = vrcp.f32 v19  }
0xb0: {  	(erf) = vrcp.f32 v17;
	_ =	sdelay $0x1  }
0xb1: {  	v55 =	vpop (erf)  }
0xb2: {  	v10 =	vmul.f32 v55, v10;
	v56 =	vpop (erf)  }
0xb3: {  	v9 =	vmul.f32 v56, v9;
	v57 =	vpop (erf)  }
0xb4: {  	[tilespmem:v5+s16+$0x0] =	vst.idx.add.f32.msk $0xffff, v10;
	v14 =	vmul.f32 v57, v14;
	v58 =	vpop (erf)  }
0xb5: {  	v59 =	vmul.f32 v58, v12;
	v60 =	vpop (erf);
	[tilespmem:v1+s16+$0x0] =	vst.idx.add.f32.msk $0xffff, v9  }
0xb6: {  	v1 =	vmul.f32 v60, v13;
	v61 =	vpop (erf);
	[tilespmem:v2+s16+$0x0] =	vst.idx.add.f32.msk $0xffff, v14  }
0xb7: {  	v2 =	vmul.f32 v61, v15;
	v62 =	vpop (erf);
	[tilespmem:v3+s16+$0x0] =	vst.idx.add.f32.msk $0xffff, v59  }
0xb8: {  	v3 =	vmul.f32 v62, v16;
	v63 =	vpop (erf);
	[tilespmem:v4+s16+$0x0] =	vst.idx.add.f32.msk $0xffff, v1  }
0xb9: {  	v1 =	vmul.f32 v63, v11;
	[tilespmem:v6+s16+$0x0] =	vst.idx.add.f32.msk $0xffff, v2  }
0xba: {  	[tilespmem:v7+s16+$0x0] =	vst.idx.add.f32.msk $0xffff, v3  }
0xbb: {  	[tilespmem:v8+s16+$0x0] =	vst.idx.add.f32.msk $0xffff, v1  }
.LBB2_6:
0xbc: {  	s20 =	sshra.s32 s19, $0x2  }
0xbd: {  	v1 =	vld [tilespmem:s20+$0x26C0];
	_ =	sdelay $0x4  }
0xbe: {  	v2 =	vand.u32 $0xFFFF, v1  }
0xbf: {  	v1 =	vshrl.u32 v1, $0x10;
	_ =	sdelay $0x3  }
0xc0: {  	v3 =	vld.idx.msk [tilespmem:v2+s10+$0x0], $0xffff  }
0xc1: {  	v4 =	vld.idx.msk [tilespmem:v1+s11+$0x0], $0xffff;
	_ =	sdelay $0x1  }
0xc2: {  	v5 =	vld [tilespmem:s20+$0xC640];
	_ =	sdelay $0x2  }
0xc3: {  	v3 =	vadd.f32 v4, v3;
	_ =	sdelay $0x1  }
0xc4: {  	v3 =	vadd.f32 v5, v3;
	_ =	sdelay $0x1  }
0xc5: {  	v3 =	vsub.f32 $0.0e+00, v3;
	_ =	sdelay $0x1  }
0xc6: {  	v3 =	vmul.f32 $1.442695020e+00, v3;
	_ =	sdelay $0x1  }
0xc7: {  	(erf) = vpow2.f32 v3;
	_ =	sdelay $0x8  }
0xc8: {  	v3 =	vpop (erf)  }
0xc9: {  	v3 =	vadd.f32 $1.000000000e+00, v3;
	_ =	sdelay $0x1  }
0xca: {  	(erf) = vrcp.f32 v3;
	_ =	sdelay $0x4  }
0xcb: {  	v1 =	vld.idx.msk [tilespmem:v1+s12+$0x0], $0xffff;
	_ =	sdelay $0x1  }
0xcc: {  	p0 =	sne.s32 s19, $0x100  }
.Ltmp2:
0xcd: {  	_ = 	snop;
	(pc) =	sbr.rel @p0 .LBB2_6-.Ltmp2, $3  }
0xce: {  	v3 =	vpop (erf)  }
0xcf: {  	v1 =	vmul.f32 v3, v1;
	_ =	sdelay $0x1  }
0xd0: {  	s19 =	sadd.s32 $0x40, s19;
	[tilespmem:v2+s16+$0x0] =	vst.idx.add.f32.msk $0xffff, v1  }
0xd1: {  	s18 =	sadd.s32 $0x1, s18  }
0xd2: {  	p0 =	sne.s32 s18, s9  }
.Ltmp3:
0xd3: {  	_ = 	snop;
	(pc) =	sbr.rel @p0 .LBB2_1-.Ltmp3, $4  }
0xd4: {  	[hbm4b:s8+s2] =	stream.linear.scatter [tilespmem:s16], [sflag:$0x3], $0x2800, $0x38;
	[tilespmem:$0xEF00] =	vst v63  }
0xd5: {  	_ =	swait.ge [sflag:s17], $0x2800  }
0xd6: {  	[sflag:s17] =	ssyncset.done $0x0  }
0xd7: {  	[sflag:s17] =	ssyncadd.s32 $0xFFFFD800  }
0xd8: {  	_ =	sfence.sel $0x180000  }
0xd9: {  	[bflag:$0x0] =	sbarrier.arrive $0xFFFF  }
0xda: {  	p0 =	sne.s32 s0, $0x0;
	_ =	strace $0x9000004A  }
0xdb: {  	s0 =	sadd.s32 @!p0 $0x100000, s1;
	[bflag:$0x2] =	sbarrier.arrive $0xFFFF  }
0xdc: {  	[sflag:s0] =	ssyncadd.tile.s32 @!p0 $0x1;
	_ =	shalt  }
.Lfunc_end2:
_tile_overlayer_lowered:
.L_overlay_start_2:
0xdd: {  	(tag) =	ssettag $0x2  }
0xde: {  	s0 =	rddreg [dreg:$0x0];
	s2 =	stileid.u32  }
0xdf: {  	s1 =	rddreg [dreg:$0x1];
	p0 =	sne.s32 s2, $0x0  }
0xe0: {  	s3 =	rddreg [dreg:$0x2];
	[bflag:$0x3] =	sbarrier.arrive $0xFFFF;
	s2 =	simm.s32 @!p0 $0x1C03  }
0xe1: {  	[timem:s3], [sflag:s2] =	dma.local @!p0 [hbm:s0], s1  }
0xe2: {  	s0 =	simm.s32 @!p0 $0x3  }
0xe3: {  	_ =	swait.ge @!p0 [sflag:s0], s1  }
0xe4: {  	s1 =	ssub.s32 @!p0 $0x0, s1;
	[sflag:s0] =	ssyncset.done @!p0 $0x0  }
0xe5: {  	[sflag:s0] =	ssyncadd.s32 @!p0 s1  }
0xe6: {  	[bflag:$0x3] =	sbarrier.arrive $0xFFFF  }
0xe7: {  	_ =	shalt  }

// kernel: kernel.8.cloned.1.call-start
scs
__scs_entry_jumppad:
0x0: {  	(pc) =	sbr.rel $0x88, $3  }
0x1: {  	(tag) =	ssettag $0x0;
	lr =	simm.s32 $0x1  }
0x2: {  	[smem:$0x3F86] =	sst lr;
	_ =	strace $0xD0000000  }
0x3: {  	_ = 	snop  }
0x4: {  	_ = 	snop  }
0x5: {  	_ = 	snop  }
0x6: {  	_ = 	snop  }
0x7: {  	_ = 	snop  }
__scs_overlays_trampoline_lowered:
0x8: {  	[smem:$0x3F95] =	sst s0  }
0x9: {  	[smem:$0x3F96] =	sst s1  }
0xa: {  	[smem:$0x3F97] =	sst s2  }
0xb: {  	[smem:$0x3F98] =	sst s3  }
0xc: {  	[smem:$0x3F99] =	sst s4  }
0xd: {  	[smem:$0x3F9A] =	sst s5  }
0xe: {  	[smem:$0x3F9B] =	sst s6  }
0xf: {  	[smem:$0x3F9C] =	sst s7  }
0x10: {  	[smem:$0x3F9D] =	sst s8  }
0x11: {  	[smem:$0x3F9E] =	sst s9;
	s0 =	simm.s32 @!p0 $0x0  }
0x12: {  	s1 =	sld [smem:$0x3F84];
	s0 =	simm.s32 @p0 $0x1  }
0x13: {  	[smem:$0x3F9F] =	sst s0;
	s0 =	simm.s32 @!p1 $0x0  }
0x14: {  	s2 =	sld [smem:$0x3F83];
	s0 =	simm.s32 @p1 $0x1  }
0x15: {  	[smem:$0x3FA0] =	sst s0;
	s0 =	simm.s32 @!p2 $0x0  }
0x16: {  	s3 =	sld [smem:$0x3FDB];
	s0 =	simm.s32 @p2 $0x1  }
0x17: {  	s4 =	simm.s32 $0x1BF5;
	[smem:$0x3FA2] =	sst s0  }
0x18: {  	s0 =	sld [smem:$0x3F85];
	_ =	swait.ge [sflag:s4], $0x0  }
0x19: {  	s7 =	sld [smem:$0x3F86]  }
0x1a: {  	s8 =	sadd.s32 $0xFFFFE003, lr  }
0x1b: {  	s9 =	sadd.s32 $0xFFFFFEF7, lr;
	s5 =	simm.s32 $0xFFFFFFFF;
	p2 =	slt.u32 s8, $0xFFFFF086  }
0x1c: {  	p1 =	slt.u32 s9, $0xF7A;
	s5 =	simm.s32 @!p2 $0x0  }
0x1d: {  	s5 =	simm.s32 @p1 $0x1;
	p0 =	seq.s32 s7, s2  }
0x1e: {  	s7 =	smul.u32 @!p0 $0xF7A, s2;
	p2 =	seq.s32 @!p0 s5, $0x0  }
0x1f: {  	s9 =	smul.u32 $0xF7A, s1;
	s8 =	simm.s32 @!p0 $0x1BF5;
	p2 =	por !p2, p0  }
0x20: {  	[sflag:s8] =	ssyncset.s32 @!p0 $0xFFFFF086;
	s6 =	sadd.s32 @!p0 s3, s7;
	s7 =	simm.s32 @!p0 $0x108  }
0x21: {  	s3 =	sadd.s32 s3, s9;
	s6 =	sadd.s32 @!p0 $0x88, s6;
	s7 =	simm.s32 @p2 $0x1082  }
0x22: {  	[simem:s7], [sflag:s8] =	dma.local @!p0 [hbm:s6], $0xF7A  }
0x23: {  	s9 =	sor.u32 $0xD0000000, s2;
	s6 =	simm.s32 $0x108;
	_ =	swait.ge @!p0 [sflag:s8], $0x0  }
0x24: {  	s3 =	sadd.s32 $0x88, s3;
	s6 =	simm.s32 @!p1 $0x1082;
	[sflag:s4] =	ssyncset.s32 $0xFFFFF086  }
0x25: {  	[simem:s6], [sflag:s4] =	dma.local [hbm:s3], $0xF7A  }
0x26: {  	[smem:$0x3F86] =	sst s1;
	(tag) =	ssettag s2;
	_ =	strace s9  }
0x27: {  	s1 =	sld [smem:$0x3F96]  }
0x28: {  	s2 =	sld [smem:$0x3F97]  }
0x29: {  	s4 =	sld [smem:$0x3F99]  }
0x2a: {  	p0 =	seq.s32 s5, $0x0;
	s5 =	sld [smem:$0x3F9A]  }
0x2b: {  	s6 =	sld [smem:$0x3F9B]  }
0x2c: {  	s7 =	sld [smem:$0x3F9C]  }
0x2d: {  	s3 =	simm.s32 $0x108;
	s8 =	sld [smem:$0x3F9D]  }
0x2e: {  	s3 =	simm.s32 @!p0 $0x1082;
	s9 =	sld [smem:$0x3F9E]  }
0x2f: {  	lr =	sadd.s32 s0, s3;
	s0 =	sld [smem:$0x3F95]  }
0x30: {  	s3 =	sld [smem:$0x3F98]  }
0x31: {  	[smem:$0x3FA1] =	sst s10  }
0x32: {  	s10 =	sld [smem:$0x3F9F];
	_ =	sdelay $0x3  }
0x33: {  	p0 =	seq.s32 s10, $0x1;
	s10 =	sld [smem:$0x3FA1];
	_ =	sdelay $0x3  }
0x34: {  	[smem:$0x3FA1] =	sst s10  }
0x35: {  	s10 =	sld [smem:$0x3FA0];
	_ =	sdelay $0x3  }
0x36: {  	p1 =	seq.s32 s10, $0x1;
	s10 =	sld [smem:$0x3FA1];
	_ =	sdelay $0x3  }
0x37: {  	[smem:$0x3FA1] =	sst s10  }
0x38: {  	s10 =	sld [smem:$0x3FA2]  }
0x39: {  	_ = 	snop;
	(pc) =	sbr.ind lr, $3  }
0x3a: {  	_ = 	snop  }
0x3b: {  	_ = 	snop  }
0x3c: {  	p2 =	seq.s32 s10, $0x1;
	s10 =	sld [smem:$0x3FA1]  }
0x3d: {  	_ =	shalt  }
0x3e: {  	_ =	shalt  }
0x3f: {  	_ =	shalt  }
0x40: {  	_ =	shalt  }
0x41: {  	_ =	shalt  }
0x42: {  	_ =	shalt  }
0x43: {  	_ =	shalt  }
0x44: {  	_ =	shalt  }
0x45: {  	_ =	shalt  }
0x46: {  	_ =	shalt  }
0x47: {  	_ =	shalt  }
0x48: {  	_ =	shalt  }
0x49: {  	_ =	shalt  }
0x4a: {  	_ =	shalt  }
0x4b: {  	_ =	shalt  }
0x4c: {  	_ =	shalt  }
0x4d: {  	_ =	shalt  }
0x4e: {  	_ =	shalt  }
0x4f: {  	_ =	shalt  }
0x50: {  	_ =	shalt  }
0x51: {  	_ =	shalt  }
0x52: {  	_ =	shalt  }
0x53: {  	_ =	shalt  }
0x54: {  	_ =	shalt  }
0x55: {  	_ =	shalt  }
0x56: {  	_ =	shalt  }
0x57: {  	_ =	shalt  }
0x58: {  	_ =	shalt  }
0x59: {  	_ =	shalt  }
0x5a: {  	_ =	shalt  }
0x5b: {  	_ =	shalt  }
0x5c: {  	_ =	shalt  }
0x5d: {  	_ =	shalt  }
0x5e: {  	_ =	shalt  }
0x5f: {  	_ =	shalt  }
0x60: {  	_ =	shalt  }
0x61: {  	_ =	shalt  }
0x62: {  	_ =	shalt  }
0x63: {  	_ =	shalt  }
0x64: {  	_ =	shalt  }
0x65: {  	_ =	shalt  }
0x66: {  	_ =	shalt  }
0x67: {  	_ =	shalt  }
0x68: {  	_ =	shalt  }
0x69: {  	_ =	shalt  }
0x6a: {  	_ =	shalt  }
0x6b: {  	_ =	shalt  }
0x6c: {  	_ =	shalt  }
0x6d: {  	_ =	shalt  }
0x6e: {  	_ =	shalt  }
0x6f: {  	_ =	shalt  }
0x70: {  	_ =	shalt  }
0x71: {  	_ =	shalt  }
0x72: {  	_ =	shalt  }
0x73: {  	_ =	shalt  }
0x74: {  	_ =	shalt  }
0x75: {  	_ =	shalt  }
0x76: {  	_ =	shalt  }
0x77: {  	_ =	shalt  }
0x78: {  	_ =	shalt  }
0x79: {  	_ =	shalt  }
0x7a: {  	_ =	shalt  }
0x7b: {  	_ =	shalt  }
0x7c: {  	_ =	shalt  }
0x7d: {  	_ =	shalt  }
0x7e: {  	_ =	shalt  }
0x7f: {  	_ =	shalt  }
0x80: {  	_ =	shalt  }
0x81: {  	_ =	shalt  }
0x82: {  	_ =	shalt  }
0x83: {  	_ =	shalt  }
0x84: {  	_ =	shalt  }
0x85: {  	_ =	shalt  }
0x86: {  	_ =	shalt  }
0x87: {  	_ =	shalt  }
.Lfunc_end0:
.L_simem_size_0:
called_computation_lowered:
.L_overlay_start_0:
0x88: {  	s2 =	sld [smem:$0x3FD9]  }
0x89: {  	s3 =	sld [smem:$0x3FFE];
	_ =	sdelay $0x1  }
0x8a: {  	s1 =	srdreg.scid  }
0x8b: {  	s0 =	sand.u32 $0x1, s1  }
0x8c: {  	s16 =	sshll.u32 s0, $0xA;
	s2 =	sadd.s32 s3, s2  }
0x8d: {  	s2 =	sadd.s32 s2, s16  }
0x8e: {  	[smem:$0x3FAD] =	sst s2  }
0x8f: {  	_ = 	snop  }
0x90: {  	(tm) =	ssettm $0x1  }
0x91: {  	s17 =	sld [smem:$0x3FFB];
	_ =	sdelay $0x3  }
0x92: {  	_ =	strace s17  }
0x93: {  	s2 =	sld [smem:$0x3FFC];
	_ =	sdelay $0x3  }
0x94: {  	_ =	strace s2  }
0x95: {  	s2 =	sld [smem:$0x3FFD];
	_ =	sdelay $0x3  }
0x96: {  	_ =	strace s2  }
0x97: {  	_ =	strace $0x8FFFFFFF  }
0x98: {  	s18 =	sld [smem:$0x3FDB];
	_ =	sdelay $0x1  }
0x99: {  	s19 =	simm.s32 $_scs_section_size  }
0x9a: {  	s4 =	simm.s32 $_size__tile_overlayer_lowered;
	s5 =	simm.s32 $_tile_overlayer_lowered  }
0x9b: {  	s22 =	simm.s32 $0x1BFF;
	s21 =	sshll.u32 s5, $0x1;
	s2 =	sadd.s32 s19, s18  }
0x9c: {  	s6 =	simm.s32 $0x0;
	s20 =	sshll.u32 s4, $0x1;
	s4 =	sadd.s32 s21, s2  }
0x9d: {  	[timem:s6], [sflag:s22] =	dma.local [hbm:s4], s20  }
0x9e: {  	_ =	swait.ge [sflag:s22], s20  }
0x9f: {  	s3 =	ssub.s32 $0x0, s20;
	[sflag:s22] =	ssyncset.done $0x0  }
0xa0: {  	[sflag:s22] =	ssyncadd.s32 s3;
	_ =	sdelay $0x1  }
0xa1: {  	s23 =	simm.s32 $0x1B8B  }
0xa2: {  	_ =	swait.ge [sflag:s23], $0x1  }
0xa3: {  	[sflag:s23] =	ssyncset.done $0x0  }
0xa4: {  	s25 =	simm.s32 $0x1B8E;
	s24 =	sld [smem:$0x3FFE];
	[sflag:s23] =	ssyncadd.s32 $0xFFFFFFFF  }
0xa5: {  	s26 =	simm.s32 $execute0_lowered;
	[smem:$0x3FD2] =	sst s25  }
0xa6: {  	s4 =	sshll.u32 s26, $0x1;
	_ =	strace $0x80000046;
	[dreg:$0x1] =	wrdreg $0xFFFFFFFF  }
0xa7: {  	s28 =	simm.s32 $_size_execute0_lowered;
	s2 =	sadd.s32 s2, s4;
	[dreg:$0x0] =	wrdreg $0x0  }
0xa8: {  	s4 =	sshll.u32 s28, $0x1;
	[dreg:$0x2] =	wrdreg s2  }
0xa9: {  	[dreg:$0x3] =	wrdreg s4  }
0xaa: {  	[dreg:$0x4] =	wrdreg $0xC0  }
0xab: {  	_ =	task [dreg:s6], $0x5FFFF  }
0xac: {  	[dreg:$0x1] =	wrdreg $0xFFFFFFFF  }
0xad: {  	[dreg:$0x0] =	wrdreg $0x60  }
0xae: {  	[dreg:$0x2] =	wrdreg s24  }
0xaf: {  	[dreg:$0x3] =	wrdreg $0x9  }
0xb0: {  	_ =	task.clear_ibuf [dreg:s6], $0x4FFFF;
	_ =	strace $0x90000046  }
0xb1: {  	s29 =	simm.s32 $0x9;
	_ =	strace $0x80000048  }
0xb2: {  	_ =	swait.ge [sflag:s29], $0x1  }
0xb3: {  	[sflag:s29] =	ssyncadd.s32 $0xFFFFFFFF  }
0xb4: {  	_ =	strace $0x90000048  }
0xb5: {  	_ =	sfence  }
0xb6: {  	s30 =	sld [smem:$0x0];
	_ =	sdelay $0x2  }
0xb7: {  	s31 =	sshll.u32 s1, $0xD;
	s1 =	sshrl.u32 s1, $0x2  }
0xb8: {  	s3 =	sand.u32 $0x4000, s31;
	s1 =	sadd.s32 s1, s30  }
0xb9: {  	s0 =	sor.u32 s3, s0;
	s1 =	sshll.u32 s1, $0x11  }
0xba: {  	s0 =	sor.u32 s1, s0  }
0xbb: {  	s0 =	sadd.s32 $0x8F2B, s0  }
0xbc: {  	[sflag:s0] =	ssyncadd.remote.s32 $0x1  }
0xbd: {  	_ =	sfence.sel $0xFFFF  }
0xbe: {  	[dreg:$0x0] =	wrdreg $0xFFFFFFFF;
	(pc) =	sbr.abs _section_cstart, $3  }
0xbf: {  	[dreg:$0x1] =	wrdreg $0xFFFFFFFF  }
0xc0: {  	_ =	task.clear_ibuf [dreg:s6], $0x2FFFF;
	_ =	strace $0x9FFFFFFF  }
0xc1: {  	(tm) =	ssettm $0x7FFFFFFF  }
tec
execute0_lowered:
.L_overlay_start_1:
0x0: {  	(tag) =	ssettag $0x1  }
0x1: {  	s0 =	srdreg.scid  }
0x2: {  	s2 =	stileid.u32;
	s1 =	rddreg [dreg:$0x0];
	s31 =	simm.s32 $0x2780  }
0x3: {  	s8 =	simm.s32 $0x11700;
	s3 =	sshll.u32 s2, $0x1;
	s2 =	simm.s32 $0x0  }
0x4: {  	s9 =	simm.s32 $0x16680;
	s5 =	sadd.s32 $0x3400, s1;
	[smem:$0x7FF] =	sst s2  }
0x5: {  	s14 =	sadd.s32 $0x4D00, s1;
	_ =	strace $0x80000047;
	[dreg:$0x2] =	wrdreg s5  }
0x6: {  	s10 =	simm.s32 $0x4;
	s15 =	sadd.s32 $0x6600, s1;
	[dreg:$0x4] =	wrdreg s14  }
0x7: {  	s11 =	simm.s32 $0x3;
	s7 =	sadd.s32 $0x3900, s1;
	[dreg:$0x5] =	wrdreg s15  }
0x8: {  	s0 =	sand.u32 $0x1, s0;
	s18 =	sadd.s32 $0x5200, s1;
	[dreg:$0x7] =	wrdreg s7  }
0x9: {  	s12 =	sadd.s32 $0x4FE00, s1;
	s19 =	sadd.s32 $0x6B00, s1;
	[dreg:$0x8] =	wrdreg s18  }
0xa: {  	s21 =	sadd.s32 $0x3E00, s1;
	s22 =	sadd.s32 $0x5700, s1;
	[dreg:$0x9] =	wrdreg s19  }
0xb: {  	s23 =	sadd.s32 $0x7000, s1;
	s25 =	sadd.s32 $0x4300, s1;
	[dreg:$0xc] =	wrdreg s21  }
0xc: {  	s26 =	sadd.s32 $0x5C00, s1;
	s3 =	sor.u32 s0, s3;
	[dreg:$0xd] =	wrdreg s22  }
0xd: {  	s0 =	ssub.s32 $0x2, s0;
	s4 =	smul.u32 $0x4E2, s3;
	[dreg:$0xe] =	wrdreg s23  }
0xe: {  	s6 =	sshrl.u32 s0, $0x1;
	s17 =	smul.u32 $0x500, s3;
	[dreg:$0x10] =	wrdreg s25  }
0xf: {  	s3 =	smul.u32 $0x2800, s3;
	[dreg:$0x11] =	wrdreg s26;
	s19 =	sadd.s32 $0x7500, s1  }
0x10: {  	s21 =	sadd.s32 $0x6100, s1;
	s22 =	sadd.s32 $0x7A00, s1;
	s5 =	simm.s32 $0x2  }
0x11: {  	s7 =	simm.s32 $0xEF00;
	s18 =	simm.s32 $0x13F00;
	s0 =	ssub.s32 s0, s6  }
0x12: {  	s4 =	sadd.s32 s4, s1;
	s6 =	sadd.s32 s12, s17;
	s3 =	sshrl.u32 s3, $0x3  }
0x13: {  	s30 =	smax.u32 s0, $0x1;
	s13 =	sadd.s32 $0xAC00, s4;
	[dreg:$0xb] =	wrdreg s6  }
0x14: {  	s0 =	simm.s32 $0x7780;
	s16 =	sadd.s32 $0x14A00, s4;
	[dreg:$0x3] =	wrdreg s13  }
0x15: {  	s20 =	sadd.s32 $0x1E800, s4;
	s24 =	sadd.s32 $0x28600, s4;
	[dreg:$0x6] =	wrdreg s16  }
0x16: {  	s3 =	sadd.s32 s12, s3;
	s23 =	sadd.s32 $0x32400, s4;
	[dreg:$0xa] =	wrdreg s20  }
0x17: {  	s6 =	simm.s32 $0xC700;
	s12 =	simm.s32 $0x0;
	[dreg:$0xf] =	wrdreg s24  }
0x18: {  	s20 =	sadd.s32 $0x4800, s1;
	s24 =	sadd.s32 $0x3C200, s4;
	s25 =	sadd.s32 $0xA000, s3  }
0x19: {  	s26 =	sadd.s32 $0x14000, s3;
	s28 =	sadd.s32 $0x1E000, s3;
	s29 =	sadd.s32 $0x28000, s3  }
0x1a: {  	v0 =	vimm.f32 $0.0e+00;
	s1 =	simm.s32 $0x4F80;
	s3 =	simm.s32 $0x9F80;
	s4 =	simm.s32 $0x1  }
.LBB2_1:
0x1b: {  	s13 =	rddreg [dreg:$0x3]  }
0x1c: {  	[tilespmem:s2], [sflag:$0x1] =	stream.linear.gather [hbm4b:s13+s2], $0x2710, $0x38;
	[tilespmem:$0x18E80] =	vst v63  }
0x1d: {  	s14 =	rddreg [dreg:$0x2]  }
0x1e: {  	[tilespmem:s31], [sflag:$0x2] =	stream.linear.gather [hbm4b:s14+s2], $0x2800, $0x38;
	[tilespmem:$0x18E80] =	vst v63  }
0x1f: {  	s15 =	rddreg [dreg:$0x4]  }
0x20: {  	[tilespmem:s1], [sflag:$0x2] =	stream.linear.gather [hbm4b:s15+s2], $0x2800, $0x38;
	[tilespmem:$0x18E80] =	vst v63  }
0x21: {  	s16 =	rddreg [dreg:$0x5]  }
0x22: {  	[tilespmem:s0], [sflag:$0x2] =	stream.linear.gather [hbm4b:s16+s2], $0x2800, $0x38;
	[tilespmem:$0x18E80] =	vst v63  }
0x23: {  	s17 =	rddreg [dreg:$0x6]  }
0x24: {  	[tilespmem:s3], [sflag:$0x2] =	stream.linear.gather [hbm4b:s17+s2], $0x2710, $0x38;
	[tilespmem:$0x18E80] =	vst v63  }
0x25: {  	_ =	swait.ge [sflag:s4], $0x2710  }
0x26: {  	[sflag:s4] =	ssyncset.done $0x0  }
0x27: {  	[sflag:s4] =	ssyncadd.s32 $0xFFFFD8F0  }
0x28: {  	_ =	swait.ge [sflag:s5], $0x2800  }
0x29: {  	[sflag:s5] =	ssyncset.done $0x0  }
0x2a: {  	[sflag:s5] =	ssyncadd.s32 $0xFFFFD800  }
0x2b: {  	_ =	swait.ge [sflag:s5], $0x2800  }
0x2c: {  	[sflag:s5] =	ssyncset.done $0x0  }
0x2d: {  	[sflag:s5] =	ssyncadd.s32 $0xFFFFD800  }
0x2e: {  	_ =	swait.ge [sflag:s5], $0x2800  }
0x2f: {  	[sflag:s5] =	ssyncset.done $0x0  }
0x30: {  	[sflag:s5] =	ssyncadd.s32 $0xFFFFD800  }
0x31: {  	_ =	swait.ge [sflag:s5], $0x2710  }
0x32: {  	[sflag:s5] =	ssyncset.done $0x0  }
0x33: {  	s14 =	rddreg [dreg:$0x7];
	[sflag:s5] =	ssyncadd.s32 $0xFFFFD8F0  }
0x34: {  	[tilespmem:s6], [sflag:$0x3] =	stream.linear.gather [hbm4b:s14+s2], $0x2800, $0x38;
	[tilespmem:$0x18E80] =	vst v63  }
0x35: {  	s15 =	rddreg [dreg:$0x8]  }
0x36: {  	[tilespmem:s7], [sflag:$0x3] =	stream.linear.gather [hbm4b:s15+s2], $0x2800, $0x38;
	[tilespmem:$0x18E80] =	vst v63  }
0x37: {  	s16 =	rddreg [dreg:$0x9]  }
0x38: {  	[tilespmem:s8], [sflag:$0x3] =	stream.linear.gather [hbm4b:s16+s2], $0x2800, $0x38;
	[tilespmem:$0x18E80] =	vst v63  }
0x39: {  	s13 =	simm.s32 $0x0;
	s17 =	rddreg [dreg:$0xa];
	s14 =	simm.s32 $0x200  }
0x3a: {  	[tilespmem:s18], [sflag:$0x3] =	stream.linear.gather [hbm4b:s17+s2], $0x2710, $0x38;
	[tilespmem:$0x18E80] =	vst v63  }
.LBB2_2:
0x3b: {  	p0 =	sne.s32 s14, $0x9E00;
	[tilespmem:s13+$0x166F0] =	vst v0  }
0x3c: {  	[tilespmem:s13+$0x16680] =	vst v0  }
0x3d: {  	[tilespmem:s13+$0x16690] =	vst v0  }
.Ltmp0:
0x3e: {  	[tilespmem:s13+$0x166A0] =	vst v0;
	(pc) =	sbr.rel @p0 .LBB2_2-.Ltmp0, $4  }
0x3f: {  	[tilespmem:s13+$0x166B0] =	vst v0  }
0x40: {  	[tilespmem:s13+$0x166C0] =	vst v0  }
0x41: {  	[tilespmem:s13+$0x166D0] =	vst v0  }
0x42: {  	[tilespmem:s13+$0x166E0] =	vst v0;
	s13 =	sshra.s32 s14, $0x2;
	s14 =	sadd.s32 $0x200, s14  }
0x43: {  	[tilespmem:s13+$0x166F0] =	vst v0  }
0x44: {  	[tilespmem:s13+$0x16680] =	vst v0  }
0x45: {  	[tilespmem:s13+$0x16690] =	vst v0  }
0x46: {  	[tilespmem:s13+$0x166A0] =	vst v0  }
0x47: {  	[tilespmem:s13+$0x166B0] =	vst v0  }
0x48: {  	[tilespmem:s13+$0x166C0] =	vst v0  }
0x49: {  	[tilespmem:s13+$0x166D0] =	vst v0  }
0x4a: {  	[tilespmem:s13+$0x166E0] =	vst v0;
	s14 =	simm.s32 $0x50  }
0x4b: {  	v1 =	vld [tilespmem:s14+$0x40]  }
0x4c: {  	s13 =	simm.s32 $0x0;
	v2 =	vld [tilespmem:s14+$0xFFFFFFC0]  }
0x4d: {  	s15 =	sand.u32 $0x3FE0, s13;
	v4 =	vld [tilespmem:s14+$0xFFFFFFD0]  }
0x4e: {  	v3 =	vld [tilespmem:s15+$0x80]  }
0x4f: {  	v6 =	vld [tilespmem:s14+$0xFFFFFFE0]  }
0x50: {  	v7 =	vld [tilespmem:s14+$0xFFFFFFF0]  }
0x51: {  	v8 =	vld [tilespmem:s14+$0x0];
	v17 =	vand.u32 $0xFFFF, v1  }
0x52: {  	v9 =	vld [tilespmem:s14+$0x10];
	v11 =	vshrl.u32 v1, $0x10  }
0x53: {  	v10 =	vld [tilespmem:s14+$0x20];
	v18 =	vand.u32 $0xFFFF, v3  }
0x54: {  	v24 =	vld [tilespmem:s15+$0xA000];
	v12 =	vshrl.u32 v3, $0x10  }
0x55: {  	v3 =	vld [tilespmem:s14+$0xFFFFFFB0]  }
0x56: {  	v13 =	vld.idx.msk [tilespmem:v17+s31+$0x0], $0xffff  }
0x57: {  	v14 =	vld.idx.msk [tilespmem:v11+s1+$0x0], $0xffff  }
0x58: {  	v16 =	vld.idx.msk [tilespmem:v18+s31+$0x0], $0xffff  }
0x59: {  	v1 =	vand.u32 $0xFFFF, v2;
	s14 =	simm.s32 $0x9FD0;
	v19 =	vld.idx.msk [tilespmem:v12+s1+$0x0], $0xffff  }
0x5a: {  	v15 =	vshrl.u32 v2, $0x10;
	v20 =	vld [tilespmem:s14+$0x40]  }
0x5b: {  	v23 =	vshrl.u32 v4, $0x10;
	v36 =	vld [tilespmem:s14+$0xFFFFFFC0]  }
0x5c: {  	v26 =	vshrl.u32 v6, $0x10;
	v48 =	vld [tilespmem:s14+$0xFFFFFFD0]  }
0x5d: {  	v47 =	vshrl.u32 v8, $0x10;
	v52 =	vld [tilespmem:s14+$0xFFFFFFF0];
	v13 =	vadd.f32 v14, v13  }
0x5e: {  	v31 =	vshrl.u32 v9, $0x10;
	v22 =	vld.idx.msk [tilespmem:v1+s31+$0x0], $0xffff;
	v16 =	vadd.f32 v19, v16  }
0x5f: {  	v2 =	vand.u32 $0xFFFF, v4;
	v25 =	vld.idx.msk [tilespmem:v15+s1+$0x0], $0xffff;
	v13 =	vadd.f32 v20, v13  }
0x60: {  	v28 =	vld.idx.msk [tilespmem:v23+s1+$0x0], $0xffff;
	v5 =	vand.u32 $0xFFFF, v3;
	v16 =	vadd.f32 v24, v16  }
0x61: {  	v30 =	vld.idx.msk [tilespmem:v26+s1+$0x0], $0xffff;
	v21 =	vshrl.u32 v3, $0x10;
	v13 =	vsub.f32 $0.0e+00, v13  }
0x62: {  	v32 =	vld.idx.msk [tilespmem:v47+s1+$0x0], $0xffff;
	v3 =	vand.u32 $0xFFFF, v6;
	v6 =	vand.u32 $0xFFFF, v8;
	v8 =	vsub.f32 $0.0e+00, v16  }
0x63: {  	v35 =	vld.idx.msk [tilespmem:v31+s1+$0x0], $0xffff;
	v13 =	vmul.f32 $1.442695020e+00, v13  }
0x64: {  	v4 =	vand.u32 $0xFFFF, v7;
	v14 =	vld.idx.msk [tilespmem:v2+s31+$0x0], $0xffff;
	v8 =	vmul.f32 $1.442695020e+00, v8  }
0x65: {  	v27 =	vld.idx.msk [tilespmem:v5+s31+$0x0], $0xffff;
	v19 =	vshrl.u32 v7, $0x10;
	(erf) = vpow2.f32 v13  }
0x66: {  	v20 =	vld.idx.msk [tilespmem:v21+s1+$0x0], $0xffff;
	(erf) = vpow2.f32 v8  }
0x67: {  	v29 =	vld.idx.msk [tilespmem:v3+s31+$0x0], $0xffff;
	v7 =	vand.u32 $0xFFFF, v9  }
0x68: {  	v34 =	vshrl.u32 v10, $0x10;
	v8 =	vand.u32 $0xFFFF, v10;
	v10 =	vld [tilespmem:s14+$0xFFFFFFB0]  }
0x69: {  	v22 =	vadd.f32 v25, v22;
	v16 =	vld.idx.msk [tilespmem:v4+s31+$0x0], $0xffff  }
0x6a: {  	v9 =	vld.idx.msk [tilespmem:v19+s1+$0x0], $0xffff  }
0x6b: {  	v22 =	vadd.f32 v36, v22;
	v20 =	vadd.f32 v20, v27;
	v13 =	vld.idx.msk [tilespmem:v6+s31+$0x0], $0xffff  }
0x6c: {  	v33 =	vld.idx.msk [tilespmem:v7+s31+$0x0], $0xffff  }
0x6d: {  	v22 =	vsub.f32 $0.0e+00, v22;
	v10 =	vadd.f32 v10, v20;
	v20 =	vld [tilespmem:s14+$0xFFFFFFE0]  }
0x6e: {  	v54 =	vld [tilespmem:s14+$0x0];
	v14 =	vadd.f32 v28, v14;
	v49 =	vadd.f32 v30, v29;
	v51 =	vpop (erf)  }
0x6f: {  	v55 =	vld [tilespmem:s14+$0x10];
	v9 =	vadd.f32 v9, v16;
	v29 =	vadd.f32 $1.000000000e+00, v51;
	v53 =	vpop (erf)  }
0x70: {  	v16 =	vld.idx.msk [tilespmem:v34+s1+$0x0], $0xffff;
	v13 =	vadd.f32 v32, v13;
	v32 =	vadd.f32 $1.000000000e+00, v53  }
0x71: {  	v14 =	vadd.f32 v48, v14;
	v50 =	vld.idx.msk [tilespmem:v8+s31+$0x0], $0xffff;
	v10 =	vsub.f32 $0.0e+00, v10;
	(erf) = vrcp.f32 v29  }
0x72: {  	v56 =	vadd.f32 v35, v33;
	v20 =	vadd.f32 v20, v49;
	(erf) = vrcp.f32 v32  }
0x73: {  	v57 =	vld [tilespmem:s14+$0x20];
	v58 =	vadd.f32 v52, v9;
	v13 =	vadd.f32 v54, v13;
	v10 =	vmul.f32 $1.442695020e+00, v10  }
0x74: {  	v9 =	vld.idx.msk [tilespmem:v15+s0+$0x0], $0xffff;
	v15 =	vsub.f32 $0.0e+00, v20;
	v20 =	vadd.f32 v55, v56  }
0x75: {  	v14 =	vsub.f32 $0.0e+00, v14;
	v13 =	vsub.f32 $0.0e+00, v13;
	(erf) = vpow2.f32 v10  }
0x76: {  	v22 =	vmul.f32 $1.442695020e+00, v22;
	v16 =	vadd.f32 v16, v50;
	v20 =	vsub.f32 $0.0e+00, v20  }
0x77: {  	v14 =	vmul.f32 $1.442695020e+00, v14;
	v60 =	vmul.f32 $1.442695020e+00, v13;
	v10 =	vld.idx.msk [tilespmem:v21+s0+$0x0], $0xffff;
	v21 =	vsub.f32 $0.0e+00, v58  }
0x78: {  	v16 =	vadd.f32 v57, v16;
	(erf) = vpow2.f32 v22;
	v15 =	vmul.f32 $1.442695020e+00, v15  }
0x79: {  	v11 =	vld.idx.msk [tilespmem:v11+s0+$0x0], $0xffff;
	(erf) = vpow2.f32 v14;
	v21 =	vmul.f32 $1.442695020e+00, v21  }
0x7a: {  	v13 =	vld.idx.msk [tilespmem:v19+s0+$0x0], $0xffff;
	v16 =	vsub.f32 $0.0e+00, v16;
	v19 =	vmul.f32 $1.442695020e+00, v20;
	(erf) = vpow2.f32 v15;
	v20 =	vpop (erf)  }
0x7b: {  	v59 =	vld.idx.msk [tilespmem:v12+s0+$0x0], $0xffff;
	v62 =	vpop (erf);
	(erf) = vpow2.f32 v21  }
0x7c: {  	v12 =	vld.idx.msk [tilespmem:v26+s0+$0x0], $0xffff;
	v61 =	vmul.f32 $1.442695020e+00, v16;
	(erf) = vpow2.f32 v60  }
0x7d: {  	v14 =	vld.idx.msk [tilespmem:v23+s0+$0x0], $0xffff;
	(erf) = vpow2.f32 v19  }
0x7e: {  	v15 =	vld.idx.msk [tilespmem:v47+s0+$0x0], $0xffff;
	v63 =	vpop (erf);
	(erf) = vpow2.f32 v61  }
0x7f: {  	v16 =	vld.idx.msk [tilespmem:v31+s0+$0x0], $0xffff;
	v20 =	vmul.f32 v20, v11;
	v19 =	vadd.f32 $1.000000000e+00, v63  }
0x80: {  	v11 =	vld.idx.msk [tilespmem:v34+s0+$0x0], $0xffff;
	v22 =	vmul.f32 v62, v59  }
0x81: {  	[tilespmem:v17+s9+$0x0] =	vst.idx.add.f32.msk $0xffff, v20;
	v17 =	vpop (erf);
	(erf) = vrcp.f32 v19  }
0x82: {  	s16 =	simm.s32 $0xF0;
	s17 =	simm.s32 $0x0;
	s15 =	simm.s32 $0x0;
	[tilespmem:v18+s9+$0x0] =	vst.idx.add.f32.msk $0xffff, v22;
	v17 =	vadd.f32 $1.000000000e+00, v17;
	v18 =	vpop (erf)  }
.LBB2_4:
0x83: {  	v19 =	vld [tilespmem:s16+$0x40];
	v21 =	vadd.f32 $1.000000000e+00, v18;
	s17 =	sadd.s32 $0xA0, s17;
	v20 =	vpop (erf)  }
0x84: {  	v22 =	vld [tilespmem:s16+$0xFFFFFFC0];
	s18 =	sand.u32 $0x3FE0, s17;
	v25 =	vadd.f32 $1.000000000e+00, v20;
	(erf) = vrcp.f32 v17;
	v17 =	vpop (erf)  }
0x85: {  	s15 =	sadd.s32 $0xA, s15;
	v23 =	vld [tilespmem:s18+$0x80];
	v27 =	vadd.f32 $1.000000000e+00, v17;
	(erf) = vrcp.f32 v21;
	v18 =	vpop (erf)  }
0x86: {  	p0 =	slt.u32 s15, $0x262;
	v24 =	vld [tilespmem:s16+$0xFFFFFFD0];
	v18 =	vadd.f32 $1.000000000e+00, v18;
	(erf) = vrcp.f32 v25;
	v20 =	vpop (erf)  }
0x87: {  	v26 =	vld [tilespmem:s16+$0xFFFFFFE0];
	v20 =	vadd.f32 $1.000000000e+00, v20;
	(erf) = vrcp.f32 v27;
	v17 =	vpop (erf)  }
0x88: {  	v27 =	vld [tilespmem:s16+$0xFFFFFFF0];
	v21 =	vand.u32 $0xFFFF, v19;
	v28 =	vadd.f32 $1.000000000e+00, v17;
	(erf) = vrcp.f32 v18  }
0x89: {  	v37 =	vshrl.u32 v19, $0x10;
	v42 =	vshrl.u32 v22, $0x10;
	v17 =	vand.u32 $0xFFFF, v22;
	v22 =	vld [tilespmem:s16+$0x0]  }
0x8a: {  	v29 =	vld [tilespmem:s16+$0x10];
	v25 =	vand.u32 $0xFFFF, v23;
	v30 =	vpop (erf);
	(erf) = vrcp.f32 v20  }
0x8b: {  	v43 =	vshrl.u32 v23, $0x10;
	v35 =	vshrl.u32 v24, $0x10;
	v18 =	vand.u32 $0xFFFF, v24;
	v24 =	vld [tilespmem:s16+$0x20]  }
0x8c: {  	v31 =	vld [tilespmem:s16+$0xFFFFFFB0];
	v38 =	vshrl.u32 v26, $0x10;
	v19 =	vand.u32 $0xFFFF, v26;
	(erf) = vrcp.f32 v28  }
0x8d: {  	v26 =	vmul.f32 v30, v10;
	v36 =	vshrl.u32 v27, $0x10;
	v20 =	vand.u32 $0xFFFF, v27;
	v33 =	vld.idx.msk [tilespmem:v21+s31+$0x0], $0xffff;
	v10 =	vpop (erf)  }
0x8e: {  	v39 =	vshrl.u32 v22, $0x10;
	v22 =	vand.u32 $0xFFFF, v22;
	v44 =	vld.idx.msk [tilespmem:v37+s1+$0x0], $0xffff;
	v27 =	vmul.f32 v10, v9;
	v9 =	vpop (erf)  }
0x8f: {  	v40 =	vshrl.u32 v29, $0x10;
	v23 =	vand.u32 $0xFFFF, v29;
	v10 =	vld.idx.msk [tilespmem:v25+s31+$0x0], $0xffff;
	v28 =	vmul.f32 v9, v14;
	v9 =	vpop (erf)  }
0x90: {  	v41 =	vshrl.u32 v24, $0x10;
	v24 =	vand.u32 $0xFFFF, v24;
	v14 =	vld.idx.msk [tilespmem:v43+s1+$0x0], $0xffff;
	v29 =	vmul.f32 v9, v12;
	v9 =	vpop (erf)  }
0x91: {  	s14 =	sadd.s32 $0xA0, s14;
	v12 =	vshrl.u32 v31, $0x10;
	v34 =	vand.u32 $0xFFFF, v31;
	v45 =	vld.idx.msk [tilespmem:v17+s31+$0x0], $0xffff;
	v30 =	vmul.f32 v9, v13;
	v9 =	vpop (erf)  }
0x92: {  	v13 =	vld [tilespmem:s14+$0x40];
	v31 =	vmul.f32 v9, v15  }
0x93: {  	v9 =	vld [tilespmem:s18+$0xA000];
	v15 =	vpop (erf)  }
0x94: {  	v46 =	vld.idx.msk [tilespmem:v42+s1+$0x0], $0xffff;
	v32 =	vmul.f32 v15, v16  }
0x95: {  	v16 =	vadd.f32 v44, v33;
	v15 =	vld.idx.msk [tilespmem:v18+s31+$0x0], $0xffff;
	v33 =	vpop (erf)  }
0x96: {  	v10 =	vadd.f32 v14, v10;
	v44 =	vld.idx.msk [tilespmem:v34+s31+$0x0], $0xffff;
	v33 =	vmul.f32 v33, v11  }
0x97: {  	v11 =	vld.idx.msk [tilespmem:v12+s1+$0x0], $0xffff;
	v13 =	vadd.f32 v13, v16  }
0x98: {  	v14 =	vld.idx.msk [tilespmem:v35+s1+$0x0], $0xffff;
	v9 =	vadd.f32 v9, v10  }
0x99: {  	v10 =	vld.idx.msk [tilespmem:v19+s31+$0x0], $0xffff;
	v13 =	vsub.f32 $0.0e+00, v13  }
0x9a: {  	v16 =	vadd.f32 v46, v45;
	v45 =	vld.idx.msk [tilespmem:v38+s1+$0x0], $0xffff;
	v9 =	vsub.f32 $0.0e+00, v9  }
0x9b: {  	v46 =	vld.idx.msk [tilespmem:v20+s31+$0x0], $0xffff;
	v13 =	vmul.f32 $1.442695020e+00, v13  }
0x9c: {  	v47 =	vld.idx.msk [tilespmem:v36+s1+$0x0], $0xffff;
	v9 =	vmul.f32 $1.442695020e+00, v9  }
0x9d: {  	v11 =	vadd.f32 v11, v44;
	v44 =	vld.idx.msk [tilespmem:v22+s31+$0x0], $0xffff;
	(erf) = vpow2.f32 v13  }
0x9e: {  	v13 =	vadd.f32 v14, v15;
	v14 =	vld.idx.msk [tilespmem:v39+s1+$0x0], $0xffff;
	(erf) = vpow2.f32 v9  }
0x9f: {  	v9 =	vld.idx.msk [tilespmem:v23+s31+$0x0], $0xffff  }
0xa0: {  	v15 =	vadd.f32 v45, v10;
	v10 =	vld.idx.msk [tilespmem:v40+s1+$0x0], $0xffff  }
0xa1: {  	v45 =	vld.idx.msk [tilespmem:v24+s31+$0x0], $0xffff  }
0xa2: {  	v46 =	vadd.f32 v47, v46;
	v47 =	vld.idx.msk [tilespmem:v41+s1+$0x0], $0xffff  }
0xa3: {  	v48 =	vld [tilespmem:s14+$0xFFFFFFB0]  }
0xa4: {  	v14 =	vadd.f32 v14, v44;
	v49 =	vld [tilespmem:s14+$0xFFFFFFC0]  }
0xa5: {  	v44 =	vld [tilespmem:s14+$0xFFFFFFD0]  }
0xa6: {  	v51 =	vadd.f32 v10, v9;
	v50 =	vld [tilespmem:s14+$0xFFFFFFE0];
	v9 =	vpop (erf)  }
0xa7: {  	v52 =	vld [tilespmem:s14+$0xFFFFFFF0];
	v9 =	vadd.f32 $1.000000000e+00, v9;
	v10 =	vpop (erf)  }
0xa8: {  	v45 =	vadd.f32 v47, v45;
	v53 =	vld [tilespmem:s14+$0x0];
	v10 =	vadd.f32 $1.000000000e+00, v10  }
0xa9: {  	v11 =	vadd.f32 v48, v11;
	v16 =	vadd.f32 v49, v16;
	v47 =	vld [tilespmem:s14+$0x10];
	(erf) = vrcp.f32 v9  }
0xaa: {  	v13 =	vadd.f32 v44, v13;
	v44 =	vld [tilespmem:s14+$0x20];
	(erf) = vrcp.f32 v10  }
0xab: {  	v11 =	vsub.f32 $0.0e+00, v11;
	v10 =	vld.idx.msk [tilespmem:v12+s0+$0x0], $0xffff;
	v12 =	vadd.f32 v50, v15  }
0xac: {  	v15 =	vsub.f32 $0.0e+00, v16;
	v9 =	vld.idx.msk [tilespmem:v42+s0+$0x0], $0xffff;
	v16 =	vadd.f32 v52, v46  }
0xad: {  	v11 =	vmul.f32 $1.442695020e+00, v11;
	v13 =	vsub.f32 $0.0e+00, v13;
	v42 =	vadd.f32 v53, v14;
	v37 =	vld.idx.msk [tilespmem:v37+s0+$0x0], $0xffff  }
0xae: {  	v46 =	vmul.f32 $1.442695020e+00, v15;
	v15 =	vsub.f32 $0.0e+00, v12;
	v47 =	vadd.f32 v47, v51;
	v43 =	vld.idx.msk [tilespmem:v43+s0+$0x0], $0xffff  }
0xaf: {  	v16 =	vsub.f32 $0.0e+00, v16;
	v14 =	vld.idx.msk [tilespmem:v35+s0+$0x0], $0xffff;
	v35 =	vmul.f32 $1.442695020e+00, v13;
	v44 =	vadd.f32 v44, v45  }
0xb0: {  	v42 =	vsub.f32 $0.0e+00, v42;
	v12 =	vld.idx.msk [tilespmem:v38+s0+$0x0], $0xffff;
	v38 =	vmul.f32 $1.442695020e+00, v15;
	v45 =	vsub.f32 $0.0e+00, v47  }
0xb1: {  	v13 =	vld.idx.msk [tilespmem:v36+s0+$0x0], $0xffff;
	v36 =	vmul.f32 $1.442695020e+00, v16;
	v47 =	vsub.f32 $0.0e+00, v44;
	(erf) = vpow2.f32 v11  }
0xb2: {  	v15 =	vld.idx.msk [tilespmem:v39+s0+$0x0], $0xffff;
	v39 =	vmul.f32 $1.442695020e+00, v42;
	v42 =	vmul.f32 $1.442695020e+00, v45;
	v11 =	vpop (erf)  }
0xb3: {  	v16 =	vld.idx.msk [tilespmem:v40+s0+$0x0], $0xffff;
	v40 =	vmul.f32 $1.442695020e+00, v47;
	v37 =	vmul.f32 v11, v37;
	v44 =	vpop (erf)  }
0xb4: {  	v11 =	vld.idx.msk [tilespmem:v41+s0+$0x0], $0xffff;
	v41 =	vmul.f32 v44, v43;
	(erf) = vpow2.f32 v46  }
0xb5: {  	[tilespmem:v21+s9+$0x0] =	vst.idx.add.f32.msk $0xffff, v37;
	(erf) = vpow2.f32 v35  }
0xb6: {  	[tilespmem:v25+s9+$0x0] =	vst.idx.add.f32.msk $0xffff, v41;
	(erf) = vpow2.f32 v38  }
0xb7: {  	(erf) = vpow2.f32 v36;
	[tilespmem:v5+s9+$0x0] =	vst.idx.add.f32.msk $0xffff, v26;
	v5 =	vmov v34  }
0xb8: {  	(erf) = vpow2.f32 v39;
	[tilespmem:v1+s9+$0x0] =	vst.idx.add.f32.msk $0xffff, v27;
	v1 =	vmov v17  }
0xb9: {  	(erf) = vpow2.f32 v42;
	[tilespmem:v2+s9+$0x0] =	vst.idx.add.f32.msk $0xffff, v28;
	v2 =	vmov v18  }
.Ltmp1:
0xba: {  	v17 =	vpop (erf);
	(erf) = vpow2.f32 v40;
	[tilespmem:v3+s9+$0x0] =	vst.idx.add.f32.msk $0xffff, v29;
	v3 =	vmov v19;
	(pc) =	sbr.rel @p0 .LBB2_4-.Ltmp1, $4  }
0xbb: {  	v19 =	vadd.f32 $1.000000000e+00, v17;
	[tilespmem:v4+s9+$0x0] =	vst.idx.add.f32.msk $0xffff, v30;
	v4 =	vmov v20  }
0xbc: {  	[tilespmem:v6+s9+$0x0] =	vst.idx.add.f32.msk $0xffff, v31;
	v6 =	vmov v22  }
0xbd: {  	(erf) = vrcp.f32 v19;
	v17 =	vpop (erf);
	[tilespmem:v7+s9+$0x0] =	vst.idx.add.f32.msk $0xffff, v32;
	v7 =	vmov v23  }
0xbe: {  	s16 =	sadd.s32 $0xA0, s16;
	v17 =	vadd.f32 $1.000000000e+00, v17;
	v18 =	vpop (erf);
	[tilespmem:v8+s9+$0x0] =	vst.idx.add.f32.msk $0xffff, v33;
	v8 =	vmov v24  }
0xbf: {  	v18 =	vadd.f32 $1.000000000e+00, v18;
	v19 =	vpop (erf)  }
0xc0: {  	v19 =	vadd.f32 $1.000000000e+00, v19;
	(erf) = vrcp.f32 v17;
	v51 =	vpop (erf)  }
0xc1: {  	v17 =	vadd.f32 $1.000000000e+00, v51;
	(erf) = vrcp.f32 v18;
	v52 =	vpop (erf)  }
0xc2: {  	v18 =	vadd.f32 $1.000000000e+00, v52;
	(erf) = vrcp.f32 v19;
	v53 =	vpop (erf)  }
0xc3: {  	v19 =	vadd.f32 $1.000000000e+00, v53;
	(erf) = vrcp.f32 v17;
	v54 =	vpop (erf)  }
0xc4: {  	v17 =	vadd.f32 $1.000000000e+00, v54;
	(erf) = vrcp.f32 v18  }
0xc5: {  	(erf) = vrcp.f32 v19  }
0xc6: {  	(erf) = vrcp.f32 v17;
	_ =	sdelay $0x1  }
0xc7: {  	v55 =	vpop (erf)  }
0xc8: {  	v10 =	vmul.f32 v55, v10;
	v56 =	vpop (erf)  }
0xc9: {  	v9 =	vmul.f32 v56, v9;
	v57 =	vpop (erf)  }
0xca: {  	[tilespmem:v5+s9+$0x0] =	vst.idx.add.f32.msk $0xffff, v10;
	v14 =	vmul.f32 v57, v14;
	v58 =	vpop (erf)  }
0xcb: {  	v59 =	vmul.f32 v58, v12;
	v60 =	vpop (erf);
	[tilespmem:v1+s9+$0x0] =	vst.idx.add.f32.msk $0xffff, v9  }
0xcc: {  	v1 =	vmul.f32 v60, v13;
	v61 =	vpop (erf);
	[tilespmem:v2+s9+$0x0] =	vst.idx.add.f32.msk $0xffff, v14  }
0xcd: {  	v2 =	vmul.f32 v61, v15;
	v62 =	vpop (erf);
	[tilespmem:v3+s9+$0x0] =	vst.idx.add.f32.msk $0xffff, v59  }
0xce: {  	v3 =	vmul.f32 v62, v16;
	v63 =	vpop (erf);
	[tilespmem:v4+s9+$0x0] =	vst.idx.add.f32.msk $0xffff, v1  }
0xcf: {  	v1 =	vmul.f32 v63, v11;
	[tilespmem:v6+s9+$0x0] =	vst.idx.add.f32.msk $0xffff, v2  }
0xd0: {  	[tilespmem:v7+s9+$0x0] =	vst.idx.add.f32.msk $0xffff, v3  }
0xd1: {  	[tilespmem:v8+s9+$0x0] =	vst.idx.add.f32.msk $0xffff, v1  }
.LBB2_6:
0xd2: {  	s14 =	sshra.s32 s13, $0x2  }
0xd3: {  	v1 =	vld [tilespmem:s14+$0x26C0];
	_ =	sdelay $0x4  }
0xd4: {  	v2 =	vand.u32 $0xFFFF, v1  }
0xd5: {  	v1 =	vshrl.u32 v1, $0x10;
	_ =	sdelay $0x3  }
0xd6: {  	v3 =	vld.idx.msk [tilespmem:v2+s31+$0x0], $0xffff  }
0xd7: {  	v4 =	vld.idx.msk [tilespmem:v1+s1+$0x0], $0xffff;
	_ =	sdelay $0x1  }
0xd8: {  	v5 =	vld [tilespmem:s14+$0xC640];
	_ =	sdelay $0x2  }
0xd9: {  	v3 =	vadd.f32 v4, v3;
	_ =	sdelay $0x1  }
0xda: {  	v3 =	vadd.f32 v5, v3;
	_ =	sdelay $0x1  }
0xdb: {  	v3 =	vsub.f32 $0.0e+00, v3;
	_ =	sdelay $0x1  }
0xdc: {  	v3 =	vmul.f32 $1.442695020e+00, v3;
	_ =	sdelay $0x1  }
0xdd: {  	(erf) = vpow2.f32 v3;
	_ =	sdelay $0x8  }
0xde: {  	v3 =	vpop (erf)  }
0xdf: {  	v3 =	vadd.f32 $1.000000000e+00, v3;
	_ =	sdelay $0x1  }
0xe0: {  	(erf) = vrcp.f32 v3;
	_ =	sdelay $0x4  }
0xe1: {  	v1 =	vld.idx.msk [tilespmem:v1+s0+$0x0], $0xffff;
	_ =	sdelay $0x1  }
0xe2: {  	p0 =	sne.s32 s13, $0x100  }
.Ltmp2:
0xe3: {  	_ = 	snop;
	(pc) =	sbr.rel @p0 .LBB2_6-.Ltmp2, $3  }
0xe4: {  	v3 =	vpop (erf)  }
0xe5: {  	v1 =	vmul.f32 v3, v1;
	_ =	sdelay $0x1  }
0xe6: {  	s13 =	sadd.s32 $0x40, s13;
	[tilespmem:v2+s9+$0x0] =	vst.idx.add.f32.msk $0xffff, v1  }
0xe7: {  	s13 =	simm.s32 $0x0;
	s14 =	rddreg [dreg:$0xb]  }
0xe8: {  	[hbm4b:s14+s13] =	stream.linear.scatter [tilespmem:s9], [sflag:$0x4], $0x2800, $0x38;
	[tilespmem:$0x18E80] =	vst v63  }
0xe9: {  	_ =	swait.ge [sflag:s10], $0x2800  }
0xea: {  	[sflag:s10] =	ssyncset.done $0x0  }
0xeb: {  	[sflag:s10] =	ssyncadd.s32 $0xFFFFD800  }
0xec: {  	_ =	swait.ge [sflag:s11], $0x2800  }
0xed: {  	[sflag:s11] =	ssyncset.done $0x0  }
0xee: {  	[sflag:s11] =	ssyncadd.s32 $0xFFFFD800  }
0xef: {  	_ =	swait.ge [sflag:s11], $0x2800  }
0xf0: {  	[sflag:s11] =	ssyncset.done $0x0  }
0xf1: {  	[sflag:s11] =	ssyncadd.s32 $0xFFFFD800  }
0xf2: {  	_ =	swait.ge [sflag:s11], $0x2800  }
0xf3: {  	[sflag:s11] =	ssyncset.done $0x0  }
0xf4: {  	[sflag:s11] =	ssyncadd.s32 $0xFFFFD800  }
0xf5: {  	_ =	swait.ge [sflag:s11], $0x2710  }
0xf6: {  	[sflag:s11] =	ssyncset.done $0x0  }
0xf7: {  	s15 =	rddreg [dreg:$0xc];
	[sflag:s11] =	ssyncadd.s32 $0xFFFFD8F0  }
0xf8: {  	[tilespmem:s31], [sflag:$0x2] =	stream.linear.gather [hbm4b:s15+s13], $0x2800, $0x38;
	[tilespmem:$0x18E80] =	vst v63  }
0xf9: {  	s16 =	rddreg [dreg:$0xd]  }
0xfa: {  	[tilespmem:s1], [sflag:$0x2] =	stream.linear.gather [hbm4b:s16+s13], $0x2800, $0x38;
	[tilespmem:$0x18E80] =	vst v63  }
0xfb: {  	s17 =	rddreg [dreg:$0xe]  }
0xfc: {  	[tilespmem:s0], [sflag:$0x2] =	stream.linear.gather [hbm4b:s17+s13], $0x2800, $0x38;
	[tilespmem:$0x18E80] =	vst v63  }
0xfd: {  	s14 =	simm.s32 $0x0;
	s18 =	rddreg [dreg:$0xf];
	s15 =	simm.s32 $0x200  }
0xfe: {  	[tilespmem:s3], [sflag:$0x2] =	stream.linear.gather [hbm4b:s18+s13], $0x2710, $0x38;
	[tilespmem:$0x18E80] =	vst v63  }
.LBB2_8:
0xff: {  	p0 =	sne.s32 s15, $0x9E00;
	[tilespmem:s14+$0x166F0] =	vst v0  }
0x100: {  	[tilespmem:s14+$0x16680] =	vst v0  }
0x101: {  	[tilespmem:s14+$0x16690] =	vst v0  }
.Ltmp3:
0x102: {  	[tilespmem:s14+$0x166A0] =	vst v0;
	(pc) =	sbr.rel @p0 .LBB2_8-.Ltmp3, $4  }
0x103: {  	[tilespmem:s14+$0x166B0] =	vst v0  }
0x104: {  	[tilespmem:s14+$0x166C0] =	vst v0  }
0x105: {  	[tilespmem:s14+$0x166D0] =	vst v0  }
0x106: {  	[tilespmem:s14+$0x166E0] =	vst v0;
	s14 =	sshra.s32 s15, $0x2;
	s15 =	sadd.s32 $0x200, s15  }
0x107: {  	[tilespmem:s14+$0x166F0] =	vst v0  }
0x108: {  	[tilespmem:s14+$0x16680] =	vst v0  }
0x109: {  	[tilespmem:s14+$0x16690] =	vst v0  }
0x10a: {  	[tilespmem:s14+$0x166A0] =	vst v0  }
0x10b: {  	[tilespmem:s14+$0x166B0] =	vst v0  }
0x10c: {  	[tilespmem:s14+$0x166C0] =	vst v0  }
0x10d: {  	[tilespmem:s14+$0x166D0] =	vst v0  }
0x10e: {  	[tilespmem:s14+$0x166E0] =	vst v0;
	s18 =	simm.s32 $0x50  }
0x10f: {  	v1 =	vld [tilespmem:s18+$0x40]  }
0x110: {  	s15 =	sand.u32 $0x3FE0, s13;
	v2 =	vld [tilespmem:s18+$0xFFFFFFC0]  }
0x111: {  	v3 =	vld [tilespmem:s15+$0x80]  }
0x112: {  	v4 =	vld [tilespmem:s18+$0xFFFFFFD0]  }
0x113: {  	v6 =	vld [tilespmem:s18+$0xFFFFFFE0]  }
0x114: {  	v7 =	vld [tilespmem:s18+$0xFFFFFFF0]  }
0x115: {  	v8 =	vld [tilespmem:s18+$0x0];
	v17 =	vand.u32 $0xFFFF, v1  }
0x116: {  	v9 =	vld [tilespmem:s18+$0x10];
	v11 =	vshrl.u32 v1, $0x10  }
0x117: {  	s14 =	simm.s32 $0x13F50;
	v10 =	vld [tilespmem:s18+$0x20];
	v18 =	vand.u32 $0xFFFF, v3  }
0x118: {  	v20 =	vld [tilespmem:s14+$0x40];
	v12 =	vshrl.u32 v3, $0x10  }
0x119: {  	v24 =	vld [tilespmem:s15+$0x13F80]  }
0x11a: {  	v13 =	vld.idx.msk [tilespmem:v17+s6+$0x0], $0xffff  }
0x11b: {  	v14 =	vld.idx.msk [tilespmem:v11+s7+$0x0], $0xffff  }
0x11c: {  	v16 =	vld.idx.msk [tilespmem:v18+s6+$0x0], $0xffff  }
0x11d: {  	v1 =	vand.u32 $0xFFFF, v2;
	v19 =	vld.idx.msk [tilespmem:v12+s7+$0x0], $0xffff  }
0x11e: {  	v36 =	vld [tilespmem:s14+$0xFFFFFFC0];
	v15 =	vshrl.u32 v2, $0x10  }
0x11f: {  	v3 =	vld [tilespmem:s18+$0xFFFFFFB0];
	v23 =	vshrl.u32 v4, $0x10  }
0x120: {  	v48 =	vld [tilespmem:s14+$0xFFFFFFD0];
	v26 =	vshrl.u32 v6, $0x10  }
0x121: {  	v52 =	vld [tilespmem:s14+$0xFFFFFFF0];
	v47 =	vshrl.u32 v8, $0x10;
	v13 =	vadd.f32 v14, v13  }
0x122: {  	v31 =	vshrl.u32 v9, $0x10;
	v22 =	vld.idx.msk [tilespmem:v1+s6+$0x0], $0xffff;
	v16 =	vadd.f32 v19, v16  }
0x123: {  	v2 =	vand.u32 $0xFFFF, v4;
	v25 =	vld.idx.msk [tilespmem:v15+s7+$0x0], $0xffff;
	v13 =	vadd.f32 v20, v13  }
0x124: {  	v5 =	vand.u32 $0xFFFF, v3;
	v28 =	vld.idx.msk [tilespmem:v23+s7+$0x0], $0xffff;
	v16 =	vadd.f32 v24, v16  }
0x125: {  	v21 =	vshrl.u32 v3, $0x10;
	v30 =	vld.idx.msk [tilespmem:v26+s7+$0x0], $0xffff;
	v13 =	vsub.f32 $0.0e+00, v13  }
0x126: {  	v3 =	vand.u32 $0xFFFF, v6;
	v6 =	vand.u32 $0xFFFF, v8;
	v32 =	vld.idx.msk [tilespmem:v47+s7+$0x0], $0xffff;
	v8 =	vsub.f32 $0.0e+00, v16  }
0x127: {  	v35 =	vld.idx.msk [tilespmem:v31+s7+$0x0], $0xffff;
	v13 =	vmul.f32 $1.442695020e+00, v13  }
0x128: {  	v4 =	vand.u32 $0xFFFF, v7;
	v14 =	vld.idx.msk [tilespmem:v2+s6+$0x0], $0xffff;
	v8 =	vmul.f32 $1.442695020e+00, v8  }
0x129: {  	v27 =	vld.idx.msk [tilespmem:v5+s6+$0x0], $0xffff;
	v19 =	vshrl.u32 v7, $0x10;
	(erf) = vpow2.f32 v13  }
0x12a: {  	v20 =	vld.idx.msk [tilespmem:v21+s7+$0x0], $0xffff;
	(erf) = vpow2.f32 v8  }
0x12b: {  	v29 =	vld.idx.msk [tilespmem:v3+s6+$0x0], $0xffff;
	v7 =	vand.u32 $0xFFFF, v9  }
0x12c: {  	v34 =	vshrl.u32 v10, $0x10;
	v8 =	vand.u32 $0xFFFF, v10;
	v10 =	vld [tilespmem:s14+$0xFFFFFFB0]  }
0x12d: {  	v22 =	vadd.f32 v25, v22;
	v16 =	vld.idx.msk [tilespmem:v4+s6+$0x0], $0xffff  }
0x12e: {  	v9 =	vld.idx.msk [tilespmem:v19+s7+$0x0], $0xffff  }
0x12f: {  	v22 =	vadd.f32 v36, v22;
	v20 =	vadd.f32 v20, v27;
	v13 =	vld.idx.msk [tilespmem:v6+s6+$0x0], $0xffff  }
0x130: {  	v33 =	vld.idx.msk [tilespmem:v7+s6+$0x0], $0xffff  }
0x131: {  	v22 =	vsub.f32 $0.0e+00, v22;
	v10 =	vadd.f32 v10, v20;
	v20 =	vld [tilespmem:s14+$0xFFFFFFE0]  }
0x132: {  	v54 =	vld [tilespmem:s14+$0x0];
	v14 =	vadd.f32 v28, v14;
	v49 =	vadd.f32 v30, v29;
	v51 =	vpop (erf)  }
0x133: {  	v55 =	vld [tilespmem:s14+$0x10];
	v9 =	vadd.f32 v9, v16;
	v29 =	vadd.f32 $1.000000000e+00, v51;
	v53 =	vpop (erf)  }
0x134: {  	v16 =	vld.idx.msk [tilespmem:v34+s7+$0x0], $0xffff;
	v13 =	vadd.f32 v32, v13;
	v32 =	vadd.f32 $1.000000000e+00, v53  }
0x135: {  	v14 =	vadd.f32 v48, v14;
	v50 =	vld.idx.msk [tilespmem:v8+s6+$0x0], $0xffff;
	v10 =	vsub.f32 $0.0e+00, v10;
	(erf) = vrcp.f32 v29  }
0x136: {  	v56 =	vadd.f32 v35, v33;
	v20 =	vadd.f32 v20, v49;
	(erf) = vrcp.f32 v32  }
0x137: {  	v57 =	vld [tilespmem:s14+$0x20];
	v58 =	vadd.f32 v52, v9;
	v13 =	vadd.f32 v54, v13;
	v10 =	vmul.f32 $1.442695020e+00, v10  }
0x138: {  	v9 =	vld.idx.msk [tilespmem:v15+s8+$0x0], $0xffff;
	v15 =	vsub.f32 $0.0e+00, v20;
	v20 =	vadd.f32 v55, v56  }
0x139: {  	v14 =	vsub.f32 $0.0e+00, v14;
	v13 =	vsub.f32 $0.0e+00, v13;
	(erf) = vpow2.f32 v10  }
0x13a: {  	v22 =	vmul.f32 $1.442695020e+00, v22;
	v16 =	vadd.f32 v16, v50;
	v20 =	vsub.f32 $0.0e+00, v20  }
0x13b: {  	v14 =	vmul.f32 $1.442695020e+00, v14;
	v60 =	vmul.f32 $1.442695020e+00, v13;
	v10 =	vld.idx.msk [tilespmem:v21+s8+$0x0], $0xffff;
	v21 =	vsub.f32 $0.0e+00, v58  }
0x13c: {  	v16 =	vadd.f32 v57, v16;
	(erf) = vpow2.f32 v22;
	v15 =	vmul.f32 $1.442695020e+00, v15  }
0x13d: {  	v11 =	vld.idx.msk [tilespmem:v11+s8+$0x0], $0xffff;
	(erf) = vpow2.f32 v14;
	v21 =	vmul.f32 $1.442695020e+00, v21  }
0x13e: {  	v13 =	vld.idx.msk [tilespmem:v19+s8+$0x0], $0xffff;
	v16 =	vsub.f32 $0.0e+00, v16;
	v19 =	vmul.f32 $1.442695020e+00, v20;
	(erf) = vpow2.f32 v15;
	v20 =	vpop (erf)  }
0x13f: {  	v59 =	vld.idx.msk [tilespmem:v12+s8+$0x0], $0xffff;
	v62 =	vpop (erf);
	(erf) = vpow2.f32 v21  }
0x140: {  	v12 =	vld.idx.msk [tilespmem:v26+s8+$0x0], $0xffff;
	v61 =	vmul.f32 $1.442695020e+00, v16;
	(erf) = vpow2.f32 v60  }
0x141: {  	v14 =	vld.idx.msk [tilespmem:v23+s8+$0x0], $0xffff;
	(erf) = vpow2.f32 v19  }
0x142: {  	v15 =	vld.idx.msk [tilespmem:v47+s8+$0x0], $0xffff;
	v63 =	vpop (erf);
	(erf) = vpow2.f32 v61  }
0x143: {  	v16 =	vld.idx.msk [tilespmem:v31+s8+$0x0], $0xffff;
	v20 =	vmul.f32 v20, v11;
	v19 =	vadd.f32 $1.000000000e+00, v63  }
0x144: {  	v11 =	vld.idx.msk [tilespmem:v34+s8+$0x0], $0xffff;
	v22 =	vmul.f32 v62, v59  }
0x145: {  	[tilespmem:v17+s9+$0x0] =	vst.idx.add.f32.msk $0xffff, v20;
	v17 =	vpop (erf);
	(erf) = vrcp.f32 v19  }
0x146: {  	s16 =	simm.s32 $0xF0;
	s15 =	simm.s32 $0x0;
	s18 =	simm.s32 $0x13F00;
	[tilespmem:v18+s9+$0x0] =	vst.idx.add.f32.msk $0xffff, v22;
	v17 =	vadd.f32 $1.000000000e+00, v17;
	v18 =	vpop (erf)  }
.LBB2_10:
0x147: {  	v19 =	vld [tilespmem:s16+$0x40];
	v21 =	vadd.f32 $1.000000000e+00, v18;
	s13 =	sadd.s32 $0xA0, s13;
	v20 =	vpop (erf)  }
0x148: {  	v22 =	vld [tilespmem:s16+$0xFFFFFFC0];
	s17 =	sand.u32 $0x3FE0, s13;
	v25 =	vadd.f32 $1.000000000e+00, v20;
	(erf) = vrcp.f32 v17;
	v17 =	vpop (erf)  }
0x149: {  	s15 =	sadd.s32 $0xA, s15;
	v23 =	vld [tilespmem:s17+$0x80];
	v27 =	vadd.f32 $1.000000000e+00, v17;
	(erf) = vrcp.f32 v21;
	v18 =	vpop (erf)  }
0x14a: {  	p0 =	slt.u32 s15, $0x262;
	v24 =	vld [tilespmem:s16+$0xFFFFFFD0];
	v18 =	vadd.f32 $1.000000000e+00, v18;
	(erf) = vrcp.f32 v25;
	v20 =	vpop (erf)  }
0x14b: {  	v26 =	vld [tilespmem:s16+$0xFFFFFFE0];
	v20 =	vadd.f32 $1.000000000e+00, v20;
	(erf) = vrcp.f32 v27;
	v17 =	vpop (erf)  }
0x14c: {  	v27 =	vld [tilespmem:s16+$0xFFFFFFF0];
	v21 =	vand.u32 $0xFFFF, v19;
	v28 =	vadd.f32 $1.000000000e+00, v17;
	(erf) = vrcp.f32 v18  }
0x14d: {  	v37 =	vshrl.u32 v19, $0x10;
	v42 =	vshrl.u32 v22, $0x10;
	v17 =	vand.u32 $0xFFFF, v22;
	v22 =	vld [tilespmem:s16+$0x0]  }
0x14e: {  	v29 =	vld [tilespmem:s16+$0x10];
	v25 =	vand.u32 $0xFFFF, v23;
	v30 =	vpop (erf);
	(erf) = vrcp.f32 v20  }
0x14f: {  	v43 =	vshrl.u32 v23, $0x10;
	v35 =	vshrl.u32 v24, $0x10;
	v18 =	vand.u32 $0xFFFF, v24;
	v24 =	vld [tilespmem:s16+$0x20]  }
0x150: {  	v31 =	vld [tilespmem:s16+$0xFFFFFFB0];
	v38 =	vshrl.u32 v26, $0x10;
	v19 =	vand.u32 $0xFFFF, v26;
	(erf) = vrcp.f32 v28  }
0x151: {  	v26 =	vmul.f32 v30, v10;
	v36 =	vshrl.u32 v27, $0x10;
	v20 =	vand.u32 $0xFFFF, v27;
	v33 =	vld.idx.msk [tilespmem:v21+s6+$0x0], $0xffff;
	v10 =	vpop (erf)  }
0x152: {  	v39 =	vshrl.u32 v22, $0x10;
	v22 =	vand.u32 $0xFFFF, v22;
	v44 =	vld.idx.msk [tilespmem:v37+s7+$0x0], $0xffff;
	v27 =	vmul.f32 v10, v9;
	v9 =	vpop (erf)  }
0x153: {  	v40 =	vshrl.u32 v29, $0x10;
	v23 =	vand.u32 $0xFFFF, v29;
	v10 =	vld.idx.msk [tilespmem:v25+s6+$0x0], $0xffff;
	v28 =	vmul.f32 v9, v14;
	v9 =	vpop (erf)  }
0x154: {  	v41 =	vshrl.u32 v24, $0x10;
	v24 =	vand.u32 $0xFFFF, v24;
	v14 =	vld.idx.msk [tilespmem:v43+s7+$0x0], $0xffff;
	v29 =	vmul.f32 v9, v12;
	v9 =	vpop (erf)  }
0x155: {  	s14 =	sadd.s32 $0xA0, s14;
	v12 =	vshrl.u32 v31, $0x10;
	v34 =	vand.u32 $0xFFFF, v31;
	v45 =	vld.idx.msk [tilespmem:v17+s6+$0x0], $0xffff;
	v30 =	vmul.f32 v9, v13;
	v9 =	vpop (erf)  }
0x156: {  	v13 =	vld [tilespmem:s14+$0x40];
	v31 =	vmul.f32 v9, v15  }
0x157: {  	v9 =	vld [tilespmem:s17+$0x13F80];
	v15 =	vpop (erf)  }
0x158: {  	v46 =	vld.idx.msk [tilespmem:v42+s7+$0x0], $0xffff;
	v32 =	vmul.f32 v15, v16  }
0x159: {  	v16 =	vadd.f32 v44, v33;
	v15 =	vld.idx.msk [tilespmem:v18+s6+$0x0], $0xffff;
	v33 =	vpop (erf)  }
0x15a: {  	v10 =	vadd.f32 v14, v10;
	v44 =	vld.idx.msk [tilespmem:v34+s6+$0x0], $0xffff;
	v33 =	vmul.f32 v33, v11  }
0x15b: {  	v11 =	vld.idx.msk [tilespmem:v12+s7+$0x0], $0xffff;
	v13 =	vadd.f32 v13, v16  }
0x15c: {  	v14 =	vld.idx.msk [tilespmem:v35+s7+$0x0], $0xffff;
	v9 =	vadd.f32 v9, v10  }
0x15d: {  	v10 =	vld.idx.msk [tilespmem:v19+s6+$0x0], $0xffff;
	v13 =	vsub.f32 $0.0e+00, v13  }
0x15e: {  	v16 =	vadd.f32 v46, v45;
	v45 =	vld.idx.msk [tilespmem:v38+s7+$0x0], $0xffff;
	v9 =	vsub.f32 $0.0e+00, v9  }
0x15f: {  	v46 =	vld.idx.msk [tilespmem:v20+s6+$0x0], $0xffff;
	v13 =	vmul.f32 $1.442695020e+00, v13  }
0x160: {  	v47 =	vld.idx.msk [tilespmem:v36+s7+$0x0], $0xffff;
	v9 =	vmul.f32 $1.442695020e+00, v9  }
0x161: {  	v11 =	vadd.f32 v11, v44;
	v44 =	vld.idx.msk [tilespmem:v22+s6+$0x0], $0xffff;
	(erf) = vpow2.f32 v13  }
0x162: {  	v13 =	vadd.f32 v14, v15;
	v14 =	vld.idx.msk [tilespmem:v39+s7+$0x0], $0xffff;
	(erf) = vpow2.f32 v9  }
0x163: {  	v9 =	vld.idx.msk [tilespmem:v23+s6+$0x0], $0xffff  }
0x164: {  	v15 =	vadd.f32 v45, v10;
	v10 =	vld.idx.msk [tilespmem:v40+s7+$0x0], $0xffff  }
0x165: {  	v45 =	vld.idx.msk [tilespmem:v24+s6+$0x0], $0xffff  }
0x166: {  	v46 =	vadd.f32 v47, v46;
	v47 =	vld.idx.msk [tilespmem:v41+s7+$0x0], $0xffff  }
0x167: {  	v48 =	vld [tilespmem:s14+$0xFFFFFFB0]  }
0x168: {  	v14 =	vadd.f32 v14, v44;
	v49 =	vld [tilespmem:s14+$0xFFFFFFC0]  }
0x169: {  	v44 =	vld [tilespmem:s14+$0xFFFFFFD0]  }
0x16a: {  	v51 =	vadd.f32 v10, v9;
	v50 =	vld [tilespmem:s14+$0xFFFFFFE0];
	v9 =	vpop (erf)  }
0x16b: {  	v52 =	vld [tilespmem:s14+$0xFFFFFFF0];
	v9 =	vadd.f32 $1.000000000e+00, v9;
	v10 =	vpop (erf)  }
0x16c: {  	v45 =	vadd.f32 v47, v45;
	v53 =	vld [tilespmem:s14+$0x0];
	v10 =	vadd.f32 $1.000000000e+00, v10  }
0x16d: {  	v11 =	vadd.f32 v48, v11;
	v16 =	vadd.f32 v49, v16;
	v47 =	vld [tilespmem:s14+$0x10];
	(erf) = vrcp.f32 v9  }
0x16e: {  	v13 =	vadd.f32 v44, v13;
	v44 =	vld [tilespmem:s14+$0x20];
	(erf) = vrcp.f32 v10  }
0x16f: {  	v11 =	vsub.f32 $0.0e+00, v11;
	v10 =	vld.idx.msk [tilespmem:v12+s8+$0x0], $0xffff;
	v12 =	vadd.f32 v50, v15  }
0x170: {  	v15 =	vsub.f32 $0.0e+00, v16;
	v9 =	vld.idx.msk [tilespmem:v42+s8+$0x0], $0xffff;
	v16 =	vadd.f32 v52, v46  }
0x171: {  	v11 =	vmul.f32 $1.442695020e+00, v11;
	v13 =	vsub.f32 $0.0e+00, v13;
	v42 =	vadd.f32 v53, v14;
	v37 =	vld.idx.msk [tilespmem:v37+s8+$0x0], $0xffff  }
0x172: {  	v46 =	vmul.f32 $1.442695020e+00, v15;
	v15 =	vsub.f32 $0.0e+00, v12;
	v47 =	vadd.f32 v47, v51;
	v43 =	vld.idx.msk [tilespmem:v43+s8+$0x0], $0xffff  }
0x173: {  	v16 =	vsub.f32 $0.0e+00, v16;
	v14 =	vld.idx.msk [tilespmem:v35+s8+$0x0], $0xffff;
	v35 =	vmul.f32 $1.442695020e+00, v13;
	v44 =	vadd.f32 v44, v45  }
0x174: {  	v42 =	vsub.f32 $0.0e+00, v42;
	v12 =	vld.idx.msk [tilespmem:v38+s8+$0x0], $0xffff;
	v38 =	vmul.f32 $1.442695020e+00, v15;
	v45 =	vsub.f32 $0.0e+00, v47  }
0x175: {  	v13 =	vld.idx.msk [tilespmem:v36+s8+$0x0], $0xffff;
	v36 =	vmul.f32 $1.442695020e+00, v16;
	v47 =	vsub.f32 $0.0e+00, v44;
	(erf) = vpow2.f32 v11  }
0x176: {  	v15 =	vld.idx.msk [tilespmem:v39+s8+$0x0], $0xffff;
	v39 =	vmul.f32 $1.442695020e+00, v42;
	v42 =	vmul.f32 $1.442695020e+00, v45;
	v11 =	vpop (erf)  }
0x177: {  	v16 =	vld.idx.msk [tilespmem:v40+s8+$0x0], $0xffff;
	v40 =	vmul.f32 $1.442695020e+00, v47;
	v37 =	vmul.f32 v11, v37;
	v44 =	vpop (erf)  }
0x178: {  	v11 =	vld.idx.msk [tilespmem:v41+s8+$0x0], $0xffff;
	v41 =	vmul.f32 v44, v43;
	(erf) = vpow2.f32 v46  }
0x179: {  	[tilespmem:v21+s9+$0x0] =	vst.idx.add.f32.msk $0xffff, v37;
	(erf) = vpow2.f32 v35  }
0x17a: {  	s17 =	simm.s32 $0x0;
	[tilespmem:v25+s9+$0x0] =	vst.idx.add.f32.msk $0xffff, v41;
	(erf) = vpow2.f32 v38  }
0x17b: {  	(erf) = vpow2.f32 v36;
	[tilespmem:v5+s9+$0x0] =	vst.idx.add.f32.msk $0xffff, v26;
	v5 =	vmov v34  }
0x17c: {  	(erf) = vpow2.f32 v39;
	[tilespmem:v1+s9+$0x0] =	vst.idx.add.f32.msk $0xffff, v27;
	v1 =	vmov v17  }
0x17d: {  	(erf) = vpow2.f32 v42;
	[tilespmem:v2+s9+$0x0] =	vst.idx.add.f32.msk $0xffff, v28;
	v2 =	vmov v18  }
.Ltmp4:
0x17e: {  	v17 =	vpop (erf);
	(erf) = vpow2.f32 v40;
	[tilespmem:v3+s9+$0x0] =	vst.idx.add.f32.msk $0xffff, v29;
	v3 =	vmov v19;
	(pc) =	sbr.rel @p0 .LBB2_10-.Ltmp4, $4  }
0x17f: {  	v19 =	vadd.f32 $1.000000000e+00, v17;
	[tilespmem:v4+s9+$0x0] =	vst.idx.add.f32.msk $0xffff, v30;
	v4 =	vmov v20  }
0x180: {  	[tilespmem:v6+s9+$0x0] =	vst.idx.add.f32.msk $0xffff, v31;
	v6 =	vmov v22  }
0x181: {  	(erf) = vrcp.f32 v19;
	v17 =	vpop (erf);
	[tilespmem:v7+s9+$0x0] =	vst.idx.add.f32.msk $0xffff, v32;
	v7 =	vmov v23  }
0x182: {  	s16 =	sadd.s32 $0xA0, s16;
	v17 =	vadd.f32 $1.000000000e+00, v17;
	v18 =	vpop (erf);
	[tilespmem:v8+s9+$0x0] =	vst.idx.add.f32.msk $0xffff, v33;
	v8 =	vmov v24  }
0x183: {  	v18 =	vadd.f32 $1.000000000e+00, v18;
	v19 =	vpop (erf)  }
0x184: {  	v19 =	vadd.f32 $1.000000000e+00, v19;
	(erf) = vrcp.f32 v17;
	v51 =	vpop (erf)  }
0x185: {  	v17 =	vadd.f32 $1.000000000e+00, v51;
	(erf) = vrcp.f32 v18;
	v52 =	vpop (erf)  }
0x186: {  	v18 =	vadd.f32 $1.000000000e+00, v52;
	(erf) = vrcp.f32 v19;
	v53 =	vpop (erf)  }
0x187: {  	v19 =	vadd.f32 $1.000000000e+00, v53;
	(erf) = vrcp.f32 v17;
	v54 =	vpop (erf)  }
0x188: {  	v17 =	vadd.f32 $1.000000000e+00, v54;
	(erf) = vrcp.f32 v18  }
0x189: {  	(erf) = vrcp.f32 v19  }
0x18a: {  	(erf) = vrcp.f32 v17;
	_ =	sdelay $0x1  }
0x18b: {  	v55 =	vpop (erf)  }
0x18c: {  	v10 =	vmul.f32 v55, v10;
	v56 =	vpop (erf)  }
0x18d: {  	v9 =	vmul.f32 v56, v9;
	v57 =	vpop (erf)  }
0x18e: {  	[tilespmem:v5+s9+$0x0] =	vst.idx.add.f32.msk $0xffff, v10;
	v14 =	vmul.f32 v57, v14;
	v58 =	vpop (erf)  }
0x18f: {  	v59 =	vmul.f32 v58, v12;
	v60 =	vpop (erf);
	[tilespmem:v1+s9+$0x0] =	vst.idx.add.f32.msk $0xffff, v9  }
0x190: {  	v1 =	vmul.f32 v60, v13;
	v61 =	vpop (erf);
	[tilespmem:v2+s9+$0x0] =	vst.idx.add.f32.msk $0xffff, v14  }
0x191: {  	v2 =	vmul.f32 v61, v15;
	v62 =	vpop (erf);
	[tilespmem:v3+s9+$0x0] =	vst.idx.add.f32.msk $0xffff, v59  }
0x192: {  	v3 =	vmul.f32 v62, v16;
	v63 =	vpop (erf);
	[tilespmem:v4+s9+$0x0] =	vst.idx.add.f32.msk $0xffff, v1  }
0x193: {  	v1 =	vmul.f32 v63, v11;
	[tilespmem:v6+s9+$0x0] =	vst.idx.add.f32.msk $0xffff, v2  }
0x194: {  	[tilespmem:v7+s9+$0x0] =	vst.idx.add.f32.msk $0xffff, v3  }
0x195: {  	[tilespmem:v8+s9+$0x0] =	vst.idx.add.f32.msk $0xffff, v1  }
.LBB2_12:
0x196: {  	s13 =	sshra.s32 s17, $0x2  }
0x197: {  	v1 =	vld [tilespmem:s13+$0x26C0];
	_ =	sdelay $0x4  }
0x198: {  	v2 =	vand.u32 $0xFFFF, v1  }
0x199: {  	v1 =	vshrl.u32 v1, $0x10;
	_ =	sdelay $0x3  }
0x19a: {  	v3 =	vld.idx.msk [tilespmem:v2+s6+$0x0], $0xffff  }
0x19b: {  	v4 =	vld.idx.msk [tilespmem:v1+s7+$0x0], $0xffff;
	_ =	sdelay $0x1  }
0x19c: {  	v5 =	vld [tilespmem:s13+$0x165C0];
	_ =	sdelay $0x2  }
0x19d: {  	v3 =	vadd.f32 v4, v3;
	_ =	sdelay $0x1  }
0x19e: {  	v3 =	vadd.f32 v5, v3;
	_ =	sdelay $0x1  }
0x19f: {  	v3 =	vsub.f32 $0.0e+00, v3;
	_ =	sdelay $0x1  }
0x1a0: {  	v3 =	vmul.f32 $1.442695020e+00, v3;
	_ =	sdelay $0x1  }
0x1a1: {  	(erf) = vpow2.f32 v3;
	_ =	sdelay $0x8  }
0x1a2: {  	v3 =	vpop (erf)  }
0x1a3: {  	v3 =	vadd.f32 $1.000000000e+00, v3;
	_ =	sdelay $0x1  }
0x1a4: {  	(erf) = vrcp.f32 v3;
	_ =	sdelay $0x4  }
0x1a5: {  	v1 =	vld.idx.msk [tilespmem:v1+s8+$0x0], $0xffff;
	_ =	sdelay $0x1  }
0x1a6: {  	p0 =	sne.s32 s17, $0x100  }
.Ltmp5:
0x1a7: {  	_ = 	snop;
	(pc) =	sbr.rel @p0 .LBB2_12-.Ltmp5, $3  }
0x1a8: {  	v3 =	vpop (erf)  }
0x1a9: {  	v1 =	vmul.f32 v3, v1;
	_ =	sdelay $0x1  }
0x1aa: {  	s17 =	sadd.s32 $0x40, s17;
	[tilespmem:v2+s9+$0x0] =	vst.idx.add.f32.msk $0xffff, v1  }
0x1ab: {  	s13 =	simm.s32 $0x0  }
0x1ac: {  	[hbm4b:s25+s13] =	stream.linear.scatter [tilespmem:s9], [sflag:$0x4], $0x2800, $0x38;
	[tilespmem:$0x18E80] =	vst v63  }
0x1ad: {  	_ =	swait.ge [sflag:s10], $0x2800  }
0x1ae: {  	[sflag:s10] =	ssyncset.done $0x0  }
0x1af: {  	[sflag:s10] =	ssyncadd.s32 $0xFFFFD800  }
0x1b0: {  	_ =	swait.ge [sflag:s5], $0x2800  }
0x1b1: {  	[sflag:s5] =	ssyncset.done $0x0  }
0x1b2: {  	[sflag:s5] =	ssyncadd.s32 $0xFFFFD800  }
0x1b3: {  	_ =	swait.ge [sflag:s5], $0x2800  }
0x1b4: {  	[sflag:s5] =	ssyncset.done $0x0  }
0x1b5: {  	[sflag:s5] =	ssyncadd.s32 $0xFFFFD800  }
0x1b6: {  	_ =	swait.ge [sflag:s5], $0x2800  }
0x1b7: {  	[sflag:s5] =	ssyncset.done $0x0  }
0x1b8: {  	[sflag:s5] =	ssyncadd.s32 $0xFFFFD800  }
0x1b9: {  	_ =	swait.ge [sflag:s5], $0x2710  }
0x1ba: {  	[sflag:s5] =	ssyncset.done $0x0  }
0x1bb: {  	s14 =	rddreg [dreg:$0x10];
	[sflag:s5] =	ssyncadd.s32 $0xFFFFD8F0  }
0x1bc: {  	[tilespmem:s6], [sflag:$0x3] =	stream.linear.gather [hbm4b:s14+s13], $0x2800, $0x38;
	[tilespmem:$0x18E80] =	vst v63  }
0x1bd: {  	s17 =	rddreg [dreg:$0x11]  }
0x1be: {  	[tilespmem:s7], [sflag:$0x3] =	stream.linear.gather [hbm4b:s17+s13], $0x2800, $0x38;
	[tilespmem:$0x18E80] =	vst v63  }
0x1bf: {  	_ = 	snop  }
0x1c0: {  	[tilespmem:s8], [sflag:$0x3] =	stream.linear.gather [hbm4b:s19+s13], $0x2800, $0x38;
	[tilespmem:$0x18E80] =	vst v63  }
0x1c1: {  	s15 =	simm.s32 $0x200;
	s14 =	simm.s32 $0x0  }
0x1c2: {  	[tilespmem:s18], [sflag:$0x3] =	stream.linear.gather [hbm4b:s23+s13], $0x2710, $0x38;
	[tilespmem:$0x18E80] =	vst v63  }
.LBB2_14:
0x1c3: {  	p0 =	sne.s32 s15, $0x9E00;
	[tilespmem:s14+$0x166F0] =	vst v0  }
0x1c4: {  	[tilespmem:s14+$0x16680] =	vst v0  }
0x1c5: {  	[tilespmem:s14+$0x16690] =	vst v0  }
.Ltmp6:
0x1c6: {  	[tilespmem:s14+$0x166A0] =	vst v0;
	(pc) =	sbr.rel @p0 .LBB2_14-.Ltmp6, $4  }
0x1c7: {  	[tilespmem:s14+$0x166B0] =	vst v0  }
0x1c8: {  	[tilespmem:s14+$0x166C0] =	vst v0  }
0x1c9: {  	[tilespmem:s14+$0x166D0] =	vst v0  }
0x1ca: {  	[tilespmem:s14+$0x166E0] =	vst v0;
	s14 =	sshra.s32 s15, $0x2;
	s15 =	sadd.s32 $0x200, s15  }
0x1cb: {  	[tilespmem:s14+$0x166F0] =	vst v0  }
0x1cc: {  	[tilespmem:s14+$0x16680] =	vst v0  }
0x1cd: {  	[tilespmem:s14+$0x16690] =	vst v0  }
0x1ce: {  	[tilespmem:s14+$0x166A0] =	vst v0  }
0x1cf: {  	[tilespmem:s14+$0x166B0] =	vst v0  }
0x1d0: {  	[tilespmem:s14+$0x166C0] =	vst v0  }
0x1d1: {  	[tilespmem:s14+$0x166D0] =	vst v0  }
0x1d2: {  	[tilespmem:s14+$0x166E0] =	vst v0;
	s17 =	simm.s32 $0x50  }
0x1d3: {  	v1 =	vld [tilespmem:s17+$0x40]  }
0x1d4: {  	s15 =	sand.u32 $0x3FE0, s13;
	v2 =	vld [tilespmem:s17+$0xFFFFFFC0]  }
0x1d5: {  	v3 =	vld [tilespmem:s15+$0x80]  }
0x1d6: {  	v4 =	vld [tilespmem:s17+$0xFFFFFFD0]  }
0x1d7: {  	v6 =	vld [tilespmem:s17+$0xFFFFFFE0]  }
0x1d8: {  	v7 =	vld [tilespmem:s17+$0xFFFFFFF0]  }
0x1d9: {  	v8 =	vld [tilespmem:s17+$0x0];
	v17 =	vand.u32 $0xFFFF, v1  }
0x1da: {  	v9 =	vld [tilespmem:s17+$0x10];
	v11 =	vshrl.u32 v1, $0x10  }
0x1db: {  	s14 =	simm.s32 $0x9FD0;
	v10 =	vld [tilespmem:s17+$0x20];
	v18 =	vand.u32 $0xFFFF, v3  }
0x1dc: {  	v20 =	vld [tilespmem:s14+$0x40];
	v12 =	vshrl.u32 v3, $0x10  }
0x1dd: {  	v24 =	vld [tilespmem:s15+$0xA000]  }
0x1de: {  	v13 =	vld.idx.msk [tilespmem:v17+s31+$0x0], $0xffff  }
0x1df: {  	v14 =	vld.idx.msk [tilespmem:v11+s1+$0x0], $0xffff  }
0x1e0: {  	v16 =	vld.idx.msk [tilespmem:v18+s31+$0x0], $0xffff  }
0x1e1: {  	v1 =	vand.u32 $0xFFFF, v2;
	v19 =	vld.idx.msk [tilespmem:v12+s1+$0x0], $0xffff  }
0x1e2: {  	v36 =	vld [tilespmem:s14+$0xFFFFFFC0];
	v15 =	vshrl.u32 v2, $0x10  }
0x1e3: {  	v3 =	vld [tilespmem:s17+$0xFFFFFFB0];
	v23 =	vshrl.u32 v4, $0x10  }
0x1e4: {  	v48 =	vld [tilespmem:s14+$0xFFFFFFD0];
	v26 =	vshrl.u32 v6, $0x10  }
0x1e5: {  	v52 =	vld [tilespmem:s14+$0xFFFFFFF0];
	v47 =	vshrl.u32 v8, $0x10;
	v13 =	vadd.f32 v14, v13  }
0x1e6: {  	v31 =	vshrl.u32 v9, $0x10;
	v22 =	vld.idx.msk [tilespmem:v1+s31+$0x0], $0xffff;
	v16 =	vadd.f32 v19, v16  }
0x1e7: {  	v2 =	vand.u32 $0xFFFF, v4;
	v25 =	vld.idx.msk [tilespmem:v15+s1+$0x0], $0xffff;
	v13 =	vadd.f32 v20, v13  }
0x1e8: {  	v5 =	vand.u32 $0xFFFF, v3;
	v28 =	vld.idx.msk [tilespmem:v23+s1+$0x0], $0xffff;
	v16 =	vadd.f32 v24, v16  }
0x1e9: {  	v21 =	vshrl.u32 v3, $0x10;
	v30 =	vld.idx.msk [tilespmem:v26+s1+$0x0], $0xffff;
	v13 =	vsub.f32 $0.0e+00, v13  }
0x1ea: {  	v3 =	vand.u32 $0xFFFF, v6;
	v6 =	vand.u32 $0xFFFF, v8;
	v32 =	vld.idx.msk [tilespmem:v47+s1+$0x0], $0xffff;
	v8 =	vsub.f32 $0.0e+00, v16  }
0x1eb: {  	v35 =	vld.idx.msk [tilespmem:v31+s1+$0x0], $0xffff;
	v13 =	vmul.f32 $1.442695020e+00, v13  }
0x1ec: {  	v4 =	vand.u32 $0xFFFF, v7;
	v14 =	vld.idx.msk [tilespmem:v2+s31+$0x0], $0xffff;
	v8 =	vmul.f32 $1.442695020e+00, v8  }
0x1ed: {  	v27 =	vld.idx.msk [tilespmem:v5+s31+$0x0], $0xffff;
	v19 =	vshrl.u32 v7, $0x10;
	(erf) = vpow2.f32 v13  }
0x1ee: {  	v20 =	vld.idx.msk [tilespmem:v21+s1+$0x0], $0xffff;
	(erf) = vpow2.f32 v8  }
0x1ef: {  	v29 =	vld.idx.msk [tilespmem:v3+s31+$0x0], $0xffff;
	v7 =	vand.u32 $0xFFFF, v9  }
0x1f0: {  	v34 =	vshrl.u32 v10, $0x10;
	v8 =	vand.u32 $0xFFFF, v10;
	v10 =	vld [tilespmem:s14+$0xFFFFFFB0]  }
0x1f1: {  	v22 =	vadd.f32 v25, v22;
	v16 =	vld.idx.msk [tilespmem:v4+s31+$0x0], $0xffff  }
0x1f2: {  	v9 =	vld.idx.msk [tilespmem:v19+s1+$0x0], $0xffff  }
0x1f3: {  	v22 =	vadd.f32 v36, v22;
	v20 =	vadd.f32 v20, v27;
	v13 =	vld.idx.msk [tilespmem:v6+s31+$0x0], $0xffff  }
0x1f4: {  	v33 =	vld.idx.msk [tilespmem:v7+s31+$0x0], $0xffff  }
0x1f5: {  	v22 =	vsub.f32 $0.0e+00, v22;
	v10 =	vadd.f32 v10, v20;
	v20 =	vld [tilespmem:s14+$0xFFFFFFE0]  }
0x1f6: {  	v54 =	vld [tilespmem:s14+$0x0];
	v14 =	vadd.f32 v28, v14;
	v49 =	vadd.f32 v30, v29;
	v51 =	vpop (erf)  }
0x1f7: {  	v55 =	vld [tilespmem:s14+$0x10];
	v9 =	vadd.f32 v9, v16;
	v29 =	vadd.f32 $1.000000000e+00, v51;
	v53 =	vpop (erf)  }
0x1f8: {  	v16 =	vld.idx.msk [tilespmem:v34+s1+$0x0], $0xffff;
	v13 =	vadd.f32 v32, v13;
	v32 =	vadd.f32 $1.000000000e+00, v53  }
0x1f9: {  	v14 =	vadd.f32 v48, v14;
	v50 =	vld.idx.msk [tilespmem:v8+s31+$0x0], $0xffff;
	v10 =	vsub.f32 $0.0e+00, v10;
	(erf) = vrcp.f32 v29  }
0x1fa: {  	v56 =	vadd.f32 v35, v33;
	v20 =	vadd.f32 v20, v49;
	(erf) = vrcp.f32 v32  }
0x1fb: {  	v57 =	vld [tilespmem:s14+$0x20];
	v58 =	vadd.f32 v52, v9;
	v13 =	vadd.f32 v54, v13;
	v10 =	vmul.f32 $1.442695020e+00, v10  }
0x1fc: {  	v9 =	vld.idx.msk [tilespmem:v15+s0+$0x0], $0xffff;
	v15 =	vsub.f32 $0.0e+00, v20;
	v20 =	vadd.f32 v55, v56  }
0x1fd: {  	v14 =	vsub.f32 $0.0e+00, v14;
	v13 =	vsub.f32 $0.0e+00, v13;
	(erf) = vpow2.f32 v10  }
0x1fe: {  	v22 =	vmul.f32 $1.442695020e+00, v22;
	v16 =	vadd.f32 v16, v50;
	v20 =	vsub.f32 $0.0e+00, v20  }
0x1ff: {  	v14 =	vmul.f32 $1.442695020e+00, v14;
	v60 =	vmul.f32 $1.442695020e+00, v13;
	v10 =	vld.idx.msk [tilespmem:v21+s0+$0x0], $0xffff;
	v21 =	vsub.f32 $0.0e+00, v58  }
0x200: {  	v16 =	vadd.f32 v57, v16;
	(erf) = vpow2.f32 v22;
	v15 =	vmul.f32 $1.442695020e+00, v15  }
0x201: {  	v11 =	vld.idx.msk [tilespmem:v11+s0+$0x0], $0xffff;
	(erf) = vpow2.f32 v14;
	v21 =	vmul.f32 $1.442695020e+00, v21  }
0x202: {  	v13 =	vld.idx.msk [tilespmem:v19+s0+$0x0], $0xffff;
	v16 =	vsub.f32 $0.0e+00, v16;
	v19 =	vmul.f32 $1.442695020e+00, v20;
	(erf) = vpow2.f32 v15;
	v20 =	vpop (erf)  }
0x203: {  	v59 =	vld.idx.msk [tilespmem:v12+s0+$0x0], $0xffff;
	v62 =	vpop (erf);
	(erf) = vpow2.f32 v21  }
0x204: {  	v12 =	vld.idx.msk [tilespmem:v26+s0+$0x0], $0xffff;
	v61 =	vmul.f32 $1.442695020e+00, v16;
	(erf) = vpow2.f32 v60  }
0x205: {  	v14 =	vld.idx.msk [tilespmem:v23+s0+$0x0], $0xffff;
	(erf) = vpow2.f32 v19  }
0x206: {  	v15 =	vld.idx.msk [tilespmem:v47+s0+$0x0], $0xffff;
	v63 =	vpop (erf);
	(erf) = vpow2.f32 v61  }
0x207: {  	v16 =	vld.idx.msk [tilespmem:v31+s0+$0x0], $0xffff;
	v20 =	vmul.f32 v20, v11;
	v19 =	vadd.f32 $1.000000000e+00, v63  }
0x208: {  	v11 =	vld.idx.msk [tilespmem:v34+s0+$0x0], $0xffff;
	v22 =	vmul.f32 v62, v59  }
0x209: {  	[tilespmem:v17+s9+$0x0] =	vst.idx.add.f32.msk $0xffff, v20;
	v17 =	vpop (erf);
	(erf) = vrcp.f32 v19  }
0x20a: {  	s16 =	simm.s32 $0xF0;
	s15 =	simm.s32 $0x0;
	[tilespmem:v18+s9+$0x0] =	vst.idx.add.f32.msk $0xffff, v22;
	v17 =	vadd.f32 $1.000000000e+00, v17;
	v18 =	vpop (erf)  }
.LBB2_16:
0x20b: {  	v19 =	vld [tilespmem:s16+$0x40];
	v21 =	vadd.f32 $1.000000000e+00, v18;
	s13 =	sadd.s32 $0xA0, s13;
	v20 =	vpop (erf)  }
0x20c: {  	v22 =	vld [tilespmem:s16+$0xFFFFFFC0];
	s17 =	sand.u32 $0x3FE0, s13;
	v25 =	vadd.f32 $1.000000000e+00, v20;
	(erf) = vrcp.f32 v17;
	v17 =	vpop (erf)  }
0x20d: {  	s15 =	sadd.s32 $0xA, s15;
	v23 =	vld [tilespmem:s17+$0x80];
	v27 =	vadd.f32 $1.000000000e+00, v17;
	(erf) = vrcp.f32 v21;
	v18 =	vpop (erf)  }
0x20e: {  	p0 =	slt.u32 s15, $0x262;
	v24 =	vld [tilespmem:s16+$0xFFFFFFD0];
	v18 =	vadd.f32 $1.000000000e+00, v18;
	(erf) = vrcp.f32 v25;
	v20 =	vpop (erf)  }
0x20f: {  	v26 =	vld [tilespmem:s16+$0xFFFFFFE0];
	v20 =	vadd.f32 $1.000000000e+00, v20;
	(erf) = vrcp.f32 v27;
	v17 =	vpop (erf)  }
0x210: {  	v27 =	vld [tilespmem:s16+$0xFFFFFFF0];
	v21 =	vand.u32 $0xFFFF, v19;
	v28 =	vadd.f32 $1.000000000e+00, v17;
	(erf) = vrcp.f32 v18  }
0x211: {  	v37 =	vshrl.u32 v19, $0x10;
	v42 =	vshrl.u32 v22, $0x10;
	v17 =	vand.u32 $0xFFFF, v22;
	v22 =	vld [tilespmem:s16+$0x0]  }
0x212: {  	v29 =	vld [tilespmem:s16+$0x10];
	v25 =	vand.u32 $0xFFFF, v23;
	v30 =	vpop (erf);
	(erf) = vrcp.f32 v20  }
0x213: {  	v43 =	vshrl.u32 v23, $0x10;
	v35 =	vshrl.u32 v24, $0x10;
	v18 =	vand.u32 $0xFFFF, v24;
	v24 =	vld [tilespmem:s16+$0x20]  }
0x214: {  	v31 =	vld [tilespmem:s16+$0xFFFFFFB0];
	v38 =	vshrl.u32 v26, $0x10;
	v19 =	vand.u32 $0xFFFF, v26;
	(erf) = vrcp.f32 v28  }
0x215: {  	v26 =	vmul.f32 v30, v10;
	v36 =	vshrl.u32 v27, $0x10;
	v20 =	vand.u32 $0xFFFF, v27;
	v33 =	vld.idx.msk [tilespmem:v21+s31+$0x0], $0xffff;
	v10 =	vpop (erf)  }
0x216: {  	v39 =	vshrl.u32 v22, $0x10;
	v22 =	vand.u32 $0xFFFF, v22;
	v44 =	vld.idx.msk [tilespmem:v37+s1+$0x0], $0xffff;
	v27 =	vmul.f32 v10, v9;
	v9 =	vpop (erf)  }
0x217: {  	v40 =	vshrl.u32 v29, $0x10;
	v23 =	vand.u32 $0xFFFF, v29;
	v10 =	vld.idx.msk [tilespmem:v25+s31+$0x0], $0xffff;
	v28 =	vmul.f32 v9, v14;
	v9 =	vpop (erf)  }
0x218: {  	v41 =	vshrl.u32 v24, $0x10;
	v24 =	vand.u32 $0xFFFF, v24;
	v14 =	vld.idx.msk [tilespmem:v43+s1+$0x0], $0xffff;
	v29 =	vmul.f32 v9, v12;
	v9 =	vpop (erf)  }
0x219: {  	s14 =	sadd.s32 $0xA0, s14;
	v12 =	vshrl.u32 v31, $0x10;
	v34 =	vand.u32 $0xFFFF, v31;
	v45 =	vld.idx.msk [tilespmem:v17+s31+$0x0], $0xffff;
	v30 =	vmul.f32 v9, v13;
	v9 =	vpop (erf)  }
0x21a: {  	v13 =	vld [tilespmem:s14+$0x40];
	v31 =	vmul.f32 v9, v15  }
0x21b: {  	v9 =	vld [tilespmem:s17+$0xA000];
	v15 =	vpop (erf)  }
0x21c: {  	v46 =	vld.idx.msk [tilespmem:v42+s1+$0x0], $0xffff;
	v32 =	vmul.f32 v15, v16  }
0x21d: {  	v16 =	vadd.f32 v44, v33;
	v15 =	vld.idx.msk [tilespmem:v18+s31+$0x0], $0xffff;
	v33 =	vpop (erf)  }
0x21e: {  	v10 =	vadd.f32 v14, v10;
	v44 =	vld.idx.msk [tilespmem:v34+s31+$0x0], $0xffff;
	v33 =	vmul.f32 v33, v11  }
0x21f: {  	v11 =	vld.idx.msk [tilespmem:v12+s1+$0x0], $0xffff;
	v13 =	vadd.f32 v13, v16  }
0x220: {  	v14 =	vld.idx.msk [tilespmem:v35+s1+$0x0], $0xffff;
	v9 =	vadd.f32 v9, v10  }
0x221: {  	v10 =	vld.idx.msk [tilespmem:v19+s31+$0x0], $0xffff;
	v13 =	vsub.f32 $0.0e+00, v13  }
0x222: {  	v16 =	vadd.f32 v46, v45;
	v45 =	vld.idx.msk [tilespmem:v38+s1+$0x0], $0xffff;
	v9 =	vsub.f32 $0.0e+00, v9  }
0x223: {  	v46 =	vld.idx.msk [tilespmem:v20+s31+$0x0], $0xffff;
	v13 =	vmul.f32 $1.442695020e+00, v13  }
0x224: {  	v47 =	vld.idx.msk [tilespmem:v36+s1+$0x0], $0xffff;
	v9 =	vmul.f32 $1.442695020e+00, v9  }
0x225: {  	v11 =	vadd.f32 v11, v44;
	v44 =	vld.idx.msk [tilespmem:v22+s31+$0x0], $0xffff;
	(erf) = vpow2.f32 v13  }
0x226: {  	v13 =	vadd.f32 v14, v15;
	v14 =	vld.idx.msk [tilespmem:v39+s1+$0x0], $0xffff;
	(erf) = vpow2.f32 v9  }
0x227: {  	v9 =	vld.idx.msk [tilespmem:v23+s31+$0x0], $0xffff  }
0x228: {  	v15 =	vadd.f32 v45, v10;
	v10 =	vld.idx.msk [tilespmem:v40+s1+$0x0], $0xffff  }
0x229: {  	v45 =	vld.idx.msk [tilespmem:v24+s31+$0x0], $0xffff  }
0x22a: {  	v46 =	vadd.f32 v47, v46;
	v47 =	vld.idx.msk [tilespmem:v41+s1+$0x0], $0xffff  }
0x22b: {  	v48 =	vld [tilespmem:s14+$0xFFFFFFB0]  }
0x22c: {  	v14 =	vadd.f32 v14, v44;
	v49 =	vld [tilespmem:s14+$0xFFFFFFC0]  }
0x22d: {  	v44 =	vld [tilespmem:s14+$0xFFFFFFD0]  }
0x22e: {  	v51 =	vadd.f32 v10, v9;
	v50 =	vld [tilespmem:s14+$0xFFFFFFE0];
	v9 =	vpop (erf)  }
0x22f: {  	v52 =	vld [tilespmem:s14+$0xFFFFFFF0];
	v9 =	vadd.f32 $1.000000000e+00, v9;
	v10 =	vpop (erf)  }
0x230: {  	v45 =	vadd.f32 v47, v45;
	v53 =	vld [tilespmem:s14+$0x0];
	v10 =	vadd.f32 $1.000000000e+00, v10  }
0x231: {  	v11 =	vadd.f32 v48, v11;
	v16 =	vadd.f32 v49, v16;
	v47 =	vld [tilespmem:s14+$0x10];
	(erf) = vrcp.f32 v9  }
0x232: {  	v13 =	vadd.f32 v44, v13;
	v44 =	vld [tilespmem:s14+$0x20];
	(erf) = vrcp.f32 v10  }
0x233: {  	v11 =	vsub.f32 $0.0e+00, v11;
	v10 =	vld.idx.msk [tilespmem:v12+s0+$0x0], $0xffff;
	v12 =	vadd.f32 v50, v15  }
0x234: {  	v15 =	vsub.f32 $0.0e+00, v16;
	v9 =	vld.idx.msk [tilespmem:v42+s0+$0x0], $0xffff;
	v16 =	vadd.f32 v52, v46  }
0x235: {  	v11 =	vmul.f32 $1.442695020e+00, v11;
	v13 =	vsub.f32 $0.0e+00, v13;
	v42 =	vadd.f32 v53, v14;
	v37 =	vld.idx.msk [tilespmem:v37+s0+$0x0], $0xffff  }
0x236: {  	v46 =	vmul.f32 $1.442695020e+00, v15;
	v15 =	vsub.f32 $0.0e+00, v12;
	v47 =	vadd.f32 v47, v51;
	v43 =	vld.idx.msk [tilespmem:v43+s0+$0x0], $0xffff  }
0x237: {  	v16 =	vsub.f32 $0.0e+00, v16;
	v14 =	vld.idx.msk [tilespmem:v35+s0+$0x0], $0xffff;
	v35 =	vmul.f32 $1.442695020e+00, v13;
	v44 =	vadd.f32 v44, v45  }
0x238: {  	v42 =	vsub.f32 $0.0e+00, v42;
	v12 =	vld.idx.msk [tilespmem:v38+s0+$0x0], $0xffff;
	v38 =	vmul.f32 $1.442695020e+00, v15;
	v45 =	vsub.f32 $0.0e+00, v47  }
0x239: {  	v13 =	vld.idx.msk [tilespmem:v36+s0+$0x0], $0xffff;
	v36 =	vmul.f32 $1.442695020e+00, v16;
	v47 =	vsub.f32 $0.0e+00, v44;
	(erf) = vpow2.f32 v11  }
0x23a: {  	v15 =	vld.idx.msk [tilespmem:v39+s0+$0x0], $0xffff;
	v39 =	vmul.f32 $1.442695020e+00, v42;
	v42 =	vmul.f32 $1.442695020e+00, v45;
	v11 =	vpop (erf)  }
0x23b: {  	v16 =	vld.idx.msk [tilespmem:v40+s0+$0x0], $0xffff;
	v40 =	vmul.f32 $1.442695020e+00, v47;
	v37 =	vmul.f32 v11, v37;
	v44 =	vpop (erf)  }
0x23c: {  	v11 =	vld.idx.msk [tilespmem:v41+s0+$0x0], $0xffff;
	v41 =	vmul.f32 v44, v43;
	(erf) = vpow2.f32 v46  }
0x23d: {  	[tilespmem:v21+s9+$0x0] =	vst.idx.add.f32.msk $0xffff, v37;
	(erf) = vpow2.f32 v35  }
0x23e: {  	s17 =	simm.s32 $0x0;
	[tilespmem:v25+s9+$0x0] =	vst.idx.add.f32.msk $0xffff, v41;
	(erf) = vpow2.f32 v38  }
0x23f: {  	(erf) = vpow2.f32 v36;
	[tilespmem:v5+s9+$0x0] =	vst.idx.add.f32.msk $0xffff, v26;
	v5 =	vmov v34  }
0x240: {  	(erf) = vpow2.f32 v39;
	[tilespmem:v1+s9+$0x0] =	vst.idx.add.f32.msk $0xffff, v27;
	v1 =	vmov v17  }
0x241: {  	(erf) = vpow2.f32 v42;
	[tilespmem:v2+s9+$0x0] =	vst.idx.add.f32.msk $0xffff, v28;
	v2 =	vmov v18  }
.Ltmp7:
0x242: {  	v17 =	vpop (erf);
	(erf) = vpow2.f32 v40;
	[tilespmem:v3+s9+$0x0] =	vst.idx.add.f32.msk $0xffff, v29;
	v3 =	vmov v19;
	(pc) =	sbr.rel @p0 .LBB2_16-.Ltmp7, $4  }
0x243: {  	v19 =	vadd.f32 $1.000000000e+00, v17;
	[tilespmem:v4+s9+$0x0] =	vst.idx.add.f32.msk $0xffff, v30;
	v4 =	vmov v20  }
0x244: {  	[tilespmem:v6+s9+$0x0] =	vst.idx.add.f32.msk $0xffff, v31;
	v6 =	vmov v22  }
0x245: {  	(erf) = vrcp.f32 v19;
	v17 =	vpop (erf);
	[tilespmem:v7+s9+$0x0] =	vst.idx.add.f32.msk $0xffff, v32;
	v7 =	vmov v23  }
0x246: {  	s16 =	sadd.s32 $0xA0, s16;
	v17 =	vadd.f32 $1.000000000e+00, v17;
	v18 =	vpop (erf);
	[tilespmem:v8+s9+$0x0] =	vst.idx.add.f32.msk $0xffff, v33;
	v8 =	vmov v24  }
0x247: {  	v18 =	vadd.f32 $1.000000000e+00, v18;
	v19 =	vpop (erf)  }
0x248: {  	v19 =	vadd.f32 $1.000000000e+00, v19;
	(erf) = vrcp.f32 v17;
	v51 =	vpop (erf)  }
0x249: {  	v17 =	vadd.f32 $1.000000000e+00, v51;
	(erf) = vrcp.f32 v18;
	v52 =	vpop (erf)  }
0x24a: {  	v18 =	vadd.f32 $1.000000000e+00, v52;
	(erf) = vrcp.f32 v19;
	v53 =	vpop (erf)  }
0x24b: {  	v19 =	vadd.f32 $1.000000000e+00, v53;
	(erf) = vrcp.f32 v17;
	v54 =	vpop (erf)  }
0x24c: {  	v17 =	vadd.f32 $1.000000000e+00, v54;
	(erf) = vrcp.f32 v18  }
0x24d: {  	(erf) = vrcp.f32 v19  }
0x24e: {  	(erf) = vrcp.f32 v17;
	_ =	sdelay $0x1  }
0x24f: {  	v55 =	vpop (erf)  }
0x250: {  	v10 =	vmul.f32 v55, v10;
	v56 =	vpop (erf)  }
0x251: {  	v9 =	vmul.f32 v56, v9;
	v57 =	vpop (erf)  }
0x252: {  	[tilespmem:v5+s9+$0x0] =	vst.idx.add.f32.msk $0xffff, v10;
	v14 =	vmul.f32 v57, v14;
	v58 =	vpop (erf)  }
0x253: {  	v59 =	vmul.f32 v58, v12;
	v60 =	vpop (erf);
	[tilespmem:v1+s9+$0x0] =	vst.idx.add.f32.msk $0xffff, v9  }
0x254: {  	v1 =	vmul.f32 v60, v13;
	v61 =	vpop (erf);
	[tilespmem:v2+s9+$0x0] =	vst.idx.add.f32.msk $0xffff, v14  }
0x255: {  	v2 =	vmul.f32 v61, v15;
	v62 =	vpop (erf);
	[tilespmem:v3+s9+$0x0] =	vst.idx.add.f32.msk $0xffff, v59  }
0x256: {  	v3 =	vmul.f32 v62, v16;
	v63 =	vpop (erf);
	[tilespmem:v4+s9+$0x0] =	vst.idx.add.f32.msk $0xffff, v1  }
0x257: {  	v1 =	vmul.f32 v63, v11;
	[tilespmem:v6+s9+$0x0] =	vst.idx.add.f32.msk $0xffff, v2  }
0x258: {  	[tilespmem:v7+s9+$0x0] =	vst.idx.add.f32.msk $0xffff, v3  }
0x259: {  	[tilespmem:v8+s9+$0x0] =	vst.idx.add.f32.msk $0xffff, v1  }
.LBB2_18:
0x25a: {  	s13 =	sshra.s32 s17, $0x2  }
0x25b: {  	v1 =	vld [tilespmem:s13+$0x26C0];
	_ =	sdelay $0x4  }
0x25c: {  	v2 =	vand.u32 $0xFFFF, v1  }
0x25d: {  	v1 =	vshrl.u32 v1, $0x10;
	_ =	sdelay $0x3  }
0x25e: {  	v3 =	vld.idx.msk [tilespmem:v2+s31+$0x0], $0xffff  }
0x25f: {  	v4 =	vld.idx.msk [tilespmem:v1+s1+$0x0], $0xffff;
	_ =	sdelay $0x1  }
0x260: {  	v5 =	vld [tilespmem:s13+$0xC640];
	_ =	sdelay $0x2  }
0x261: {  	v3 =	vadd.f32 v4, v3;
	_ =	sdelay $0x1  }
0x262: {  	v3 =	vadd.f32 v5, v3;
	_ =	sdelay $0x1  }
0x263: {  	v3 =	vsub.f32 $0.0e+00, v3;
	_ =	sdelay $0x1  }
0x264: {  	v3 =	vmul.f32 $1.442695020e+00, v3;
	_ =	sdelay $0x1  }
0x265: {  	(erf) = vpow2.f32 v3;
	_ =	sdelay $0x8  }
0x266: {  	v3 =	vpop (erf)  }
0x267: {  	v3 =	vadd.f32 $1.000000000e+00, v3;
	_ =	sdelay $0x1  }
0x268: {  	(erf) = vrcp.f32 v3;
	_ =	sdelay $0x4  }
0x269: {  	v1 =	vld.idx.msk [tilespmem:v1+s0+$0x0], $0xffff;
	_ =	sdelay $0x1  }
0x26a: {  	p0 =	sne.s32 s17, $0x100  }
.Ltmp8:
0x26b: {  	_ = 	snop;
	(pc) =	sbr.rel @p0 .LBB2_18-.Ltmp8, $3  }
0x26c: {  	v3 =	vpop (erf)  }
0x26d: {  	v1 =	vmul.f32 v3, v1;
	_ =	sdelay $0x1  }
0x26e: {  	s17 =	sadd.s32 $0x40, s17;
	[tilespmem:v2+s9+$0x0] =	vst.idx.add.f32.msk $0xffff, v1  }
0x26f: {  	s13 =	simm.s32 $0x0  }
0x270: {  	[hbm4b:s26+s13] =	stream.linear.scatter [tilespmem:s9], [sflag:$0x4], $0x2800, $0x38;
	[tilespmem:$0x18E80] =	vst v63  }
0x271: {  	_ =	swait.ge [sflag:s10], $0x2800  }
0x272: {  	[sflag:s10] =	ssyncset.done $0x0  }
0x273: {  	[sflag:s10] =	ssyncadd.s32 $0xFFFFD800  }
0x274: {  	_ =	swait.ge [sflag:s11], $0x2800  }
0x275: {  	[sflag:s11] =	ssyncset.done $0x0  }
0x276: {  	[sflag:s11] =	ssyncadd.s32 $0xFFFFD800  }
0x277: {  	_ =	swait.ge [sflag:s11], $0x2800  }
0x278: {  	[sflag:s11] =	ssyncset.done $0x0  }
0x279: {  	[sflag:s11] =	ssyncadd.s32 $0xFFFFD800  }
0x27a: {  	_ =	swait.ge [sflag:s11], $0x2800  }
0x27b: {  	[sflag:s11] =	ssyncset.done $0x0  }
0x27c: {  	[sflag:s11] =	ssyncadd.s32 $0xFFFFD800  }
0x27d: {  	_ =	swait.ge [sflag:s11], $0x2710  }
0x27e: {  	[sflag:s11] =	ssyncset.done $0x0  }
0x27f: {  	[sflag:s11] =	ssyncadd.s32 $0xFFFFD8F0  }
0x280: {  	[tilespmem:s31], [sflag:$0x2] =	stream.linear.gather [hbm4b:s20+s13], $0x2800, $0x38;
	[tilespmem:$0x18E80] =	vst v63  }
0x281: {  	_ = 	snop  }
0x282: {  	[tilespmem:s1], [sflag:$0x2] =	stream.linear.gather [hbm4b:s21+s13], $0x2800, $0x38;
	[tilespmem:$0x18E80] =	vst v63  }
0x283: {  	_ = 	snop  }
0x284: {  	[tilespmem:s0], [sflag:$0x2] =	stream.linear.gather [hbm4b:s22+s13], $0x2800, $0x38;
	[tilespmem:$0x18E80] =	vst v63  }
0x285: {  	s14 =	simm.s32 $0x0;
	s15 =	simm.s32 $0x200  }
0x286: {  	[tilespmem:s3], [sflag:$0x2] =	stream.linear.gather [hbm4b:s24+s13], $0x2710, $0x38;
	[tilespmem:$0x18E80] =	vst v63  }
.LBB2_20:
0x287: {  	p0 =	sne.s32 s15, $0x9E00;
	[tilespmem:s14+$0x166F0] =	vst v0  }
0x288: {  	[tilespmem:s14+$0x16680] =	vst v0  }
0x289: {  	[tilespmem:s14+$0x16690] =	vst v0  }
.Ltmp9:
0x28a: {  	[tilespmem:s14+$0x166A0] =	vst v0;
	(pc) =	sbr.rel @p0 .LBB2_20-.Ltmp9, $4  }
0x28b: {  	[tilespmem:s14+$0x166B0] =	vst v0  }
0x28c: {  	[tilespmem:s14+$0x166C0] =	vst v0  }
0x28d: {  	[tilespmem:s14+$0x166D0] =	vst v0  }
0x28e: {  	[tilespmem:s14+$0x166E0] =	vst v0;
	s14 =	sshra.s32 s15, $0x2;
	s15 =	sadd.s32 $0x200, s15  }
0x28f: {  	[tilespmem:s14+$0x166F0] =	vst v0  }
0x290: {  	[tilespmem:s14+$0x16680] =	vst v0  }
0x291: {  	[tilespmem:s14+$0x16690] =	vst v0  }
0x292: {  	[tilespmem:s14+$0x166A0] =	vst v0  }
0x293: {  	[tilespmem:s14+$0x166B0] =	vst v0  }
0x294: {  	[tilespmem:s14+$0x166C0] =	vst v0  }
0x295: {  	[tilespmem:s14+$0x166D0] =	vst v0  }
0x296: {  	[tilespmem:s14+$0x166E0] =	vst v0;
	s17 =	simm.s32 $0x50  }
0x297: {  	v1 =	vld [tilespmem:s17+$0x40]  }
0x298: {  	s15 =	sand.u32 $0x3FE0, s13;
	v2 =	vld [tilespmem:s17+$0xFFFFFFC0]  }
0x299: {  	v3 =	vld [tilespmem:s15+$0x80]  }
0x29a: {  	v4 =	vld [tilespmem:s17+$0xFFFFFFD0]  }
0x29b: {  	v6 =	vld [tilespmem:s17+$0xFFFFFFE0]  }
0x29c: {  	v7 =	vld [tilespmem:s17+$0xFFFFFFF0]  }
0x29d: {  	v8 =	vld [tilespmem:s17+$0x0];
	v17 =	vand.u32 $0xFFFF, v1  }
0x29e: {  	v9 =	vld [tilespmem:s17+$0x10];
	v11 =	vshrl.u32 v1, $0x10  }
0x29f: {  	s14 =	simm.s32 $0x13F50;
	v10 =	vld [tilespmem:s17+$0x20];
	v18 =	vand.u32 $0xFFFF, v3  }
0x2a0: {  	v20 =	vld [tilespmem:s14+$0x40];
	v12 =	vshrl.u32 v3, $0x10  }
0x2a1: {  	v24 =	vld [tilespmem:s15+$0x13F80]  }
0x2a2: {  	v13 =	vld.idx.msk [tilespmem:v17+s6+$0x0], $0xffff  }
0x2a3: {  	v14 =	vld.idx.msk [tilespmem:v11+s7+$0x0], $0xffff  }
0x2a4: {  	v16 =	vld.idx.msk [tilespmem:v18+s6+$0x0], $0xffff  }
0x2a5: {  	v1 =	vand.u32 $0xFFFF, v2;
	v19 =	vld.idx.msk [tilespmem:v12+s7+$0x0], $0xffff  }
0x2a6: {  	v36 =	vld [tilespmem:s14+$0xFFFFFFC0];
	v15 =	vshrl.u32 v2, $0x10  }
0x2a7: {  	v3 =	vld [tilespmem:s17+$0xFFFFFFB0];
	v23 =	vshrl.u32 v4, $0x10  }
0x2a8: {  	v48 =	vld [tilespmem:s14+$0xFFFFFFD0];
	v26 =	vshrl.u32 v6, $0x10  }
0x2a9: {  	v52 =	vld [tilespmem:s14+$0xFFFFFFF0];
	v47 =	vshrl.u32 v8, $0x10;
	v13 =	vadd.f32 v14, v13  }
0x2aa: {  	v31 =	vshrl.u32 v9, $0x10;
	v22 =	vld.idx.msk [tilespmem:v1+s6+$0x0], $0xffff;
	v16 =	vadd.f32 v19, v16  }
0x2ab: {  	v2 =	vand.u32 $0xFFFF, v4;
	v25 =	vld.idx.msk [tilespmem:v15+s7+$0x0], $0xffff;
	v13 =	vadd.f32 v20, v13  }
0x2ac: {  	v5 =	vand.u32 $0xFFFF, v3;
	v28 =	vld.idx.msk [tilespmem:v23+s7+$0x0], $0xffff;
	v16 =	vadd.f32 v24, v16  }
0x2ad: {  	v21 =	vshrl.u32 v3, $0x10;
	v30 =	vld.idx.msk [tilespmem:v26+s7+$0x0], $0xffff;
	v13 =	vsub.f32 $0.0e+00, v13  }
0x2ae: {  	v3 =	vand.u32 $0xFFFF, v6;
	v6 =	vand.u32 $0xFFFF, v8;
	v32 =	vld.idx.msk [tilespmem:v47+s7+$0x0], $0xffff;
	v8 =	vsub.f32 $0.0e+00, v16  }
0x2af: {  	v35 =	vld.idx.msk [tilespmem:v31+s7+$0x0], $0xffff;
	v13 =	vmul.f32 $1.442695020e+00, v13  }
0x2b0: {  	v4 =	vand.u32 $0xFFFF, v7;
	v14 =	vld.idx.msk [tilespmem:v2+s6+$0x0], $0xffff;
	v8 =	vmul.f32 $1.442695020e+00, v8  }
0x2b1: {  	v27 =	vld.idx.msk [tilespmem:v5+s6+$0x0], $0xffff;
	v19 =	vshrl.u32 v7, $0x10;
	(erf) = vpow2.f32 v13  }
0x2b2: {  	v20 =	vld.idx.msk [tilespmem:v21+s7+$0x0], $0xffff;
	(erf) = vpow2.f32 v8  }
0x2b3: {  	v29 =	vld.idx.msk [tilespmem:v3+s6+$0x0], $0xffff;
	v7 =	vand.u32 $0xFFFF, v9  }
0x2b4: {  	v34 =	vshrl.u32 v10, $0x10;
	v8 =	vand.u32 $0xFFFF, v10;
	v10 =	vld [tilespmem:s14+$0xFFFFFFB0]  }
0x2b5: {  	v22 =	vadd.f32 v25, v22;
	v16 =	vld.idx.msk [tilespmem:v4+s6+$0x0], $0xffff  }
0x2b6: {  	v9 =	vld.idx.msk [tilespmem:v19+s7+$0x0], $0xffff  }
0x2b7: {  	v22 =	vadd.f32 v36, v22;
	v20 =	vadd.f32 v20, v27;
	v13 =	vld.idx.msk [tilespmem:v6+s6+$0x0], $0xffff  }
0x2b8: {  	v33 =	vld.idx.msk [tilespmem:v7+s6+$0x0], $0xffff  }
0x2b9: {  	v22 =	vsub.f32 $0.0e+00, v22;
	v10 =	vadd.f32 v10, v20;
	v20 =	vld [tilespmem:s14+$0xFFFFFFE0]  }
0x2ba: {  	v54 =	vld [tilespmem:s14+$0x0];
	v14 =	vadd.f32 v28, v14;
	v49 =	vadd.f32 v30, v29;
	v51 =	vpop (erf)  }
0x2bb: {  	v55 =	vld [tilespmem:s14+$0x10];
	v9 =	vadd.f32 v9, v16;
	v29 =	vadd.f32 $1.000000000e+00, v51;
	v53 =	vpop (erf)  }
0x2bc: {  	v16 =	vld.idx.msk [tilespmem:v34+s7+$0x0], $0xffff;
	v13 =	vadd.f32 v32, v13;
	v32 =	vadd.f32 $1.000000000e+00, v53  }
0x2bd: {  	v14 =	vadd.f32 v48, v14;
	v50 =	vld.idx.msk [tilespmem:v8+s6+$0x0], $0xffff;
	v10 =	vsub.f32 $0.0e+00, v10;
	(erf) = vrcp.f32 v29  }
0x2be: {  	v56 =	vadd.f32 v35, v33;
	v20 =	vadd.f32 v20, v49;
	(erf) = vrcp.f32 v32  }
0x2bf: {  	v57 =	vld [tilespmem:s14+$0x20];
	v58 =	vadd.f32 v52, v9;
	v13 =	vadd.f32 v54, v13;
	v10 =	vmul.f32 $1.442695020e+00, v10  }
0x2c0: {  	v9 =	vld.idx.msk [tilespmem:v15+s8+$0x0], $0xffff;
	v15 =	vsub.f32 $0.0e+00, v20;
	v20 =	vadd.f32 v55, v56  }
0x2c1: {  	v14 =	vsub.f32 $0.0e+00, v14;
	v13 =	vsub.f32 $0.0e+00, v13;
	(erf) = vpow2.f32 v10  }
0x2c2: {  	v22 =	vmul.f32 $1.442695020e+00, v22;
	v16 =	vadd.f32 v16, v50;
	v20 =	vsub.f32 $0.0e+00, v20  }
0x2c3: {  	v14 =	vmul.f32 $1.442695020e+00, v14;
	v60 =	vmul.f32 $1.442695020e+00, v13;
	v10 =	vld.idx.msk [tilespmem:v21+s8+$0x0], $0xffff;
	v21 =	vsub.f32 $0.0e+00, v58  }
0x2c4: {  	v16 =	vadd.f32 v57, v16;
	(erf) = vpow2.f32 v22;
	v15 =	vmul.f32 $1.442695020e+00, v15  }
0x2c5: {  	v11 =	vld.idx.msk [tilespmem:v11+s8+$0x0], $0xffff;
	(erf) = vpow2.f32 v14;
	v21 =	vmul.f32 $1.442695020e+00, v21  }
0x2c6: {  	v13 =	vld.idx.msk [tilespmem:v19+s8+$0x0], $0xffff;
	v16 =	vsub.f32 $0.0e+00, v16;
	v19 =	vmul.f32 $1.442695020e+00, v20;
	(erf) = vpow2.f32 v15;
	v20 =	vpop (erf)  }
0x2c7: {  	v59 =	vld.idx.msk [tilespmem:v12+s8+$0x0], $0xffff;
	v62 =	vpop (erf);
	(erf) = vpow2.f32 v21  }
0x2c8: {  	v12 =	vld.idx.msk [tilespmem:v26+s8+$0x0], $0xffff;
	v61 =	vmul.f32 $1.442695020e+00, v16;
	(erf) = vpow2.f32 v60  }
0x2c9: {  	v14 =	vld.idx.msk [tilespmem:v23+s8+$0x0], $0xffff;
	(erf) = vpow2.f32 v19  }
0x2ca: {  	v15 =	vld.idx.msk [tilespmem:v47+s8+$0x0], $0xffff;
	v63 =	vpop (erf);
	(erf) = vpow2.f32 v61  }
0x2cb: {  	v16 =	vld.idx.msk [tilespmem:v31+s8+$0x0], $0xffff;
	v20 =	vmul.f32 v20, v11;
	v19 =	vadd.f32 $1.000000000e+00, v63  }
0x2cc: {  	v11 =	vld.idx.msk [tilespmem:v34+s8+$0x0], $0xffff;
	v22 =	vmul.f32 v62, v59  }
0x2cd: {  	[tilespmem:v17+s9+$0x0] =	vst.idx.add.f32.msk $0xffff, v20;
	v17 =	vpop (erf);
	(erf) = vrcp.f32 v19  }
0x2ce: {  	s16 =	simm.s32 $0xF0;
	s15 =	simm.s32 $0x0;
	[tilespmem:v18+s9+$0x0] =	vst.idx.add.f32.msk $0xffff, v22;
	v17 =	vadd.f32 $1.000000000e+00, v17;
	v18 =	vpop (erf)  }
.LBB2_22:
0x2cf: {  	v19 =	vld [tilespmem:s16+$0x40];
	v21 =	vadd.f32 $1.000000000e+00, v18;
	s13 =	sadd.s32 $0xA0, s13;
	v20 =	vpop (erf)  }
0x2d0: {  	v22 =	vld [tilespmem:s16+$0xFFFFFFC0];
	s17 =	sand.u32 $0x3FE0, s13;
	v25 =	vadd.f32 $1.000000000e+00, v20;
	(erf) = vrcp.f32 v17;
	v17 =	vpop (erf)  }
0x2d1: {  	s15 =	sadd.s32 $0xA, s15;
	v23 =	vld [tilespmem:s17+$0x80];
	v27 =	vadd.f32 $1.000000000e+00, v17;
	(erf) = vrcp.f32 v21;
	v18 =	vpop (erf)  }
0x2d2: {  	p0 =	slt.u32 s15, $0x262;
	v24 =	vld [tilespmem:s16+$0xFFFFFFD0];
	v18 =	vadd.f32 $1.000000000e+00, v18;
	(erf) = vrcp.f32 v25;
	v20 =	vpop (erf)  }
0x2d3: {  	v26 =	vld [tilespmem:s16+$0xFFFFFFE0];
	v20 =	vadd.f32 $1.000000000e+00, v20;
	(erf) = vrcp.f32 v27;
	v17 =	vpop (erf)  }
0x2d4: {  	v27 =	vld [tilespmem:s16+$0xFFFFFFF0];
	v21 =	vand.u32 $0xFFFF, v19;
	v28 =	vadd.f32 $1.000000000e+00, v17;
	(erf) = vrcp.f32 v18  }
0x2d5: {  	v37 =	vshrl.u32 v19, $0x10;
	v42 =	vshrl.u32 v22, $0x10;
	v17 =	vand.u32 $0xFFFF, v22;
	v22 =	vld [tilespmem:s16+$0x0]  }
0x2d6: {  	v29 =	vld [tilespmem:s16+$0x10];
	v25 =	vand.u32 $0xFFFF, v23;
	v30 =	vpop (erf);
	(erf) = vrcp.f32 v20  }
0x2d7: {  	v43 =	vshrl.u32 v23, $0x10;
	v35 =	vshrl.u32 v24, $0x10;
	v18 =	vand.u32 $0xFFFF, v24;
	v24 =	vld [tilespmem:s16+$0x20]  }
0x2d8: {  	v31 =	vld [tilespmem:s16+$0xFFFFFFB0];
	v38 =	vshrl.u32 v26, $0x10;
	v19 =	vand.u32 $0xFFFF, v26;
	(erf) = vrcp.f32 v28  }
0x2d9: {  	v26 =	vmul.f32 v30, v10;
	v36 =	vshrl.u32 v27, $0x10;
	v20 =	vand.u32 $0xFFFF, v27;
	v33 =	vld.idx.msk [tilespmem:v21+s6+$0x0], $0xffff;
	v10 =	vpop (erf)  }
0x2da: {  	v39 =	vshrl.u32 v22, $0x10;
	v22 =	vand.u32 $0xFFFF, v22;
	v44 =	vld.idx.msk [tilespmem:v37+s7+$0x0], $0xffff;
	v27 =	vmul.f32 v10, v9;
	v9 =	vpop (erf)  }
0x2db: {  	v40 =	vshrl.u32 v29, $0x10;
	v23 =	vand.u32 $0xFFFF, v29;
	v10 =	vld.idx.msk [tilespmem:v25+s6+$0x0], $0xffff;
	v28 =	vmul.f32 v9, v14;
	v9 =	vpop (erf)  }
0x2dc: {  	v41 =	vshrl.u32 v24, $0x10;
	v24 =	vand.u32 $0xFFFF, v24;
	v14 =	vld.idx.msk [tilespmem:v43+s7+$0x0], $0xffff;
	v29 =	vmul.f32 v9, v12;
	v9 =	vpop (erf)  }
0x2dd: {  	s14 =	sadd.s32 $0xA0, s14;
	v12 =	vshrl.u32 v31, $0x10;
	v34 =	vand.u32 $0xFFFF, v31;
	v45 =	vld.idx.msk [tilespmem:v17+s6+$0x0], $0xffff;
	v30 =	vmul.f32 v9, v13;
	v9 =	vpop (erf)  }
0x2de: {  	v13 =	vld [tilespmem:s14+$0x40];
	v31 =	vmul.f32 v9, v15  }
0x2df: {  	v9 =	vld [tilespmem:s17+$0x13F80];
	v15 =	vpop (erf)  }
0x2e0: {  	v46 =	vld.idx.msk [tilespmem:v42+s7+$0x0], $0xffff;
	v32 =	vmul.f32 v15, v16  }
0x2e1: {  	v16 =	vadd.f32 v44, v33;
	v15 =	vld.idx.msk [tilespmem:v18+s6+$0x0], $0xffff;
	v33 =	vpop (erf)  }
0x2e2: {  	v10 =	vadd.f32 v14, v10;
	v44 =	vld.idx.msk [tilespmem:v34+s6+$0x0], $0xffff;
	v33 =	vmul.f32 v33, v11  }
0x2e3: {  	v11 =	vld.idx.msk [tilespmem:v12+s7+$0x0], $0xffff;
	v13 =	vadd.f32 v13, v16  }
0x2e4: {  	v14 =	vld.idx.msk [tilespmem:v35+s7+$0x0], $0xffff;
	v9 =	vadd.f32 v9, v10  }
0x2e5: {  	v10 =	vld.idx.msk [tilespmem:v19+s6+$0x0], $0xffff;
	v13 =	vsub.f32 $0.0e+00, v13  }
0x2e6: {  	v16 =	vadd.f32 v46, v45;
	v45 =	vld.idx.msk [tilespmem:v38+s7+$0x0], $0xffff;
	v9 =	vsub.f32 $0.0e+00, v9  }
0x2e7: {  	v46 =	vld.idx.msk [tilespmem:v20+s6+$0x0], $0xffff;
	v13 =	vmul.f32 $1.442695020e+00, v13  }
0x2e8: {  	v47 =	vld.idx.msk [tilespmem:v36+s7+$0x0], $0xffff;
	v9 =	vmul.f32 $1.442695020e+00, v9  }
0x2e9: {  	v11 =	vadd.f32 v11, v44;
	v44 =	vld.idx.msk [tilespmem:v22+s6+$0x0], $0xffff;
	(erf) = vpow2.f32 v13  }
0x2ea: {  	v13 =	vadd.f32 v14, v15;
	v14 =	vld.idx.msk [tilespmem:v39+s7+$0x0], $0xffff;
	(erf) = vpow2.f32 v9  }
0x2eb: {  	v9 =	vld.idx.msk [tilespmem:v23+s6+$0x0], $0xffff  }
0x2ec: {  	v15 =	vadd.f32 v45, v10;
	v10 =	vld.idx.msk [tilespmem:v40+s7+$0x0], $0xffff  }
0x2ed: {  	v45 =	vld.idx.msk [tilespmem:v24+s6+$0x0], $0xffff  }
0x2ee: {  	v46 =	vadd.f32 v47, v46;
	v47 =	vld.idx.msk [tilespmem:v41+s7+$0x0], $0xffff  }
0x2ef: {  	v48 =	vld [tilespmem:s14+$0xFFFFFFB0]  }
0x2f0: {  	v14 =	vadd.f32 v14, v44;
	v49 =	vld [tilespmem:s14+$0xFFFFFFC0]  }
0x2f1: {  	v44 =	vld [tilespmem:s14+$0xFFFFFFD0]  }
0x2f2: {  	v51 =	vadd.f32 v10, v9;
	v50 =	vld [tilespmem:s14+$0xFFFFFFE0];
	v9 =	vpop (erf)  }
0x2f3: {  	v52 =	vld [tilespmem:s14+$0xFFFFFFF0];
	v9 =	vadd.f32 $1.000000000e+00, v9;
	v10 =	vpop (erf)  }
0x2f4: {  	v45 =	vadd.f32 v47, v45;
	v53 =	vld [tilespmem:s14+$0x0];
	v10 =	vadd.f32 $1.000000000e+00, v10  }
0x2f5: {  	v11 =	vadd.f32 v48, v11;
	v16 =	vadd.f32 v49, v16;
	v47 =	vld [tilespmem:s14+$0x10];
	(erf) = vrcp.f32 v9  }
0x2f6: {  	v13 =	vadd.f32 v44, v13;
	v44 =	vld [tilespmem:s14+$0x20];
	(erf) = vrcp.f32 v10  }
0x2f7: {  	v11 =	vsub.f32 $0.0e+00, v11;
	v10 =	vld.idx.msk [tilespmem:v12+s8+$0x0], $0xffff;
	v12 =	vadd.f32 v50, v15  }
0x2f8: {  	v15 =	vsub.f32 $0.0e+00, v16;
	v9 =	vld.idx.msk [tilespmem:v42+s8+$0x0], $0xffff;
	v16 =	vadd.f32 v52, v46  }
0x2f9: {  	v11 =	vmul.f32 $1.442695020e+00, v11;
	v13 =	vsub.f32 $0.0e+00, v13;
	v42 =	vadd.f32 v53, v14;
	v37 =	vld.idx.msk [tilespmem:v37+s8+$0x0], $0xffff  }
0x2fa: {  	v46 =	vmul.f32 $1.442695020e+00, v15;
	v15 =	vsub.f32 $0.0e+00, v12;
	v47 =	vadd.f32 v47, v51;
	v43 =	vld.idx.msk [tilespmem:v43+s8+$0x0], $0xffff  }
0x2fb: {  	v16 =	vsub.f32 $0.0e+00, v16;
	v14 =	vld.idx.msk [tilespmem:v35+s8+$0x0], $0xffff;
	v35 =	vmul.f32 $1.442695020e+00, v13;
	v44 =	vadd.f32 v44, v45  }
0x2fc: {  	v42 =	vsub.f32 $0.0e+00, v42;
	v12 =	vld.idx.msk [tilespmem:v38+s8+$0x0], $0xffff;
	v38 =	vmul.f32 $1.442695020e+00, v15;
	v45 =	vsub.f32 $0.0e+00, v47  }
0x2fd: {  	v13 =	vld.idx.msk [tilespmem:v36+s8+$0x0], $0xffff;
	v36 =	vmul.f32 $1.442695020e+00, v16;
	v47 =	vsub.f32 $0.0e+00, v44;
	(erf) = vpow2.f32 v11  }
0x2fe: {  	v15 =	vld.idx.msk [tilespmem:v39+s8+$0x0], $0xffff;
	v39 =	vmul.f32 $1.442695020e+00, v42;
	v42 =	vmul.f32 $1.442695020e+00, v45;
	v11 =	vpop (erf)  }
0x2ff: {  	v16 =	vld.idx.msk [tilespmem:v40+s8+$0x0], $0xffff;
	v40 =	vmul.f32 $1.442695020e+00, v47;
	v37 =	vmul.f32 v11, v37;
	v44 =	vpop (erf)  }
0x300: {  	v11 =	vld.idx.msk [tilespmem:v41+s8+$0x0], $0xffff;
	v41 =	vmul.f32 v44, v43;
	(erf) = vpow2.f32 v46  }
0x301: {  	[tilespmem:v21+s9+$0x0] =	vst.idx.add.f32.msk $0xffff, v37;
	(erf) = vpow2.f32 v35  }
0x302: {  	s17 =	simm.s32 $0x0;
	[tilespmem:v25+s9+$0x0] =	vst.idx.add.f32.msk $0xffff, v41;
	(erf) = vpow2.f32 v38  }
0x303: {  	(erf) = vpow2.f32 v36;
	[tilespmem:v5+s9+$0x0] =	vst.idx.add.f32.msk $0xffff, v26;
	v5 =	vmov v34  }
0x304: {  	(erf) = vpow2.f32 v39;
	[tilespmem:v1+s9+$0x0] =	vst.idx.add.f32.msk $0xffff, v27;
	v1 =	vmov v17  }
0x305: {  	(erf) = vpow2.f32 v42;
	[tilespmem:v2+s9+$0x0] =	vst.idx.add.f32.msk $0xffff, v28;
	v2 =	vmov v18  }
.Ltmp10:
0x306: {  	v17 =	vpop (erf);
	(erf) = vpow2.f32 v40;
	[tilespmem:v3+s9+$0x0] =	vst.idx.add.f32.msk $0xffff, v29;
	v3 =	vmov v19;
	(pc) =	sbr.rel @p0 .LBB2_22-.Ltmp10, $4  }
0x307: {  	v19 =	vadd.f32 $1.000000000e+00, v17;
	[tilespmem:v4+s9+$0x0] =	vst.idx.add.f32.msk $0xffff, v30;
	v4 =	vmov v20  }
0x308: {  	[tilespmem:v6+s9+$0x0] =	vst.idx.add.f32.msk $0xffff, v31;
	v6 =	vmov v22  }
0x309: {  	(erf) = vrcp.f32 v19;
	v17 =	vpop (erf);
	[tilespmem:v7+s9+$0x0] =	vst.idx.add.f32.msk $0xffff, v32;
	v7 =	vmov v23  }
0x30a: {  	s16 =	sadd.s32 $0xA0, s16;
	v17 =	vadd.f32 $1.000000000e+00, v17;
	v18 =	vpop (erf);
	[tilespmem:v8+s9+$0x0] =	vst.idx.add.f32.msk $0xffff, v33;
	v8 =	vmov v24  }
0x30b: {  	v18 =	vadd.f32 $1.000000000e+00, v18;
	v19 =	vpop (erf)  }
0x30c: {  	v19 =	vadd.f32 $1.000000000e+00, v19;
	(erf) = vrcp.f32 v17;
	v51 =	vpop (erf)  }
0x30d: {  	v17 =	vadd.f32 $1.000000000e+00, v51;
	(erf) = vrcp.f32 v18;
	v52 =	vpop (erf)  }
0x30e: {  	v18 =	vadd.f32 $1.000000000e+00, v52;
	(erf) = vrcp.f32 v19;
	v53 =	vpop (erf)  }
0x30f: {  	v19 =	vadd.f32 $1.000000000e+00, v53;
	(erf) = vrcp.f32 v17;
	v54 =	vpop (erf)  }
0x310: {  	v17 =	vadd.f32 $1.000000000e+00, v54;
	(erf) = vrcp.f32 v18  }
0x311: {  	(erf) = vrcp.f32 v19  }
0x312: {  	(erf) = vrcp.f32 v17;
	_ =	sdelay $0x1  }
0x313: {  	v55 =	vpop (erf)  }
0x314: {  	v10 =	vmul.f32 v55, v10;
	v56 =	vpop (erf)  }
0x315: {  	v9 =	vmul.f32 v56, v9;
	v57 =	vpop (erf)  }
0x316: {  	[tilespmem:v5+s9+$0x0] =	vst.idx.add.f32.msk $0xffff, v10;
	v14 =	vmul.f32 v57, v14;
	v58 =	vpop (erf)  }
0x317: {  	v59 =	vmul.f32 v58, v12;
	v60 =	vpop (erf);
	[tilespmem:v1+s9+$0x0] =	vst.idx.add.f32.msk $0xffff, v9  }
0x318: {  	v1 =	vmul.f32 v60, v13;
	v61 =	vpop (erf);
	[tilespmem:v2+s9+$0x0] =	vst.idx.add.f32.msk $0xffff, v14  }
0x319: {  	v2 =	vmul.f32 v61, v15;
	v62 =	vpop (erf);
	[tilespmem:v3+s9+$0x0] =	vst.idx.add.f32.msk $0xffff, v59  }
0x31a: {  	v3 =	vmul.f32 v62, v16;
	v63 =	vpop (erf);
	[tilespmem:v4+s9+$0x0] =	vst.idx.add.f32.msk $0xffff, v1  }
0x31b: {  	v1 =	vmul.f32 v63, v11;
	[tilespmem:v6+s9+$0x0] =	vst.idx.add.f32.msk $0xffff, v2  }
0x31c: {  	[tilespmem:v7+s9+$0x0] =	vst.idx.add.f32.msk $0xffff, v3  }
0x31d: {  	[tilespmem:v8+s9+$0x0] =	vst.idx.add.f32.msk $0xffff, v1  }
.LBB2_24:
0x31e: {  	s13 =	sshra.s32 s17, $0x2  }
0x31f: {  	v1 =	vld [tilespmem:s13+$0x26C0];
	_ =	sdelay $0x4  }
0x320: {  	v2 =	vand.u32 $0xFFFF, v1  }
0x321: {  	v1 =	vshrl.u32 v1, $0x10;
	_ =	sdelay $0x3  }
0x322: {  	v3 =	vld.idx.msk [tilespmem:v2+s6+$0x0], $0xffff  }
0x323: {  	v4 =	vld.idx.msk [tilespmem:v1+s7+$0x0], $0xffff;
	_ =	sdelay $0x1  }
0x324: {  	v5 =	vld [tilespmem:s13+$0x165C0];
	_ =	sdelay $0x2  }
0x325: {  	v3 =	vadd.f32 v4, v3;
	_ =	sdelay $0x1  }
0x326: {  	v3 =	vadd.f32 v5, v3;
	_ =	sdelay $0x1  }
0x327: {  	v3 =	vsub.f32 $0.0e+00, v3;
	_ =	sdelay $0x1  }
0x328: {  	v3 =	vmul.f32 $1.442695020e+00, v3;
	_ =	sdelay $0x1  }
0x329: {  	(erf) = vpow2.f32 v3;
	_ =	sdelay $0x8  }
0x32a: {  	v3 =	vpop (erf)  }
0x32b: {  	v3 =	vadd.f32 $1.000000000e+00, v3;
	_ =	sdelay $0x1  }
0x32c: {  	(erf) = vrcp.f32 v3;
	_ =	sdelay $0x4  }
0x32d: {  	v1 =	vld.idx.msk [tilespmem:v1+s8+$0x0], $0xffff;
	_ =	sdelay $0x1  }
0x32e: {  	p0 =	sne.s32 s17, $0x100  }
.Ltmp11:
0x32f: {  	_ = 	snop;
	(pc) =	sbr.rel @p0 .LBB2_24-.Ltmp11, $3  }
0x330: {  	v3 =	vpop (erf)  }
0x331: {  	v1 =	vmul.f32 v3, v1;
	_ =	sdelay $0x1  }
0x332: {  	s17 =	sadd.s32 $0x40, s17;
	[tilespmem:v2+s9+$0x0] =	vst.idx.add.f32.msk $0xffff, v1  }
0x333: {  	s13 =	simm.s32 $0x0  }
0x334: {  	[hbm4b:s28+s13] =	stream.linear.scatter [tilespmem:s9], [sflag:$0x4], $0x2800, $0x38;
	[tilespmem:$0x18E80] =	vst v63  }
0x335: {  	_ =	swait.ge [sflag:s10], $0x2800  }
0x336: {  	[sflag:s10] =	ssyncset.done $0x0  }
0x337: {  	[sflag:s10] =	ssyncadd.s32 $0xFFFFD800  }
0x338: {  	_ =	swait.ge [sflag:s5], $0x2800  }
0x339: {  	[sflag:s5] =	ssyncset.done $0x0  }
0x33a: {  	[sflag:s5] =	ssyncadd.s32 $0xFFFFD800  }
0x33b: {  	_ =	swait.ge [sflag:s5], $0x2800  }
0x33c: {  	[sflag:s5] =	ssyncset.done $0x0  }
0x33d: {  	[sflag:s5] =	ssyncadd.s32 $0xFFFFD800  }
0x33e: {  	_ =	swait.ge [sflag:s5], $0x2800  }
0x33f: {  	[sflag:s5] =	ssyncset.done $0x0  }
0x340: {  	[sflag:s5] =	ssyncadd.s32 $0xFFFFD800  }
0x341: {  	_ =	swait.ge [sflag:s5], $0x2710  }
0x342: {  	[sflag:s5] =	ssyncset.done $0x0  }
0x343: {  	s14 =	simm.s32 $0x0;
	s15 =	simm.s32 $0x200;
	[sflag:s5] =	ssyncadd.s32 $0xFFFFD8F0  }
.LBB2_26:
0x344: {  	p0 =	sne.s32 s15, $0x9E00;
	[tilespmem:s14+$0x166F0] =	vst v0  }
0x345: {  	[tilespmem:s14+$0x16680] =	vst v0  }
0x346: {  	[tilespmem:s14+$0x16690] =	vst v0  }
.Ltmp12:
0x347: {  	[tilespmem:s14+$0x166A0] =	vst v0;
	(pc) =	sbr.rel @p0 .LBB2_26-.Ltmp12, $4  }
0x348: {  	[tilespmem:s14+$0x166B0] =	vst v0  }
0x349: {  	[tilespmem:s14+$0x166C0] =	vst v0  }
0x34a: {  	[tilespmem:s14+$0x166D0] =	vst v0  }
0x34b: {  	[tilespmem:s14+$0x166E0] =	vst v0;
	s14 =	sshra.s32 s15, $0x2;
	s15 =	sadd.s32 $0x200, s15  }
0x34c: {  	[tilespmem:s14+$0x166F0] =	vst v0  }
0x34d: {  	[tilespmem:s14+$0x16680] =	vst v0  }
0x34e: {  	[tilespmem:s14+$0x16690] =	vst v0  }
0x34f: {  	[tilespmem:s14+$0x166A0] =	vst v0  }
0x350: {  	[tilespmem:s14+$0x166B0] =	vst v0  }
0x351: {  	[tilespmem:s14+$0x166C0] =	vst v0  }
0x352: {  	[tilespmem:s14+$0x166D0] =	vst v0  }
0x353: {  	[tilespmem:s14+$0x166E0] =	vst v0;
	s17 =	simm.s32 $0x50  }
0x354: {  	v1 =	vld [tilespmem:s17+$0x40]  }
0x355: {  	s15 =	sand.u32 $0x3FE0, s13;
	v2 =	vld [tilespmem:s17+$0xFFFFFFC0]  }
0x356: {  	v3 =	vld [tilespmem:s15+$0x80]  }
0x357: {  	v4 =	vld [tilespmem:s17+$0xFFFFFFD0]  }
0x358: {  	v6 =	vld [tilespmem:s17+$0xFFFFFFE0]  }
0x359: {  	v7 =	vld [tilespmem:s17+$0xFFFFFFF0]  }
0x35a: {  	v8 =	vld [tilespmem:s17+$0x0];
	v17 =	vand.u32 $0xFFFF, v1  }
0x35b: {  	v9 =	vld [tilespmem:s17+$0x10];
	v11 =	vshrl.u32 v1, $0x10  }
0x35c: {  	s14 =	simm.s32 $0x9FD0;
	v10 =	vld [tilespmem:s17+$0x20];
	v18 =	vand.u32 $0xFFFF, v3  }
0x35d: {  	v20 =	vld [tilespmem:s14+$0x40];
	v12 =	vshrl.u32 v3, $0x10  }
0x35e: {  	v24 =	vld [tilespmem:s15+$0xA000]  }
0x35f: {  	v13 =	vld.idx.msk [tilespmem:v17+s31+$0x0], $0xffff  }
0x360: {  	v14 =	vld.idx.msk [tilespmem:v11+s1+$0x0], $0xffff  }
0x361: {  	v16 =	vld.idx.msk [tilespmem:v18+s31+$0x0], $0xffff  }
0x362: {  	v1 =	vand.u32 $0xFFFF, v2;
	v19 =	vld.idx.msk [tilespmem:v12+s1+$0x0], $0xffff  }
0x363: {  	v36 =	vld [tilespmem:s14+$0xFFFFFFC0];
	v15 =	vshrl.u32 v2, $0x10  }
0x364: {  	v3 =	vld [tilespmem:s17+$0xFFFFFFB0];
	v23 =	vshrl.u32 v4, $0x10  }
0x365: {  	v48 =	vld [tilespmem:s14+$0xFFFFFFD0];
	v26 =	vshrl.u32 v6, $0x10  }
0x366: {  	v52 =	vld [tilespmem:s14+$0xFFFFFFF0];
	v47 =	vshrl.u32 v8, $0x10;
	v13 =	vadd.f32 v14, v13  }
0x367: {  	v31 =	vshrl.u32 v9, $0x10;
	v22 =	vld.idx.msk [tilespmem:v1+s31+$0x0], $0xffff;
	v16 =	vadd.f32 v19, v16  }
0x368: {  	v2 =	vand.u32 $0xFFFF, v4;
	v25 =	vld.idx.msk [tilespmem:v15+s1+$0x0], $0xffff;
	v13 =	vadd.f32 v20, v13  }
0x369: {  	v5 =	vand.u32 $0xFFFF, v3;
	v28 =	vld.idx.msk [tilespmem:v23+s1+$0x0], $0xffff;
	v16 =	vadd.f32 v24, v16  }
0x36a: {  	v21 =	vshrl.u32 v3, $0x10;
	v30 =	vld.idx.msk [tilespmem:v26+s1+$0x0], $0xffff;
	v13 =	vsub.f32 $0.0e+00, v13  }
0x36b: {  	v3 =	vand.u32 $0xFFFF, v6;
	v6 =	vand.u32 $0xFFFF, v8;
	v32 =	vld.idx.msk [tilespmem:v47+s1+$0x0], $0xffff;
	v8 =	vsub.f32 $0.0e+00, v16  }
0x36c: {  	v35 =	vld.idx.msk [tilespmem:v31+s1+$0x0], $0xffff;
	v13 =	vmul.f32 $1.442695020e+00, v13  }
0x36d: {  	v4 =	vand.u32 $0xFFFF, v7;
	v14 =	vld.idx.msk [tilespmem:v2+s31+$0x0], $0xffff;
	v8 =	vmul.f32 $1.442695020e+00, v8  }
0x36e: {  	v27 =	vld.idx.msk [tilespmem:v5+s31+$0x0], $0xffff;
	v19 =	vshrl.u32 v7, $0x10;
	(erf) = vpow2.f32 v13  }
0x36f: {  	v20 =	vld.idx.msk [tilespmem:v21+s1+$0x0], $0xffff;
	(erf) = vpow2.f32 v8  }
0x370: {  	v29 =	vld.idx.msk [tilespmem:v3+s31+$0x0], $0xffff;
	v7 =	vand.u32 $0xFFFF, v9  }
0x371: {  	v34 =	vshrl.u32 v10, $0x10;
	v8 =	vand.u32 $0xFFFF, v10;
	v10 =	vld [tilespmem:s14+$0xFFFFFFB0]  }
0x372: {  	v22 =	vadd.f32 v25, v22;
	v16 =	vld.idx.msk [tilespmem:v4+s31+$0x0], $0xffff  }
0x373: {  	v9 =	vld.idx.msk [tilespmem:v19+s1+$0x0], $0xffff  }
0x374: {  	v22 =	vadd.f32 v36, v22;
	v20 =	vadd.f32 v20, v27;
	v13 =	vld.idx.msk [tilespmem:v6+s31+$0x0], $0xffff  }
0x375: {  	v33 =	vld.idx.msk [tilespmem:v7+s31+$0x0], $0xffff  }
0x376: {  	v22 =	vsub.f32 $0.0e+00, v22;
	v10 =	vadd.f32 v10, v20;
	v20 =	vld [tilespmem:s14+$0xFFFFFFE0]  }
0x377: {  	v54 =	vld [tilespmem:s14+$0x0];
	v14 =	vadd.f32 v28, v14;
	v49 =	vadd.f32 v30, v29;
	v51 =	vpop (erf)  }
0x378: {  	v55 =	vld [tilespmem:s14+$0x10];
	v9 =	vadd.f32 v9, v16;
	v29 =	vadd.f32 $1.000000000e+00, v51;
	v53 =	vpop (erf)  }
0x379: {  	v16 =	vld.idx.msk [tilespmem:v34+s1+$0x0], $0xffff;
	v13 =	vadd.f32 v32, v13;
	v32 =	vadd.f32 $1.000000000e+00, v53  }
0x37a: {  	v14 =	vadd.f32 v48, v14;
	v50 =	vld.idx.msk [tilespmem:v8+s31+$0x0], $0xffff;
	v10 =	vsub.f32 $0.0e+00, v10;
	(erf) = vrcp.f32 v29  }
0x37b: {  	v56 =	vadd.f32 v35, v33;
	v20 =	vadd.f32 v20, v49;
	(erf) = vrcp.f32 v32  }
0x37c: {  	v57 =	vld [tilespmem:s14+$0x20];
	v58 =	vadd.f32 v52, v9;
	v13 =	vadd.f32 v54, v13;
	v10 =	vmul.f32 $1.442695020e+00, v10  }
0x37d: {  	v9 =	vld.idx.msk [tilespmem:v15+s0+$0x0], $0xffff;
	v15 =	vsub.f32 $0.0e+00, v20;
	v20 =	vadd.f32 v55, v56  }
0x37e: {  	v14 =	vsub.f32 $0.0e+00, v14;
	v13 =	vsub.f32 $0.0e+00, v13;
	(erf) = vpow2.f32 v10  }
0x37f: {  	v22 =	vmul.f32 $1.442695020e+00, v22;
	v16 =	vadd.f32 v16, v50;
	v20 =	vsub.f32 $0.0e+00, v20  }
0x380: {  	v14 =	vmul.f32 $1.442695020e+00, v14;
	v60 =	vmul.f32 $1.442695020e+00, v13;
	v10 =	vld.idx.msk [tilespmem:v21+s0+$0x0], $0xffff;
	v21 =	vsub.f32 $0.0e+00, v58  }
0x381: {  	v16 =	vadd.f32 v57, v16;
	(erf) = vpow2.f32 v22;
	v15 =	vmul.f32 $1.442695020e+00, v15  }
0x382: {  	v11 =	vld.idx.msk [tilespmem:v11+s0+$0x0], $0xffff;
	(erf) = vpow2.f32 v14;
	v21 =	vmul.f32 $1.442695020e+00, v21  }
0x383: {  	v13 =	vld.idx.msk [tilespmem:v19+s0+$0x0], $0xffff;
	v16 =	vsub.f32 $0.0e+00, v16;
	v19 =	vmul.f32 $1.442695020e+00, v20;
	(erf) = vpow2.f32 v15;
	v20 =	vpop (erf)  }
0x384: {  	v59 =	vld.idx.msk [tilespmem:v12+s0+$0x0], $0xffff;
	v62 =	vpop (erf);
	(erf) = vpow2.f32 v21  }
0x385: {  	v12 =	vld.idx.msk [tilespmem:v26+s0+$0x0], $0xffff;
	v61 =	vmul.f32 $1.442695020e+00, v16;
	(erf) = vpow2.f32 v60  }
0x386: {  	v14 =	vld.idx.msk [tilespmem:v23+s0+$0x0], $0xffff;
	(erf) = vpow2.f32 v19  }
0x387: {  	v15 =	vld.idx.msk [tilespmem:v47+s0+$0x0], $0xffff;
	v63 =	vpop (erf);
	(erf) = vpow2.f32 v61  }
0x388: {  	v16 =	vld.idx.msk [tilespmem:v31+s0+$0x0], $0xffff;
	v20 =	vmul.f32 v20, v11;
	v19 =	vadd.f32 $1.000000000e+00, v63  }
0x389: {  	v11 =	vld.idx.msk [tilespmem:v34+s0+$0x0], $0xffff;
	v22 =	vmul.f32 v62, v59  }
0x38a: {  	[tilespmem:v17+s9+$0x0] =	vst.idx.add.f32.msk $0xffff, v20;
	v17 =	vpop (erf);
	(erf) = vrcp.f32 v19  }
0x38b: {  	s16 =	simm.s32 $0xF0;
	s15 =	simm.s32 $0x0;
	[tilespmem:v18+s9+$0x0] =	vst.idx.add.f32.msk $0xffff, v22;
	v17 =	vadd.f32 $1.000000000e+00, v17;
	v18 =	vpop (erf)  }
.LBB2_28:
0x38c: {  	v19 =	vld [tilespmem:s16+$0x40];
	v21 =	vadd.f32 $1.000000000e+00, v18;
	s13 =	sadd.s32 $0xA0, s13;
	v20 =	vpop (erf)  }
0x38d: {  	v22 =	vld [tilespmem:s16+$0xFFFFFFC0];
	s17 =	sand.u32 $0x3FE0, s13;
	v25 =	vadd.f32 $1.000000000e+00, v20;
	(erf) = vrcp.f32 v17;
	v17 =	vpop (erf)  }
0x38e: {  	s15 =	sadd.s32 $0xA, s15;
	v23 =	vld [tilespmem:s17+$0x80];
	v27 =	vadd.f32 $1.000000000e+00, v17;
	(erf) = vrcp.f32 v21;
	v18 =	vpop (erf)  }
0x38f: {  	p0 =	slt.u32 s15, $0x262;
	v24 =	vld [tilespmem:s16+$0xFFFFFFD0];
	v18 =	vadd.f32 $1.000000000e+00, v18;
	(erf) = vrcp.f32 v25;
	v20 =	vpop (erf)  }
0x390: {  	v26 =	vld [tilespmem:s16+$0xFFFFFFE0];
	v20 =	vadd.f32 $1.000000000e+00, v20;
	(erf) = vrcp.f32 v27;
	v17 =	vpop (erf)  }
0x391: {  	v27 =	vld [tilespmem:s16+$0xFFFFFFF0];
	v21 =	vand.u32 $0xFFFF, v19;
	v28 =	vadd.f32 $1.000000000e+00, v17;
	(erf) = vrcp.f32 v18  }
0x392: {  	v37 =	vshrl.u32 v19, $0x10;
	v42 =	vshrl.u32 v22, $0x10;
	v17 =	vand.u32 $0xFFFF, v22;
	v22 =	vld [tilespmem:s16+$0x0]  }
0x393: {  	v29 =	vld [tilespmem:s16+$0x10];
	v25 =	vand.u32 $0xFFFF, v23;
	v30 =	vpop (erf);
	(erf) = vrcp.f32 v20  }
0x394: {  	v43 =	vshrl.u32 v23, $0x10;
	v35 =	vshrl.u32 v24, $0x10;
	v18 =	vand.u32 $0xFFFF, v24;
	v24 =	vld [tilespmem:s16+$0x20]  }
0x395: {  	v31 =	vld [tilespmem:s16+$0xFFFFFFB0];
	v38 =	vshrl.u32 v26, $0x10;
	v19 =	vand.u32 $0xFFFF, v26;
	(erf) = vrcp.f32 v28  }
0x396: {  	v26 =	vmul.f32 v30, v10;
	v36 =	vshrl.u32 v27, $0x10;
	v20 =	vand.u32 $0xFFFF, v27;
	v33 =	vld.idx.msk [tilespmem:v21+s31+$0x0], $0xffff;
	v10 =	vpop (erf)  }
0x397: {  	v39 =	vshrl.u32 v22, $0x10;
	v22 =	vand.u32 $0xFFFF, v22;
	v44 =	vld.idx.msk [tilespmem:v37+s1+$0x0], $0xffff;
	v27 =	vmul.f32 v10, v9;
	v9 =	vpop (erf)  }
0x398: {  	v40 =	vshrl.u32 v29, $0x10;
	v23 =	vand.u32 $0xFFFF, v29;
	v10 =	vld.idx.msk [tilespmem:v25+s31+$0x0], $0xffff;
	v28 =	vmul.f32 v9, v14;
	v9 =	vpop (erf)  }
0x399: {  	v41 =	vshrl.u32 v24, $0x10;
	v24 =	vand.u32 $0xFFFF, v24;
	v14 =	vld.idx.msk [tilespmem:v43+s1+$0x0], $0xffff;
	v29 =	vmul.f32 v9, v12;
	v9 =	vpop (erf)  }
0x39a: {  	s14 =	sadd.s32 $0xA0, s14;
	v12 =	vshrl.u32 v31, $0x10;
	v34 =	vand.u32 $0xFFFF, v31;
	v45 =	vld.idx.msk [tilespmem:v17+s31+$0x0], $0xffff;
	v30 =	vmul.f32 v9, v13;
	v9 =	vpop (erf)  }
0x39b: {  	v13 =	vld [tilespmem:s14+$0x40];
	v31 =	vmul.f32 v9, v15  }
0x39c: {  	v9 =	vld [tilespmem:s17+$0xA000];
	v15 =	vpop (erf)  }
0x39d: {  	v46 =	vld.idx.msk [tilespmem:v42+s1+$0x0], $0xffff;
	v32 =	vmul.f32 v15, v16  }
0x39e: {  	v16 =	vadd.f32 v44, v33;
	v15 =	vld.idx.msk [tilespmem:v18+s31+$0x0], $0xffff;
	v33 =	vpop (erf)  }
0x39f: {  	v10 =	vadd.f32 v14, v10;
	v44 =	vld.idx.msk [tilespmem:v34+s31+$0x0], $0xffff;
	v33 =	vmul.f32 v33, v11  }
0x3a0: {  	v11 =	vld.idx.msk [tilespmem:v12+s1+$0x0], $0xffff;
	v13 =	vadd.f32 v13, v16  }
0x3a1: {  	v14 =	vld.idx.msk [tilespmem:v35+s1+$0x0], $0xffff;
	v9 =	vadd.f32 v9, v10  }
0x3a2: {  	v10 =	vld.idx.msk [tilespmem:v19+s31+$0x0], $0xffff;
	v13 =	vsub.f32 $0.0e+00, v13  }
0x3a3: {  	v16 =	vadd.f32 v46, v45;
	v45 =	vld.idx.msk [tilespmem:v38+s1+$0x0], $0xffff;
	v9 =	vsub.f32 $0.0e+00, v9  }
0x3a4: {  	v46 =	vld.idx.msk [tilespmem:v20+s31+$0x0], $0xffff;
	v13 =	vmul.f32 $1.442695020e+00, v13  }
0x3a5: {  	v47 =	vld.idx.msk [tilespmem:v36+s1+$0x0], $0xffff;
	v9 =	vmul.f32 $1.442695020e+00, v9  }
0x3a6: {  	v11 =	vadd.f32 v11, v44;
	v44 =	vld.idx.msk [tilespmem:v22+s31+$0x0], $0xffff;
	(erf) = vpow2.f32 v13  }
0x3a7: {  	v13 =	vadd.f32 v14, v15;
	v14 =	vld.idx.msk [tilespmem:v39+s1+$0x0], $0xffff;
	(erf) = vpow2.f32 v9  }
0x3a8: {  	v9 =	vld.idx.msk [tilespmem:v23+s31+$0x0], $0xffff  }
0x3a9: {  	v15 =	vadd.f32 v45, v10;
	v10 =	vld.idx.msk [tilespmem:v40+s1+$0x0], $0xffff  }
0x3aa: {  	v45 =	vld.idx.msk [tilespmem:v24+s31+$0x0], $0xffff  }
0x3ab: {  	v46 =	vadd.f32 v47, v46;
	v47 =	vld.idx.msk [tilespmem:v41+s1+$0x0], $0xffff  }
0x3ac: {  	v48 =	vld [tilespmem:s14+$0xFFFFFFB0]  }
0x3ad: {  	v14 =	vadd.f32 v14, v44;
	v49 =	vld [tilespmem:s14+$0xFFFFFFC0]  }
0x3ae: {  	v44 =	vld [tilespmem:s14+$0xFFFFFFD0]  }
0x3af: {  	v51 =	vadd.f32 v10, v9;
	v50 =	vld [tilespmem:s14+$0xFFFFFFE0];
	v9 =	vpop (erf)  }
0x3b0: {  	v52 =	vld [tilespmem:s14+$0xFFFFFFF0];
	v9 =	vadd.f32 $1.000000000e+00, v9;
	v10 =	vpop (erf)  }
0x3b1: {  	v45 =	vadd.f32 v47, v45;
	v53 =	vld [tilespmem:s14+$0x0];
	v10 =	vadd.f32 $1.000000000e+00, v10  }
0x3b2: {  	v11 =	vadd.f32 v48, v11;
	v16 =	vadd.f32 v49, v16;
	v47 =	vld [tilespmem:s14+$0x10];
	(erf) = vrcp.f32 v9  }
0x3b3: {  	v13 =	vadd.f32 v44, v13;
	v44 =	vld [tilespmem:s14+$0x20];
	(erf) = vrcp.f32 v10  }
0x3b4: {  	v11 =	vsub.f32 $0.0e+00, v11;
	v10 =	vld.idx.msk [tilespmem:v12+s0+$0x0], $0xffff;
	v12 =	vadd.f32 v50, v15  }
0x3b5: {  	v15 =	vsub.f32 $0.0e+00, v16;
	v9 =	vld.idx.msk [tilespmem:v42+s0+$0x0], $0xffff;
	v16 =	vadd.f32 v52, v46  }
0x3b6: {  	v11 =	vmul.f32 $1.442695020e+00, v11;
	v13 =	vsub.f32 $0.0e+00, v13;
	v42 =	vadd.f32 v53, v14;
	v37 =	vld.idx.msk [tilespmem:v37+s0+$0x0], $0xffff  }
0x3b7: {  	v46 =	vmul.f32 $1.442695020e+00, v15;
	v15 =	vsub.f32 $0.0e+00, v12;
	v47 =	vadd.f32 v47, v51;
	v43 =	vld.idx.msk [tilespmem:v43+s0+$0x0], $0xffff  }
0x3b8: {  	v16 =	vsub.f32 $0.0e+00, v16;
	v14 =	vld.idx.msk [tilespmem:v35+s0+$0x0], $0xffff;
	v35 =	vmul.f32 $1.442695020e+00, v13;
	v44 =	vadd.f32 v44, v45  }
0x3b9: {  	v42 =	vsub.f32 $0.0e+00, v42;
	v12 =	vld.idx.msk [tilespmem:v38+s0+$0x0], $0xffff;
	v38 =	vmul.f32 $1.442695020e+00, v15;
	v45 =	vsub.f32 $0.0e+00, v47  }
0x3ba: {  	v13 =	vld.idx.msk [tilespmem:v36+s0+$0x0], $0xffff;
	v36 =	vmul.f32 $1.442695020e+00, v16;
	v47 =	vsub.f32 $0.0e+00, v44;
	(erf) = vpow2.f32 v11  }
0x3bb: {  	v15 =	vld.idx.msk [tilespmem:v39+s0+$0x0], $0xffff;
	v39 =	vmul.f32 $1.442695020e+00, v42;
	v42 =	vmul.f32 $1.442695020e+00, v45;
	v11 =	vpop (erf)  }
0x3bc: {  	v16 =	vld.idx.msk [tilespmem:v40+s0+$0x0], $0xffff;
	v40 =	vmul.f32 $1.442695020e+00, v47;
	v37 =	vmul.f32 v11, v37;
	v44 =	vpop (erf)  }
0x3bd: {  	v11 =	vld.idx.msk [tilespmem:v41+s0+$0x0], $0xffff;
	v41 =	vmul.f32 v44, v43;
	(erf) = vpow2.f32 v46  }
0x3be: {  	[tilespmem:v21+s9+$0x0] =	vst.idx.add.f32.msk $0xffff, v37;
	(erf) = vpow2.f32 v35  }
0x3bf: {  	s17 =	simm.s32 $0x0;
	[tilespmem:v25+s9+$0x0] =	vst.idx.add.f32.msk $0xffff, v41;
	(erf) = vpow2.f32 v38  }
0x3c0: {  	(erf) = vpow2.f32 v36;
	[tilespmem:v5+s9+$0x0] =	vst.idx.add.f32.msk $0xffff, v26;
	v5 =	vmov v34  }
0x3c1: {  	(erf) = vpow2.f32 v39;
	[tilespmem:v1+s9+$0x0] =	vst.idx.add.f32.msk $0xffff, v27;
	v1 =	vmov v17  }
0x3c2: {  	(erf) = vpow2.f32 v42;
	[tilespmem:v2+s9+$0x0] =	vst.idx.add.f32.msk $0xffff, v28;
	v2 =	vmov v18  }
.Ltmp13:
0x3c3: {  	v17 =	vpop (erf);
	(erf) = vpow2.f32 v40;
	[tilespmem:v3+s9+$0x0] =	vst.idx.add.f32.msk $0xffff, v29;
	v3 =	vmov v19;
	(pc) =	sbr.rel @p0 .LBB2_28-.Ltmp13, $4  }
0x3c4: {  	v19 =	vadd.f32 $1.000000000e+00, v17;
	[tilespmem:v4+s9+$0x0] =	vst.idx.add.f32.msk $0xffff, v30;
	v4 =	vmov v20  }
0x3c5: {  	[tilespmem:v6+s9+$0x0] =	vst.idx.add.f32.msk $0xffff, v31;
	v6 =	vmov v22  }
0x3c6: {  	(erf) = vrcp.f32 v19;
	v17 =	vpop (erf);
	[tilespmem:v7+s9+$0x0] =	vst.idx.add.f32.msk $0xffff, v32;
	v7 =	vmov v23  }
0x3c7: {  	s16 =	sadd.s32 $0xA0, s16;
	v17 =	vadd.f32 $1.000000000e+00, v17;
	v18 =	vpop (erf);
	[tilespmem:v8+s9+$0x0] =	vst.idx.add.f32.msk $0xffff, v33;
	v8 =	vmov v24  }
0x3c8: {  	v18 =	vadd.f32 $1.000000000e+00, v18;
	v19 =	vpop (erf)  }
0x3c9: {  	v19 =	vadd.f32 $1.000000000e+00, v19;
	(erf) = vrcp.f32 v17;
	v51 =	vpop (erf)  }
0x3ca: {  	v17 =	vadd.f32 $1.000000000e+00, v51;
	(erf) = vrcp.f32 v18;
	v52 =	vpop (erf)  }
0x3cb: {  	v18 =	vadd.f32 $1.000000000e+00, v52;
	(erf) = vrcp.f32 v19;
	v53 =	vpop (erf)  }
0x3cc: {  	v19 =	vadd.f32 $1.000000000e+00, v53;
	(erf) = vrcp.f32 v17;
	v54 =	vpop (erf)  }
0x3cd: {  	v17 =	vadd.f32 $1.000000000e+00, v54;
	(erf) = vrcp.f32 v18  }
0x3ce: {  	(erf) = vrcp.f32 v19  }
0x3cf: {  	(erf) = vrcp.f32 v17;
	_ =	sdelay $0x1  }
0x3d0: {  	v55 =	vpop (erf)  }
0x3d1: {  	v10 =	vmul.f32 v55, v10;
	v56 =	vpop (erf)  }
0x3d2: {  	v9 =	vmul.f32 v56, v9;
	v57 =	vpop (erf)  }
0x3d3: {  	[tilespmem:v5+s9+$0x0] =	vst.idx.add.f32.msk $0xffff, v10;
	v14 =	vmul.f32 v57, v14;
	v58 =	vpop (erf)  }
0x3d4: {  	v59 =	vmul.f32 v58, v12;
	v60 =	vpop (erf);
	[tilespmem:v1+s9+$0x0] =	vst.idx.add.f32.msk $0xffff, v9  }
0x3d5: {  	v1 =	vmul.f32 v60, v13;
	v61 =	vpop (erf);
	[tilespmem:v2+s9+$0x0] =	vst.idx.add.f32.msk $0xffff, v14  }
0x3d6: {  	v2 =	vmul.f32 v61, v15;
	v62 =	vpop (erf);
	[tilespmem:v3+s9+$0x0] =	vst.idx.add.f32.msk $0xffff, v59  }
0x3d7: {  	v3 =	vmul.f32 v62, v16;
	v63 =	vpop (erf);
	[tilespmem:v4+s9+$0x0] =	vst.idx.add.f32.msk $0xffff, v1  }
0x3d8: {  	v1 =	vmul.f32 v63, v11;
	[tilespmem:v6+s9+$0x0] =	vst.idx.add.f32.msk $0xffff, v2  }
0x3d9: {  	[tilespmem:v7+s9+$0x0] =	vst.idx.add.f32.msk $0xffff, v3  }
0x3da: {  	[tilespmem:v8+s9+$0x0] =	vst.idx.add.f32.msk $0xffff, v1  }
.LBB2_30:
0x3db: {  	s13 =	sshra.s32 s17, $0x2  }
0x3dc: {  	v1 =	vld [tilespmem:s13+$0x26C0];
	_ =	sdelay $0x4  }
0x3dd: {  	v2 =	vand.u32 $0xFFFF, v1  }
0x3de: {  	v1 =	vshrl.u32 v1, $0x10;
	_ =	sdelay $0x3  }
0x3df: {  	v3 =	vld.idx.msk [tilespmem:v2+s31+$0x0], $0xffff  }
0x3e0: {  	v4 =	vld.idx.msk [tilespmem:v1+s1+$0x0], $0xffff;
	_ =	sdelay $0x1  }
0x3e1: {  	v5 =	vld [tilespmem:s13+$0xC640];
	_ =	sdelay $0x2  }
0x3e2: {  	v3 =	vadd.f32 v4, v3;
	_ =	sdelay $0x1  }
0x3e3: {  	v3 =	vadd.f32 v5, v3;
	_ =	sdelay $0x1  }
0x3e4: {  	v3 =	vsub.f32 $0.0e+00, v3;
	_ =	sdelay $0x1  }
0x3e5: {  	v3 =	vmul.f32 $1.442695020e+00, v3;
	_ =	sdelay $0x1  }
0x3e6: {  	(erf) = vpow2.f32 v3;
	_ =	sdelay $0x8  }
0x3e7: {  	v3 =	vpop (erf)  }
0x3e8: {  	v3 =	vadd.f32 $1.000000000e+00, v3;
	_ =	sdelay $0x1  }
0x3e9: {  	(erf) = vrcp.f32 v3;
	_ =	sdelay $0x4  }
0x3ea: {  	v1 =	vld.idx.msk [tilespmem:v1+s0+$0x0], $0xffff;
	_ =	sdelay $0x1  }
0x3eb: {  	p0 =	sne.s32 s17, $0x100  }
.Ltmp14:
0x3ec: {  	_ = 	snop;
	(pc) =	sbr.rel @p0 .LBB2_30-.Ltmp14, $3  }
0x3ed: {  	v3 =	vpop (erf)  }
0x3ee: {  	v1 =	vmul.f32 v3, v1;
	_ =	sdelay $0x1  }
0x3ef: {  	s17 =	sadd.s32 $0x40, s17;
	[tilespmem:v2+s9+$0x0] =	vst.idx.add.f32.msk $0xffff, v1  }
0x3f0: {  	s12 =	sadd.s32 $0x1, s12  }
0x3f1: {  	p0 =	sne.s32 s12, s30  }
.Ltmp15:
0x3f2: {  	_ = 	snop;
	(pc) =	sbr.rel @p0 .LBB2_1-.Ltmp15, $4  }
0x3f3: {  	[hbm4b:s29+s2] =	stream.linear.scatter [tilespmem:s9], [sflag:$0x4], $0x2800, $0x38;
	[tilespmem:$0x18E80] =	vst v63  }
0x3f4: {  	_ =	swait.ge [sflag:s10], $0x2800  }
0x3f5: {  	[sflag:s10] =	ssyncset.done $0x0  }
0x3f6: {  	[sflag:s10] =	ssyncadd.s32 $0xFFFFD800  }
0x3f7: {  	_ =	sfence.sel $0x180000  }
0x3f8: {  	[bflag:$0x0] =	sbarrier.arrive $0xFFFF  }
0x3f9: {  	_ =	strace $0x90000047  }
0x3fa: {  	s0 =	stileid.u32;
	[bflag:$0x2] =	sbarrier.arrive $0xFFFF  }
0x3fb: {  	p0 =	sne.s32 s0, $0x0;
	s0 =	rddreg [dreg:$0x1]  }
0x3fc: {  	s0 =	sadd.s32 @!p0 $0x100000, s0  }
0x3fd: {  	[sflag:s0] =	ssyncadd.tile.s32 @!p0 $0x1;
	_ =	shalt  }
.Lfunc_end2:
_tile_overlayer_lowered:
.L_overlay_start_2:
0x3fe: {  	(tag) =	ssettag $0x2  }
0x3ff: {  	s0 =	rddreg [dreg:$0x0];
	s2 =	stileid.u32  }
0x400: {  	s1 =	rddreg [dreg:$0x1];
	p0 =	sne.s32 s2, $0x0  }
0x401: {  	s3 =	rddreg [dreg:$0x2];
	[bflag:$0x3] =	sbarrier.arrive $0xFFFF;
	s2 =	simm.s32 @!p0 $0x1C04  }
0x402: {  	[timem:s3], [sflag:s2] =	dma.local @!p0 [hbm:s0], s1  }
0x403: {  	s0 =	simm.s32 @!p0 $0x4  }
0x404: {  	_ =	swait.ge @!p0 [sflag:s0], s1  }
0x405: {  	s1 =	ssub.s32 @!p0 $0x0, s1;
	[sflag:s0] =	ssyncset.done @!p0 $0x0  }
0x406: {  	[sflag:s0] =	ssyncadd.s32 @!p0 s1  }
0x407: {  	[bflag:$0x3] =	sbarrier.arrive $0xFFFF  }
0x408: {  	_ =	shalt  }

</sc_bundles>
